<compile_context>
chip_gen: v7x
topology: tpu7x:2x2x1
jax: 0.10.2.dev20260603
libtpu: 0.0.44.dev20260713+nightly
codegen_flags: <defaults>
</compile_context>

<pallas_src>
import functools

import jax
import jax.numpy as jnp
from jax import lax
from jax.experimental import pallas as pl
from jax.experimental.pallas import tpu as pltpu
from jax.experimental.pallas import tpu_sc as plsc

_RADIUS = 2
_TOP_K = 4096
_NMS_R = 3
_H = 512
_W = 512
_HALF = _H // 2

_N_SUB = 16
_SEG = (_H * _W) // _N_SUB
_LANE_SEG = _SEG // 16
_CAPL = 96
_CAP = 16 * _CAPL
_FILL = (_RADIUS + 1) * _W


def _shift_max(a, r, axis):
    n = a.shape[axis]
    idx = lax.broadcasted_iota(jnp.int32, a.shape, axis)
    out = a
    for d in range(1, r + 1):
        up = jnp.roll(a, -d, axis=axis)
        up = jnp.where(idx < n - d, up, -jnp.inf)
        dn = jnp.roll(a, d, axis=axis)
        dn = jnp.where(idx >= d, dn, -jnp.inf)
        out = jnp.maximum(out, jnp.maximum(up, dn))
    return out


def _pool(a, r):
    return _shift_max(_shift_max(a, r, 0), r, 1)


def _nms_body(x_ref, o_ref):
    half = pl.program_id(1)
    s = x_ref[0, 0]
    mp = _pool(s, _NMS_R)
    max_mask = s == mp
    for _ in range(2):
        supp_mask = _pool(max_mask.astype(jnp.float32), _NMS_R) > 0
        supp_scores = jnp.where(supp_mask, 0.0, s)
        new_max = supp_scores == _pool(supp_scores, _NMS_R)
        max_mask = max_mask | (new_max & (~supp_mask))
    out = jnp.where(max_mask, s, 0.0)
    row = lax.broadcasted_iota(jnp.int32, s.shape, 0) + half * _HALF
    col = lax.broadcasted_iota(jnp.int32, s.shape, 1)
    keep = ((row > _RADIUS) & (row < _H - _RADIUS)
            & (col > _RADIUS) & (col < _W - _RADIUS))
    o_ref[0] = jnp.where(keep, out, 0.0)


def _nms_pallas(scores_map):
    b = scores_map.shape[0]
    return pl.pallas_call(
        _nms_body,
        grid=(b, 2),
        in_specs=[pl.BlockSpec((1, 1, _HALF, _W), lambda i, j: (i, 0, j, 0))],
        out_specs=pl.BlockSpec((1, _HALF, _W), lambda i, j: (i, j, 0)),
        out_shape=jax.ShapeDtypeStruct((b, _H, _W), jnp.float32),
    )(scores_map)


def _compact_body(nms_hbm, vals_hbm, idx_hbm, buf_v, vals_v, idxs_v):
    c = lax.axis_index("c")
    s = lax.axis_index("s")
    pltpu.sync_copy(nms_hbm.at[c, pl.ds(s * _SEG, _SEG)], buf_v)

    def fill(j, _):
        vals_v[pl.ds(j * 16, 16)] = jnp.full((16,), -1.0, jnp.float32)
        idxs_v[pl.ds(j * 16, 16)] = jnp.zeros((16,), jnp.int32)
        return 0

    lax.fori_loop(0, (_CAP + 16) // 16, fill, 0)
    lane = lax.iota(jnp.int32, 16)
    one = jnp.full((16,), 1, jnp.int32)
    zero = jnp.zeros((16,), jnp.int32)
    lane_base = lane * _CAPL
    gbase = lane * _LANE_SEG
    base0 = s * _SEG

    def step(i, cnt):
        gidx = gbase + i
        v = plsc.load_gather(buf_v, [gidx])
        fidx = base0 + gidx
        m = v != 0.0
        dst = jnp.where(m & (cnt < _CAPL), lane_base + cnt, _CAP)
        plsc.store_scatter(vals_v, [dst], v)
        plsc.store_scatter(idxs_v, [dst], fidx)
        return cnt + jnp.where(m, one, zero)

    lax.fori_loop(0, _LANE_SEG, step, zero)
    pltpu.sync_copy(vals_v.at[pl.ds(0, _CAP)], vals_hbm.at[c, s])
    pltpu.sync_copy(idxs_v.at[pl.ds(0, _CAP)], idx_hbm.at[c, s])


def _compact_sc(nms_flat):
    b = nms_flat.shape[0]
    run = functools.partial(
        pl.kernel,
        mesh=plsc.VectorSubcoreMesh(core_axis_name="c", subcore_axis_name="s"),
        compiler_params=pltpu.CompilerParams(needs_layout_passes=False),
        out_type=(
            jax.ShapeDtypeStruct((b, _N_SUB, _CAP), jnp.float32),
            jax.ShapeDtypeStruct((b, _N_SUB, _CAP), jnp.int32),
        ),
        scratch_types=[
            pltpu.VMEM((_SEG,), jnp.float32),
            pltpu.VMEM((_CAP + 16,), jnp.float32),
            pltpu.VMEM((_CAP + 16,), jnp.int32),
        ],
    )(_compact_body)
    return run(nms_flat)


_N_KPT = _TOP_K
_CH = 96
_CH_PER_SUB = _CH // _N_SUB


def _desc_gather_body(dm_hbm, idx_hbm, out_hbm, idx_v, absidx_v, row_v, sem):
    c = lax.axis_index("c")
    s = lax.axis_index("s")
    pltpu.sync_copy(idx_hbm.at[c], idx_v)
    for ch in range(_CH_PER_SUB):
        chan = s * _CH_PER_SUB + ch
        base = (c * _CH + chan) * (_H * _W)

        def add(j, _):
            absidx_v[pl.ds(j * 16, 16)] = idx_v[pl.ds(j * 16, 16)] + base
            return 0

        lax.fori_loop(0, _N_KPT // 16, add, 0)
        pltpu.async_copy(dm_hbm.at[absidx_v], row_v, sem).wait()
        pltpu.sync_copy(row_v, out_hbm.at[c, chan])


def _desc_gather_sc(dm_flat, gidx):
    b = gidx.shape[0]
    run = functools.partial(
        pl.kernel,
        mesh=plsc.VectorSubcoreMesh(core_axis_name="c", subcore_axis_name="s"),
        compiler_params=pltpu.CompilerParams(needs_layout_passes=False),
        out_type=jax.ShapeDtypeStruct((b, _CH, _N_KPT), jnp.float32),
        scratch_types=[
            pltpu.VMEM((_N_KPT,), jnp.int32),
            pltpu.VMEM((_N_KPT,), jnp.int32),
            pltpu.VMEM((_N_KPT,), jnp.float32),
            pltpu.SemaphoreType.DMA,
        ],
    )(_desc_gather_body)
    return run(dm_flat, gidx)


def _grid_sample_bilinear(img, kxy):
    H, W = img.shape
    x = (kxy[:, 0] + 1.0) * 0.5 * (W - 1)
    y = (kxy[:, 1] + 1.0) * 0.5 * (H - 1)
    x0 = jnp.floor(x)
    y0 = jnp.floor(y)
    wx1 = x - x0
    wx0 = 1.0 - wx1
    wy1 = y - y0
    wy0 = 1.0 - wy1
    x0i = jnp.clip(x0, 0, W - 1).astype(jnp.int32)
    x1i = jnp.clip(x0 + 1, 0, W - 1).astype(jnp.int32)
    y0i = jnp.clip(y0, 0, H - 1).astype(jnp.int32)
    y1i = jnp.clip(y0 + 1, 0, H - 1).astype(jnp.int32)
    return (wy0 * wx0 * img[y0i, x0i] + wy0 * wx1 * img[y0i, x1i]
            + wy1 * wx0 * img[y1i, x0i] + wy1 * wx1 * img[y1i, x1i])


def kernel(scores_map, descriptor_map):
    b, _, h, w = scores_map.shape
    nms = _nms_pallas(scores_map)
    cvals, cidx = _compact_sc(nms.reshape(b, -1))
    fill_v = jnp.zeros((b, _FILL), jnp.float32)
    fill_i = jnp.broadcast_to(jnp.arange(_FILL, dtype=jnp.int32), (b, _FILL))
    allv = jnp.concatenate([fill_v, cvals.reshape(b, -1)], axis=1)
    alli = jnp.concatenate([fill_i, cidx.reshape(b, -1)], axis=1)
    _, srt = lax.sort((-allv, alli), dimension=1, num_keys=1, is_stable=True)
    idx = srt[:, :_TOP_K]
    kx = (idx % w).astype(jnp.float32)
    ky = (idx // w).astype(jnp.float32)
    kxy = jnp.stack([kx, ky], axis=-1)
    denom = jnp.array([w - 1, h - 1], dtype=jnp.float32)
    kxy = kxy / denom * 2.0 - 1.0
    kptscores = jax.vmap(_grid_sample_bilinear)(scores_map[:, 0], kxy)

    B, C, H, W = descriptor_map.shape
    scale = jnp.array([W - 1, H - 1], dtype=jnp.float32)
    ki = ((kxy + 1.0) / 2.0 * scale).astype(jnp.int32)
    gidx = ki[:, :, 1] * W + ki[:, :, 0]
    d = _desc_gather_sc(descriptor_map.reshape(-1), gidx)
    n = jnp.sqrt(jnp.sum(d * d, axis=1, keepdims=True))
    d = d / jnp.maximum(n, 1e-12)
    descriptors = jnp.transpose(d, (0, 2, 1))
    return kxy, descriptors, kptscores

# --- scband reference (transcript-rebuilt; emitter-appended) ---
"""Pipeline reference for scband-dkd-19250043421298 (READ-ONLY COPY).

The authoritative reference and input builder live on the scoring server;
editing this copy changes nothing except your own understanding.
"""

import jax, jax.numpy as jnp
import numpy as np
from jax import lax

RADIUS = 2
TOP_K = 4096

def _max_pool(x, r):
    k = 2 * r + 1
    return lax.reduce_window(x, -jnp.inf, lax.max, (1, 1, k, k), (1, 1, 1, 1), [(0, 0), (0, 0), (r, r), (r, r)])

def _max_pool_parallel(x, r):
    # faithful to the torch code: split H into two halves, pool each independently
    # (max_pool2d implicit -inf padding at the split boundary), then concat
    half = x.shape[2] // 2
    a = _max_pool(x[:, :, :half, :], r)
    b = _max_pool(x[:, :, half:, :], r)
    return jnp.concatenate([a, b], axis=2)

def _simple_nms(scores, r):
    zeros = jnp.zeros_like(scores)
    max_mask = scores == _max_pool_parallel(scores, r)
    for _ in range(2):
        supp_mask = _max_pool_parallel(max_mask.astype(scores.dtype), r) > 0
        supp_scores = jnp.where(supp_mask, zeros, scores)
        new_max_mask = supp_scores == _max_pool_parallel(supp_scores, r)
        max_mask = max_mask | (new_max_mask & (~supp_mask))
    return jnp.where(max_mask, scores, zeros)

def _grid_sample_bilinear(img, kxy):
    # img: [H, W]; kxy: [N, 2] normalized to [-1, 1]; align_corners=True
    H, W = img.shape
    x = (kxy[:, 0] + 1.0) * 0.5 * (W - 1)
    y = (kxy[:, 1] + 1.0) * 0.5 * (H - 1)
    x0 = jnp.floor(x); y0 = jnp.floor(y)
    wx1 = x - x0; wx0 = 1.0 - wx1
    wy1 = y - y0; wy0 = 1.0 - wy1
    x0i = jnp.clip(x0, 0, W - 1).astype(jnp.int32)
    x1i = jnp.clip(x0 + 1, 0, W - 1).astype(jnp.int32)
    y0i = jnp.clip(y0, 0, H - 1).astype(jnp.int32)
    y1i = jnp.clip(y0 + 1, 0, H - 1).astype(jnp.int32)
    return (wy0 * wx0 * img[y0i, x0i] + wy0 * wx1 * img[y0i, x1i]
            + wy1 * wx0 * img[y1i, x0i] + wy1 * wx1 * img[y1i, x1i])

def _detect_keypoints(scores_map, radius, top_k):
    b, c, h, w = scores_map.shape
    scores_nograd = lax.stop_gradient(scores_map)
    nms = _simple_nms(scores_nograd, 3)
    nms = nms.at[:, :, :radius + 1, :].set(0.0)
    nms = nms.at[:, :, :, :radius + 1].set(0.0)
    nms = nms.at[:, :, h - radius:, :].set(0.0)
    nms = nms.at[:, :, :, w - radius:].set(0.0)
    flat = nms.reshape(b, -1)
    _, idx = lax.top_k(flat, top_k)
    kx = (idx % w).astype(jnp.float32)
    ky = (idx // w).astype(jnp.float32)
    kxy = jnp.stack([kx, ky], axis=-1)
    denom = jnp.array([w - 1, h - 1], dtype=jnp.float32)
    kxy = kxy / denom * 2.0 - 1.0
    kptscores = jax.vmap(_grid_sample_bilinear)(scores_map[:, 0], kxy)
    return kxy, kptscores

def _sample_descriptor(descriptor_map, kpts):
    # nearest-neighbor sampling (bilinear_interp=False path) + L2 normalize over channel dim
    B, C, H, W = descriptor_map.shape
    scale = jnp.array([W - 1, H - 1], dtype=jnp.float32)
    def one(dm, k):
        ki = ((k + 1.0) / 2.0 * scale).astype(jnp.int32)
        d = dm[:, ki[:, 1], ki[:, 0]]  # [C, N]
        n = jnp.sqrt(jnp.sum(d * d, axis=0, keepdims=True))
        d = d / jnp.maximum(n, 1e-12)
        return d.T  # [N, C]
    return jax.vmap(one)(descriptor_map, kpts)

def setup_inputs(seed: int = 0):
    key = jax.random.key(seed)
    k1, k2 = jax.random.split(key)
    scores_map = jax.random.uniform(k1, (2, 1, 512, 512), dtype=jnp.float32)
    descriptor_map = jax.random.normal(k2, (2, 96, 512, 512), dtype=jnp.float32)
    return {"scores_map": scores_map, "descriptor_map": descriptor_map}

def reference(scores_map, descriptor_map):
    keypoints, kptscores = _detect_keypoints(scores_map, RADIUS, TOP_K)
    descriptors = _sample_descriptor(descriptor_map, keypoints)
    return keypoints, descriptors, kptscores

if __name__ == "__main__":
    import jax
    _d = setup_inputs()
    print(jax.jit(kernel)(*tuple(_d.values())))

</pallas_src>

<mosaic_0001>
#map = affine_map<(d0, d1) -> (0, 0)>
#map1 = affine_map<(d0, d1) -> (0, 0, 0)>
module attributes {stable_mosaic.version = 14 : i64} {
  func.func @_compact_body(%arg0: i32, %arg1: i32, %arg2: memref<2x262144xf32, #tpu.memory_space<hbm>>, %arg3: memref<2x16x1536xf32, #tpu.memory_space<hbm>>, %arg4: memref<2x16x1536xi32, #tpu.memory_space<hbm>>, %arg5: memref<16384xf32, #tpu.memory_space<vmem>>, %arg6: memref<1552xf32, #tpu.memory_space<vmem>>, %arg7: memref<1552xi32, #tpu.memory_space<vmem>>) attributes {dimension_semantics = [#tpu.dimension_semantics<core_parallel>, #tpu.dimension_semantics<subcore_parallel>], iteration_bounds = array<i64: 2, 16>, scalar_prefetch = 0 : i64, scratch_operands = 3 : i64, tpu.core_type = #tpu.core_type<sc_vector_subcore>, window_params = [{transform_indices = #map}, {transform_indices = #map1}, {transform_indices = #map1}]} {
    %mul3A = arith.constant 16384 : i32
    %mul3A_0 = arith.muli %arg1, %mul3A : i32
    "tpu.region"() ({
      %run_scoped3A = tpu.sem_alloc : memref<!tpu.dma_semaphore, #tpu.memory_space<semaphore_mem>>
      %dma_start3A = tpu.memref_slice %arg2[%arg0, %mul3A_0] : memref<2x262144xf32, #tpu.memory_space<hbm>> -> memref<1x16384xf32, #tpu.memory_space<hbm>>
      %dma_start3A_24 = tpu.memref_squeeze %dma_start3A : memref<1x16384xf32, #tpu.memory_space<hbm>> -> memref<16384xf32, #tpu.memory_space<hbm>>
      %dma_start3A_25 = tpu.memref_slice %arg2[%arg0, %mul3A_0] : memref<2x262144xf32, #tpu.memory_space<hbm>> -> memref<1x16384xf32, #tpu.memory_space<hbm>>
      %dma_start3A_26 = tpu.memref_squeeze %dma_start3A_25 : memref<1x16384xf32, #tpu.memory_space<hbm>> -> memref<16384xf32, #tpu.memory_space<hbm>>
      tpu.enqueue_dma source(%dma_start3A_26 : memref<16384xf32, #tpu.memory_space<hbm>>) target(%arg5 : memref<16384xf32, #tpu.memory_space<vmem>>) target_semaphore(%run_scoped3A : memref<!tpu.dma_semaphore, #tpu.memory_space<semaphore_mem>>)
      %dma_wait3A = tpu.memref_slice %arg2[%arg0, %mul3A_0] : memref<2x262144xf32, #tpu.memory_space<hbm>> -> memref<1x16384xf32, #tpu.memory_space<hbm>>
      %dma_wait3A_27 = tpu.memref_squeeze %dma_wait3A : memref<1x16384xf32, #tpu.memory_space<hbm>> -> memref<16384xf32, #tpu.memory_space<hbm>>
      %dma_wait3A_28 = tpu.memref_slice %arg2[%arg0, %mul3A_0] : memref<2x262144xf32, #tpu.memory_space<hbm>> -> memref<1x16384xf32, #tpu.memory_space<hbm>>
      %dma_wait3A_29 = tpu.memref_squeeze %dma_wait3A_28 : memref<1x16384xf32, #tpu.memory_space<hbm>> -> memref<16384xf32, #tpu.memory_space<hbm>>
      tpu.wait_dma2 semaphore(%run_scoped3A : memref<!tpu.dma_semaphore, #tpu.memory_space<semaphore_mem>>) src(%dma_wait3A_29 : memref<16384xf32, #tpu.memory_space<hbm>>) dst(%arg5 : memref<16384xf32, #tpu.memory_space<vmem>>)
      tpu.yield
    }) : () -> ()
    %scan3A = arith.constant 0 : i32
    %scan3A_1 = arith.constant 0 : i32
    %scan3A_2 = arith.constant 97 : i32
    %scan3A_3 = arith.addi %scan3A_1, %scan3A_2 : i32
    %scan3A_4 = arith.constant 1 : i32
    %scan3A_5 = scf.for %scan3A_24 = %scan3A_1 to %scan3A_3 step %scan3A_4 iter_args(%scan3A_25 = %scan3A) -> (i32)  : i32 {
      %broadcast_in_dim3A_26 = arith.constant -1.000000e+00 : f32
      %broadcast_in_dim3A_27 = vector.broadcast %broadcast_in_dim3A_26 : f32 to vector<16xf32>
      %mul3A_28 = arith.constant 16 : i32
      %mul3A_29 = arith.muli %scan3A_24, %mul3A_28 : i32
      %swap3A = arith.index_cast %mul3A_29 : i32 to index
      %swap3A_30 = tpu.vector_load %arg6[%swap3A] {strides = array<i32>} : memref<1552xf32, #tpu.memory_space<vmem>>, vector<16xf32>,
      tpu.vector_store %arg6[%swap3A], %broadcast_in_dim3A_27 {strides = array<i32>} : memref<1552xf32, #tpu.memory_space<vmem>>, vector<16xf32>,
      %broadcast_in_dim3A_31 = arith.constant 0 : i32
      %broadcast_in_dim3A_32 = vector.broadcast %broadcast_in_dim3A_31 : i32 to vector<16xi32>
      %mul3A_33 = arith.constant 16 : i32
      %mul3A_34 = arith.muli %scan3A_24, %mul3A_33 : i32
      %swap3A_35 = arith.index_cast %mul3A_34 : i32 to index
      %swap3A_36 = tpu.vector_load %arg7[%swap3A_35] {strides = array<i32>} : memref<1552xi32, #tpu.memory_space<vmem>>, vector<16xi32>,
      tpu.vector_store %arg7[%swap3A_35], %broadcast_in_dim3A_32 {strides = array<i32>} : memref<1552xi32, #tpu.memory_space<vmem>>, vector<16xi32>,
      %scan3A_37 = arith.constant 0 : i32
      scf.yield %scan3A_37 : i32
    }
    %scan3A_6 = arith.constant 97 : i32
    %iota3A = tpu.iota {dimensions = array<i32: 0>} : vector<16xi32>
    %broadcast_in_dim3A = arith.constant 1 : i32
    %broadcast_in_dim3A_7 = vector.broadcast %broadcast_in_dim3A : i32 to vector<16xi32>
    %broadcast_in_dim3A_8 = arith.constant 0 : i32
    %broadcast_in_dim3A_9 = vector.broadcast %broadcast_in_dim3A_8 : i32 to vector<16xi32>
    %mul3A_10 = arith.constant 96 : i32
    %mul3A_11 = vector.broadcast %mul3A_10 : i32 to vector<16xi32>
    %mul3A_12 = arith.muli %iota3A, %mul3A_11 : vector<16xi32>
    %mul3A_13 = arith.constant 1024 : i32
    %mul3A_14 = vector.broadcast %mul3A_13 : i32 to vector<16xi32>
    %mul3A_15 = arith.muli %iota3A, %mul3A_14 : vector<16xi32>
    %mul3A_16 = arith.constant 16384 : i32
    %mul3A_17 = arith.muli %arg1, %mul3A_16 : i32
    %scan3A_18 = arith.constant 0 : i32
    %scan3A_19 = arith.constant 1024 : i32
    %scan3A_20 = arith.addi %scan3A_18, %scan3A_19 : i32
    %scan3A_21 = arith.constant 1 : i32
    %scan3A_22 = scf.for %scan3A_24 = %scan3A_18 to %scan3A_20 step %scan3A_21 iter_args(%scan3A_25 = %broadcast_in_dim3A_9) -> (vector<16xi32>)  : i32 {
      %add3A = vector.broadcast %scan3A_24 : i32 to vector<16xi32>
      %add3A_26 = arith.addi %mul3A_15, %add3A : vector<16xi32>
      %gather3A = tpu.vector_load_idx %arg5[%add3A_26] : memref<16384xf32, #tpu.memory_space<vmem>>[vector<16xi32>], vector<16xf32>,
      %add3A_27 = vector.broadcast %mul3A_17 : i32 to vector<16xi32>
      %add3A_28 = arith.addi %add3A_27, %add3A_26 : vector<16xi32>
      %ne3A = arith.constant 0.000000e+00 : f32
      %ne3A_29 = vector.broadcast %ne3A : f32 to vector<16xf32>
      %ne3A_30 = arith.cmpf one, %gather3A, %ne3A_29 : vector<16xf32>
      %lt3A = arith.constant 96 : i32
      %lt3A_31 = vector.broadcast %lt3A : i32 to vector<16xi32>
      %lt3A_32 = arith.cmpi slt, %scan3A_25, %lt3A_31 : vector<16xi32>
      %and3A = arith.andi %ne3A_30, %lt3A_32 : vector<16xi1>
      %add3A_33 = arith.addi %mul3A_12, %scan3A_25 : vector<16xi32>
      %jit3A = arith.constant 1536 : i32
      %broadcast_in_dim3A_34 = vector.broadcast %jit3A : i32 to vector<16xi32>
      %select_n3A = arith.select %and3A, %add3A_33, %broadcast_in_dim3A_34 : vector<16xi1>, vector<16xi32>
      tpu.vector_store_idx %arg6[%select_n3A], %gather3A : memref<1552xf32, #tpu.memory_space<vmem>>[vector<16xi32>], vector<16xf32>,
      tpu.vector_store_idx %arg7[%select_n3A], %add3A_28 : memref<1552xi32, #tpu.memory_space<vmem>>[vector<16xi32>], vector<16xi32>,
      %select_n3A_35 = arith.select %ne3A_30, %broadcast_in_dim3A_7, %broadcast_in_dim3A_9 : vector<16xi1>, vector<16xi32>
      %add3A_36 = arith.addi %scan3A_25, %select_n3A_35 : vector<16xi32>
      scf.yield %add3A_36 : vector<16xi32>
    }
    %scan3A_23 = arith.constant 1024 : i32
    "tpu.region"() ({
      %run_scoped3A = tpu.sem_alloc : memref<!tpu.dma_semaphore, #tpu.memory_space<semaphore_mem>>
      %dma_start3A = arith.constant 0 : i32
      %dma_start3A_24 = tpu.memref_slice %arg6[%dma_start3A] : memref<1552xf32, #tpu.memory_space<vmem>> -> memref<1536xf32, #tpu.memory_space<vmem>>
      %dma_start3A_25 = arith.constant 0 : i32
      %dma_start3A_26 = tpu.memref_slice %arg3[%arg0, %arg1, %dma_start3A_25] : memref<2x16x1536xf32, #tpu.memory_space<hbm>> -> memref<1x1x1536xf32, #tpu.memory_space<hbm>>
      %dma_start3A_27 = tpu.memref_squeeze %dma_start3A_26 : memref<1x1x1536xf32, #tpu.memory_space<hbm>> -> memref<1536xf32, #tpu.memory_space<hbm>>
      %dma_start3A_28 = arith.constant 0 : i32
      %dma_start3A_29 = tpu.memref_slice %arg3[%arg0, %arg1, %dma_start3A_28] : memref<2x16x1536xf32, #tpu.memory_space<hbm>> -> memref<1x1x1536xf32, #tpu.memory_space<hbm>>
      %dma_start3A_30 = tpu.memref_squeeze %dma_start3A_29 : memref<1x1x1536xf32, #tpu.memory_space<hbm>> -> memref<1536xf32, #tpu.memory_space<hbm>>
      %dma_start3A_31 = arith.constant 0 : i32
      %dma_start3A_32 = tpu.memref_slice %arg6[%dma_start3A_31] : memref<1552xf32, #tpu.memory_space<vmem>> -> memref<1536xf32, #tpu.memory_space<vmem>>
      tpu.enqueue_dma source(%dma_start3A_32 : memref<1536xf32, #tpu.memory_space<vmem>>) target(%dma_start3A_30 : memref<1536xf32, #tpu.memory_space<hbm>>) target_semaphore(%run_scoped3A : memref<!tpu.dma_semaphore, #tpu.memory_space<semaphore_mem>>)
      %dma_wait3A = arith.constant 0 : i32
      %dma_wait3A_33 = tpu.memref_slice %arg6[%dma_wait3A] : memref<1552xf32, #tpu.memory_space<vmem>> -> memref<1536xf32, #tpu.memory_space<vmem>>
      %dma_wait3A_34 = arith.constant 0 : i32
      %dma_wait3A_35 = tpu.memref_slice %arg3[%arg0, %arg1, %dma_wait3A_34] : memref<2x16x1536xf32, #tpu.memory_space<hbm>> -> memref<1x1x1536xf32, #tpu.memory_space<hbm>>
      %dma_wait3A_36 = tpu.memref_squeeze %dma_wait3A_35 : memref<1x1x1536xf32, #tpu.memory_space<hbm>> -> memref<1536xf32, #tpu.memory_space<hbm>>
      %dma_wait3A_37 = arith.constant 0 : i32
      %dma_wait3A_38 = tpu.memref_slice %arg3[%arg0, %arg1, %dma_wait3A_37] : memref<2x16x1536xf32, #tpu.memory_space<hbm>> -> memref<1x1x1536xf32, #tpu.memory_space<hbm>>
      %dma_wait3A_39 = tpu.memref_squeeze %dma_wait3A_38 : memref<1x1x1536xf32, #tpu.memory_space<hbm>> -> memref<1536xf32, #tpu.memory_space<hbm>>
      %dma_wait3A_40 = arith.constant 0 : i32
      %dma_wait3A_41 = tpu.memref_slice %arg6[%dma_wait3A_40] : memref<1552xf32, #tpu.memory_space<vmem>> -> memref<1536xf32, #tpu.memory_space<vmem>>
      tpu.wait_dma2 semaphore(%run_scoped3A : memref<!tpu.dma_semaphore, #tpu.memory_space<semaphore_mem>>) src(%dma_wait3A_41 : memref<1536xf32, #tpu.memory_space<vmem>>) dst(%dma_wait3A_39 : memref<1536xf32, #tpu.memory_space<hbm>>)
      tpu.yield
    }) : () -> ()
    "tpu.region"() ({
      %run_scoped3A = tpu.sem_alloc : memref<!tpu.dma_semaphore, #tpu.memory_space<semaphore_mem>>
      %dma_start3A = arith.constant 0 : i32
      %dma_start3A_24 = tpu.memref_slice %arg7[%dma_start3A] : memref<1552xi32, #tpu.memory_space<vmem>> -> memref<1536xi32, #tpu.memory_space<vmem>>
      %dma_start3A_25 = arith.constant 0 : i32
      %dma_start3A_26 = tpu.memref_slice %arg4[%arg0, %arg1, %dma_start3A_25] : memref<2x16x1536xi32, #tpu.memory_space<hbm>> -> memref<1x1x1536xi32, #tpu.memory_space<hbm>>
      %dma_start3A_27 = tpu.memref_squeeze %dma_start3A_26 : memref<1x1x1536xi32, #tpu.memory_space<hbm>> -> memref<1536xi32, #tpu.memory_space<hbm>>
      %dma_start3A_28 = arith.constant 0 : i32
      %dma_start3A_29 = tpu.memref_slice %arg4[%arg0, %arg1, %dma_start3A_28] : memref<2x16x1536xi32, #tpu.memory_space<hbm>> -> memref<1x1x1536xi32, #tpu.memory_space<hbm>>
      %dma_start3A_30 = tpu.memref_squeeze %dma_start3A_29 : memref<1x1x1536xi32, #tpu.memory_space<hbm>> -> memref<1536xi32, #tpu.memory_space<hbm>>
      %dma_start3A_31 = arith.constant 0 : i32
      %dma_start3A_32 = tpu.memref_slice %arg7[%dma_start3A_31] : memref<1552xi32, #tpu.memory_space<vmem>> -> memref<1536xi32, #tpu.memory_space<vmem>>
      tpu.enqueue_dma source(%dma_start3A_32 : memref<1536xi32, #tpu.memory_space<vmem>>) target(%dma_start3A_30 : memref<1536xi32, #tpu.memory_space<hbm>>) target_semaphore(%run_scoped3A : memref<!tpu.dma_semaphore, #tpu.memory_space<semaphore_mem>>)
      %dma_wait3A = arith.constant 0 : i32
      %dma_wait3A_33 = tpu.memref_slice %arg7[%dma_wait3A] : memref<1552xi32, #tpu.memory_space<vmem>> -> memref<1536xi32, #tpu.memory_space<vmem>>
      %dma_wait3A_34 = arith.constant 0 : i32
      %dma_wait3A_35 = tpu.memref_slice %arg4[%arg0, %arg1, %dma_wait3A_34] : memref<2x16x1536xi32, #tpu.memory_space<hbm>> -> memref<1x1x1536xi32, #tpu.memory_space<hbm>>
      %dma_wait3A_36 = tpu.memref_squeeze %dma_wait3A_35 : memref<1x1x1536xi32, #tpu.memory_space<hbm>> -> memref<1536xi32, #tpu.memory_space<hbm>>
      %dma_wait3A_37 = arith.constant 0 : i32
      %dma_wait3A_38 = tpu.memref_slice %arg4[%arg0, %arg1, %dma_wait3A_37] : memref<2x16x1536xi32, #tpu.memory_space<hbm>> -> memref<1x1x1536xi32, #tpu.memory_space<hbm>>
      %dma_wait3A_39 = tpu.memref_squeeze %dma_wait3A_38 : memref<1x1x1536xi32, #tpu.memory_space<hbm>> -> memref<1536xi32, #tpu.memory_space<hbm>>
      %dma_wait3A_40 = arith.constant 0 : i32
      %dma_wait3A_41 = tpu.memref_slice %arg7[%dma_wait3A_40] : memref<1552xi32, #tpu.memory_space<vmem>> -> memref<1536xi32, #tpu.memory_space<vmem>>
      tpu.wait_dma2 semaphore(%run_scoped3A : memref<!tpu.dma_semaphore, #tpu.memory_space<semaphore_mem>>) src(%dma_wait3A_41 : memref<1536xi32, #tpu.memory_space<vmem>>) dst(%dma_wait3A_39 : memref<1536xi32, #tpu.memory_space<hbm>>)
      tpu.yield
    }) : () -> ()
    return
  }
}

#map = affine_map<(d0, d1) -> (0)>
#map1 = affine_map<(d0, d1) -> (0, 0)>
#map2 = affine_map<(d0, d1) -> (0, 0, 0)>
module attributes {stable_mosaic.version = 14 : i64} {
  func.func @_desc_gather_body(%arg0: i32, %arg1: i32, %arg2: memref<50331648xf32, #tpu.memory_space<hbm>>, %arg3: memref<2x4096xi32, #tpu.memory_space<hbm>>, %arg4: memref<2x96x4096xf32, #tpu.memory_space<hbm>>, %arg5: memref<4096xi32, #tpu.memory_space<vmem>>, %arg6: memref<4096xi32, #tpu.memory_space<vmem>>, %arg7: memref<4096xf32, #tpu.memory_space<vmem>>, %arg8: memref<!tpu.dma_semaphore, #tpu.memory_space<semaphore_mem>>) attributes {dimension_semantics = [#tpu.dimension_semantics<core_parallel>, #tpu.dimension_semantics<subcore_parallel>], iteration_bounds = array<i64: 2, 16>, scalar_prefetch = 0 : i64, scratch_operands = 4 : i64, tpu.core_type = #tpu.core_type<sc_vector_subcore>, window_params = [{transform_indices = #map}, {transform_indices = #map1}, {transform_indices = #map2}]} {
    "tpu.region"() ({
      %run_scoped3A = tpu.sem_alloc : memref<!tpu.dma_semaphore, #tpu.memory_space<semaphore_mem>>
      %dma_start3A_115 = arith.constant 0 : i32
      %dma_start3A_116 = tpu.memref_slice %arg3[%arg0, %dma_start3A_115] : memref<2x4096xi32, #tpu.memory_space<hbm>> -> memref<1x4096xi32, #tpu.memory_space<hbm>>
      %dma_start3A_117 = tpu.memref_squeeze %dma_start3A_116 : memref<1x4096xi32, #tpu.memory_space<hbm>> -> memref<4096xi32, #tpu.memory_space<hbm>>
      %dma_start3A_118 = arith.constant 0 : i32
      %dma_start3A_119 = tpu.memref_slice %arg3[%arg0, %dma_start3A_118] : memref<2x4096xi32, #tpu.memory_space<hbm>> -> memref<1x4096xi32, #tpu.memory_space<hbm>>
      %dma_start3A_120 = tpu.memref_squeeze %dma_start3A_119 : memref<1x4096xi32, #tpu.memory_space<hbm>> -> memref<4096xi32, #tpu.memory_space<hbm>>
      tpu.enqueue_dma source(%dma_start3A_120 : memref<4096xi32, #tpu.memory_space<hbm>>) target(%arg5 : memref<4096xi32, #tpu.memory_space<vmem>>) target_semaphore(%run_scoped3A : memref<!tpu.dma_semaphore, #tpu.memory_space<semaphore_mem>>)
      %dma_wait3A_121 = arith.constant 0 : i32
      %dma_wait3A_122 = tpu.memref_slice %arg3[%arg0, %dma_wait3A_121] : memref<2x4096xi32, #tpu.memory_space<hbm>> -> memref<1x4096xi32, #tpu.memory_space<hbm>>
      %dma_wait3A_123 = tpu.memref_squeeze %dma_wait3A_122 : memref<1x4096xi32, #tpu.memory_space<hbm>> -> memref<4096xi32, #tpu.memory_space<hbm>>
      %dma_wait3A_124 = arith.constant 0 : i32
      %dma_wait3A_125 = tpu.memref_slice %arg3[%arg0, %dma_wait3A_124] : memref<2x4096xi32, #tpu.memory_space<hbm>> -> memref<1x4096xi32, #tpu.memory_space<hbm>>
      %dma_wait3A_126 = tpu.memref_squeeze %dma_wait3A_125 : memref<1x4096xi32, #tpu.memory_space<hbm>> -> memref<4096xi32, #tpu.memory_space<hbm>>
      tpu.wait_dma2 semaphore(%run_scoped3A : memref<!tpu.dma_semaphore, #tpu.memory_space<semaphore_mem>>) src(%dma_wait3A_126 : memref<4096xi32, #tpu.memory_space<hbm>>) dst(%arg5 : memref<4096xi32, #tpu.memory_space<vmem>>)
      tpu.yield
    }) : () -> ()
    %mul3A = arith.constant 6 : i32
    %mul3A_0 = arith.muli %arg1, %mul3A : i32
    %add3A = arith.constant 0 : i32
    %add3A_1 = arith.addi %mul3A_0, %add3A : i32
    %mul3A_2 = arith.constant 96 : i32
    %mul3A_3 = arith.muli %arg0, %mul3A_2 : i32
    %add3A_4 = arith.addi %mul3A_3, %add3A_1 : i32
    %mul3A_5 = arith.constant 262144 : i32
    %mul3A_6 = arith.muli %add3A_4, %mul3A_5 : i32
    %scan3A = arith.constant 0 : i32
    %scan3A_7 = arith.constant 0 : i32
    %scan3A_8 = arith.constant 256 : i32
    %scan3A_9 = arith.addi %scan3A_7, %scan3A_8 : i32
    %scan3A_10 = arith.constant 1 : i32
    %scan3A_11 = scf.for %scan3A_115 = %scan3A_7 to %scan3A_9 step %scan3A_10 iter_args(%scan3A_116 = %scan3A) -> (i32)  : i32 {
      %mul3A_117 = arith.constant 16 : i32
      %mul3A_118 = arith.muli %scan3A_115, %mul3A_117 : i32
      %get3A = arith.index_cast %mul3A_118 : i32 to index
      %get3A_119 = tpu.vector_load %arg5[%get3A] {strides = array<i32>} : memref<4096xi32, #tpu.memory_space<vmem>>, vector<16xi32>,
      %add3A_120 = vector.broadcast %mul3A_6 : i32 to vector<16xi32>
      %add3A_121 = arith.addi %get3A_119, %add3A_120 : vector<16xi32>
      %mul3A_122 = arith.constant 16 : i32
      %mul3A_123 = arith.muli %scan3A_115, %mul3A_122 : i32
      %swap3A = arith.index_cast %mul3A_123 : i32 to index
      %swap3A_124 = tpu.vector_load %arg6[%swap3A] {strides = array<i32>} : memref<4096xi32, #tpu.memory_space<vmem>>, vector<16xi32>,
      tpu.vector_store %arg6[%swap3A], %add3A_121 {strides = array<i32>} : memref<4096xi32, #tpu.memory_space<vmem>>, vector<16xi32>,
      %scan3A_125 = arith.constant 0 : i32
      scf.yield %scan3A_125 : i32
    }
    %scan3A_12 = arith.constant 256 : i32
    %dma_start3A = arith.constant 0 : i32
    %dma_start3A_13 = tpu.memref_slice %arg2[%dma_start3A] : memref<50331648xf32, #tpu.memory_space<hbm>> -> memref<50331648xf32, #tpu.memory_space<hbm>>
    tpu.enqueue_indirect_dma source(%dma_start3A_13 : memref<50331648xf32, #tpu.memory_space<hbm>>) target(%arg7 : memref<4096xf32, #tpu.memory_space<vmem>>) offsets(%arg6 : memref<4096xi32, #tpu.memory_space<vmem>>) semaphore(%arg8 : memref<!tpu.dma_semaphore, #tpu.memory_space<semaphore_mem>>)
    %dma_wait3A = arith.constant 0 : i32
    %dma_wait3A_14 = tpu.memref_slice %arg2[%dma_wait3A] : memref<50331648xf32, #tpu.memory_space<hbm>> -> memref<50331648xf32, #tpu.memory_space<hbm>>
    tpu.wait_indirect_dma semaphore(%arg8 : memref<!tpu.dma_semaphore, #tpu.memory_space<semaphore_mem>>) src(%dma_wait3A_14 : memref<50331648xf32, #tpu.memory_space<hbm>>) dst(%arg7 : memref<4096xf32, #tpu.memory_space<vmem>>)
    "tpu.region"() ({
      %run_scoped3A = tpu.sem_alloc : memref<!tpu.dma_semaphore, #tpu.memory_space<semaphore_mem>>
      %dma_start3A_115 = arith.constant 0 : i32
      %dma_start3A_116 = tpu.memref_slice %arg4[%arg0, %add3A_1, %dma_start3A_115] : memref<2x96x4096xf32, #tpu.memory_space<hbm>> -> memref<1x1x4096xf32, #tpu.memory_space<hbm>>
      %dma_start3A_117 = tpu.memref_squeeze %dma_start3A_116 : memref<1x1x4096xf32, #tpu.memory_space<hbm>> -> memref<4096xf32, #tpu.memory_space<hbm>>
      %dma_start3A_118 = arith.constant 0 : i32
      %dma_start3A_119 = tpu.memref_slice %arg4[%arg0, %add3A_1, %dma_start3A_118] : memref<2x96x4096xf32, #tpu.memory_space<hbm>> -> memref<1x1x4096xf32, #tpu.memory_space<hbm>>
      %dma_start3A_120 = tpu.memref_squeeze %dma_start3A_119 : memref<1x1x4096xf32, #tpu.memory_space<hbm>> -> memref<4096xf32, #tpu.memory_space<hbm>>
      tpu.enqueue_dma source(%arg7 : memref<4096xf32, #tpu.memory_space<vmem>>) target(%dma_start3A_120 : memref<4096xf32, #tpu.memory_space<hbm>>) target_semaphore(%run_scoped3A : memref<!tpu.dma_semaphore, #tpu.memory_space<semaphore_mem>>)
      %dma_wait3A_121 = arith.constant 0 : i32
      %dma_wait3A_122 = tpu.memref_slice %arg4[%arg0, %add3A_1, %dma_wait3A_121] : memref<2x96x4096xf32, #tpu.memory_space<hbm>> -> memref<1x1x4096xf32, #tpu.memory_space<hbm>>
      %dma_wait3A_123 = tpu.memref_squeeze %dma_wait3A_122 : memref<1x1x4096xf32, #tpu.memory_space<hbm>> -> memref<4096xf32, #tpu.memory_space<hbm>>
      %dma_wait3A_124 = arith.constant 0 : i32
      %dma_wait3A_125 = tpu.memref_slice %arg4[%arg0, %add3A_1, %dma_wait3A_124] : memref<2x96x4096xf32, #tpu.memory_space<hbm>> -> memref<1x1x4096xf32, #tpu.memory_space<hbm>>
      %dma_wait3A_126 = tpu.memref_squeeze %dma_wait3A_125 : memref<1x1x4096xf32, #tpu.memory_space<hbm>> -> memref<4096xf32, #tpu.memory_space<hbm>>
      tpu.wait_dma2 semaphore(%run_scoped3A : memref<!tpu.dma_semaphore, #tpu.memory_space<semaphore_mem>>) src(%arg7 : memref<4096xf32, #tpu.memory_space<vmem>>) dst(%dma_wait3A_126 : memref<4096xf32, #tpu.memory_space<hbm>>)
      tpu.yield
    }) : () -> ()
    %mul3A_15 = arith.constant 6 : i32
    %mul3A_16 = arith.muli %arg1, %mul3A_15 : i32
    %add3A_17 = arith.constant 1 : i32
    %add3A_18 = arith.addi %mul3A_16, %add3A_17 : i32
    %mul3A_19 = arith.constant 96 : i32
    %mul3A_20 = arith.muli %arg0, %mul3A_19 : i32
    %add3A_21 = arith.addi %mul3A_20, %add3A_18 : i32
    %mul3A_22 = arith.constant 262144 : i32
    %mul3A_23 = arith.muli %add3A_21, %mul3A_22 : i32
    %scan3A_24 = arith.constant 0 : i32
    %scan3A_25 = arith.constant 0 : i32
    %scan3A_26 = arith.constant 256 : i32
    %scan3A_27 = arith.addi %scan3A_25, %scan3A_26 : i32
    %scan3A_28 = arith.constant 1 : i32
    %scan3A_29 = scf.for %scan3A_115 = %scan3A_25 to %scan3A_27 step %scan3A_28 iter_args(%scan3A_116 = %scan3A_24) -> (i32)  : i32 {
      %mul3A_117 = arith.constant 16 : i32
      %mul3A_118 = arith.muli %scan3A_115, %mul3A_117 : i32
      %get3A = arith.index_cast %mul3A_118 : i32 to index
      %get3A_119 = tpu.vector_load %arg5[%get3A] {strides = array<i32>} : memref<4096xi32, #tpu.memory_space<vmem>>, vector<16xi32>,
      %add3A_120 = vector.broadcast %mul3A_23 : i32 to vector<16xi32>
      %add3A_121 = arith.addi %get3A_119, %add3A_120 : vector<16xi32>
      %mul3A_122 = arith.constant 16 : i32
      %mul3A_123 = arith.muli %scan3A_115, %mul3A_122 : i32
      %swap3A = arith.index_cast %mul3A_123 : i32 to index
      %swap3A_124 = tpu.vector_load %arg6[%swap3A] {strides = array<i32>} : memref<4096xi32, #tpu.memory_space<vmem>>, vector<16xi32>,
      tpu.vector_store %arg6[%swap3A], %add3A_121 {strides = array<i32>} : memref<4096xi32, #tpu.memory_space<vmem>>, vector<16xi32>,
      %scan3A_125 = arith.constant 0 : i32
      scf.yield %scan3A_125 : i32
    }
    %scan3A_30 = arith.constant 256 : i32
    %dma_start3A_31 = arith.constant 0 : i32
    %dma_start3A_32 = tpu.memref_slice %arg2[%dma_start3A_31] : memref<50331648xf32, #tpu.memory_space<hbm>> -> memref<50331648xf32, #tpu.memory_space<hbm>>
    tpu.enqueue_indirect_dma source(%dma_start3A_32 : memref<50331648xf32, #tpu.memory_space<hbm>>) target(%arg7 : memref<4096xf32, #tpu.memory_space<vmem>>) offsets(%arg6 : memref<4096xi32, #tpu.memory_space<vmem>>) semaphore(%arg8 : memref<!tpu.dma_semaphore, #tpu.memory_space<semaphore_mem>>)
    %dma_wait3A_33 = arith.constant 0 : i32
    %dma_wait3A_34 = tpu.memref_slice %arg2[%dma_wait3A_33] : memref<50331648xf32, #tpu.memory_space<hbm>> -> memref<50331648xf32, #tpu.memory_space<hbm>>
    tpu.wait_indirect_dma semaphore(%arg8 : memref<!tpu.dma_semaphore, #tpu.memory_space<semaphore_mem>>) src(%dma_wait3A_34 : memref<50331648xf32, #tpu.memory_space<hbm>>) dst(%arg7 : memref<4096xf32, #tpu.memory_space<vmem>>)
    "tpu.region"() ({
      %run_scoped3A = tpu.sem_alloc : memref<!tpu.dma_semaphore, #tpu.memory_space<semaphore_mem>>
      %dma_start3A_115 = arith.constant 0 : i32
      %dma_start3A_116 = tpu.memref_slice %arg4[%arg0, %add3A_18, %dma_start3A_115] : memref<2x96x4096xf32, #tpu.memory_space<hbm>> -> memref<1x1x4096xf32, #tpu.memory_space<hbm>>
      %dma_start3A_117 = tpu.memref_squeeze %dma_start3A_116 : memref<1x1x4096xf32, #tpu.memory_space<hbm>> -> memref<4096xf32, #tpu.memory_space<hbm>>
      %dma_start3A_118 = arith.constant 0 : i32
      %dma_start3A_119 = tpu.memref_slice %arg4[%arg0, %add3A_18, %dma_start3A_118] : memref<2x96x4096xf32, #tpu.memory_space<hbm>> -> memref<1x1x4096xf32, #tpu.memory_space<hbm>>
      %dma_start3A_120 = tpu.memref_squeeze %dma_start3A_119 : memref<1x1x4096xf32, #tpu.memory_space<hbm>> -> memref<4096xf32, #tpu.memory_space<hbm>>
      tpu.enqueue_dma source(%arg7 : memref<4096xf32, #tpu.memory_space<vmem>>) target(%dma_start3A_120 : memref<4096xf32, #tpu.memory_space<hbm>>) target_semaphore(%run_scoped3A : memref<!tpu.dma_semaphore, #tpu.memory_space<semaphore_mem>>)
      %dma_wait3A_121 = arith.constant 0 : i32
      %dma_wait3A_122 = tpu.memref_slice %arg4[%arg0, %add3A_18, %dma_wait3A_121] : memref<2x96x4096xf32, #tpu.memory_space<hbm>> -> memref<1x1x4096xf32, #tpu.memory_space<hbm>>
      %dma_wait3A_123 = tpu.memref_squeeze %dma_wait3A_122 : memref<1x1x4096xf32, #tpu.memory_space<hbm>> -> memref<4096xf32, #tpu.memory_space<hbm>>
      %dma_wait3A_124 = arith.constant 0 : i32
      %dma_wait3A_125 = tpu.memref_slice %arg4[%arg0, %add3A_18, %dma_wait3A_124] : memref<2x96x4096xf32, #tpu.memory_space<hbm>> -> memref<1x1x4096xf32, #tpu.memory_space<hbm>>
      %dma_wait3A_126 = tpu.memref_squeeze %dma_wait3A_125 : memref<1x1x4096xf32, #tpu.memory_space<hbm>> -> memref<4096xf32, #tpu.memory_space<hbm>>
      tpu.wait_dma2 semaphore(%run_scoped3A : memref<!tpu.dma_semaphore, #tpu.memory_space<semaphore_mem>>) src(%arg7 : memref<4096xf32, #tpu.memory_space<vmem>>) dst(%dma_wait3A_126 : memref<4096xf32, #tpu.memory_space<hbm>>)
      tpu.yield
    }) : () -> ()
    %mul3A_35 = arith.constant 6 : i32
    %mul3A_36 = arith.muli %arg1, %mul3A_35 : i32
    %add3A_37 = arith.constant 2 : i32
    %add3A_38 = arith.addi %mul3A_36, %add3A_37 : i32
    %mul3A_39 = arith.constant 96 : i32
    %mul3A_40 = arith.muli %arg0, %mul3A_39 : i32
    %add3A_41 = arith.addi %mul3A_40, %add3A_38 : i32
    %mul3A_42 = arith.constant 262144 : i32
    %mul3A_43 = arith.muli %add3A_41, %mul3A_42 : i32
    %scan3A_44 = arith.constant 0 : i32
    %scan3A_45 = arith.constant 0 : i32
    %scan3A_46 = arith.constant 256 : i32
    %scan3A_47 = arith.addi %scan3A_45, %scan3A_46 : i32
    %scan3A_48 = arith.constant 1 : i32
    %scan3A_49 = scf.for %scan3A_115 = %scan3A_45 to %scan3A_47 step %scan3A_48 iter_args(%scan3A_116 = %scan3A_44) -> (i32)  : i32 {
      %mul3A_117 = arith.constant 16 : i32
      %mul3A_118 = arith.muli %scan3A_115, %mul3A_117 : i32
      %get3A = arith.index_cast %mul3A_118 : i32 to index
      %get3A_119 = tpu.vector_load %arg5[%get3A] {strides = array<i32>} : memref<4096xi32, #tpu.memory_space<vmem>>, vector<16xi32>,
      %add3A_120 = vector.broadcast %mul3A_43 : i32 to vector<16xi32>
      %add3A_121 = arith.addi %get3A_119, %add3A_120 : vector<16xi32>
      %mul3A_122 = arith.constant 16 : i32
      %mul3A_123 = arith.muli %scan3A_115, %mul3A_122 : i32
      %swap3A = arith.index_cast %mul3A_123 : i32 to index
      %swap3A_124 = tpu.vector_load %arg6[%swap3A] {strides = array<i32>} : memref<4096xi32, #tpu.memory_space<vmem>>, vector<16xi32>,
      tpu.vector_store %arg6[%swap3A], %add3A_121 {strides = array<i32>} : memref<4096xi32, #tpu.memory_space<vmem>>, vector<16xi32>,
      %scan3A_125 = arith.constant 0 : i32
      scf.yield %scan3A_125 : i32
    }
    %scan3A_50 = arith.constant 256 : i32
    %dma_start3A_51 = arith.constant 0 : i32
    %dma_start3A_52 = tpu.memref_slice %arg2[%dma_start3A_51] : memref<50331648xf32, #tpu.memory_space<hbm>> -> memref<50331648xf32, #tpu.memory_space<hbm>>
    tpu.enqueue_indirect_dma source(%dma_start3A_52 : memref<50331648xf32, #tpu.memory_space<hbm>>) target(%arg7 : memref<4096xf32, #tpu.memory_space<vmem>>) offsets(%arg6 : memref<4096xi32, #tpu.memory_space<vmem>>) semaphore(%arg8 : memref<!tpu.dma_semaphore, #tpu.memory_space<semaphore_mem>>)
    %dma_wait3A_53 = arith.constant 0 : i32
    %dma_wait3A_54 = tpu.memref_slice %arg2[%dma_wait3A_53] : memref<50331648xf32, #tpu.memory_space<hbm>> -> memref<50331648xf32, #tpu.memory_space<hbm>>
    tpu.wait_indirect_dma semaphore(%arg8 : memref<!tpu.dma_semaphore, #tpu.memory_space<semaphore_mem>>) src(%dma_wait3A_54 : memref<50331648xf32, #tpu.memory_space<hbm>>) dst(%arg7 : memref<4096xf32, #tpu.memory_space<vmem>>)
    "tpu.region"() ({
      %run_scoped3A = tpu.sem_alloc : memref<!tpu.dma_semaphore, #tpu.memory_space<semaphore_mem>>
      %dma_start3A_115 = arith.constant 0 : i32
      %dma_start3A_116 = tpu.memref_slice %arg4[%arg0, %add3A_38, %dma_start3A_115] : memref<2x96x4096xf32, #tpu.memory_space<hbm>> -> memref<1x1x4096xf32, #tpu.memory_space<hbm>>
      %dma_start3A_117 = tpu.memref_squeeze %dma_start3A_116 : memref<1x1x4096xf32, #tpu.memory_space<hbm>> -> memref<4096xf32, #tpu.memory_space<hbm>>
      %dma_start3A_118 = arith.constant 0 : i32
      %dma_start3A_119 = tpu.memref_slice %arg4[%arg0, %add3A_38, %dma_start3A_118] : memref<2x96x4096xf32, #tpu.memory_space<hbm>> -> memref<1x1x4096xf32, #tpu.memory_space<hbm>>
      %dma_start3A_120 = tpu.memref_squeeze %dma_start3A_119 : memref<1x1x4096xf32, #tpu.memory_space<hbm>> -> memref<4096xf32, #tpu.memory_space<hbm>>
      tpu.enqueue_dma source(%arg7 : memref<4096xf32, #tpu.memory_space<vmem>>) target(%dma_start3A_120 : memref<4096xf32, #tpu.memory_space<hbm>>) target_semaphore(%run_scoped3A : memref<!tpu.dma_semaphore, #tpu.memory_space<semaphore_mem>>)
      %dma_wait3A_121 = arith.constant 0 : i32
      %dma_wait3A_122 = tpu.memref_slice %arg4[%arg0, %add3A_38, %dma_wait3A_121] : memref<2x96x4096xf32, #tpu.memory_space<hbm>> -> memref<1x1x4096xf32, #tpu.memory_space<hbm>>
      %dma_wait3A_123 = tpu.memref_squeeze %dma_wait3A_122 : memref<1x1x4096xf32, #tpu.memory_space<hbm>> -> memref<4096xf32, #tpu.memory_space<hbm>>
      %dma_wait3A_124 = arith.constant 0 : i32
      %dma_wait3A_125 = tpu.memref_slice %arg4[%arg0, %add3A_38, %dma_wait3A_124] : memref<2x96x4096xf32, #tpu.memory_space<hbm>> -> memref<1x1x4096xf32, #tpu.memory_space<hbm>>
      %dma_wait3A_126 = tpu.memref_squeeze %dma_wait3A_125 : memref<1x1x4096xf32, #tpu.memory_space<hbm>> -> memref<4096xf32, #tpu.memory_space<hbm>>
      tpu.wait_dma2 semaphore(%run_scoped3A : memref<!tpu.dma_semaphore, #tpu.memory_space<semaphore_mem>>) src(%arg7 : memref<4096xf32, #tpu.memory_space<vmem>>) dst(%dma_wait3A_126 : memref<4096xf32, #tpu.memory_space<hbm>>)
      tpu.yield
    }) : () -> ()
    %mul3A_55 = arith.constant 6 : i32
    %mul3A_56 = arith.muli %arg1, %mul3A_55 : i32
    %add3A_57 = arith.constant 3 : i32
    %add3A_58 = arith.addi %mul3A_56, %add3A_57 : i32
    %mul3A_59 = arith.constant 96 : i32
    %mul3A_60 = arith.muli %arg0, %mul3A_59 : i32
    %add3A_61 = arith.addi %mul3A_60, %add3A_58 : i32
    %mul3A_62 = arith.constant 262144 : i32
    %mul3A_63 = arith.muli %add3A_61, %mul3A_62 : i32
    %scan3A_64 = arith.constant 0 : i32
    %scan3A_65 = arith.constant 0 : i32
    %scan3A_66 = arith.constant 256 : i32
    %scan3A_67 = arith.addi %scan3A_65, %scan3A_66 : i32
    %scan3A_68 = arith.constant 1 : i32
    %scan3A_69 = scf.for %scan3A_115 = %scan3A_65 to %scan3A_67 step %scan3A_68 iter_args(%scan3A_116 = %scan3A_64) -> (i32)  : i32 {
      %mul3A_117 = arith.constant 16 : i32
      %mul3A_118 = arith.muli %scan3A_115, %mul3A_117 : i32
      %get3A = arith.index_cast %mul3A_118 : i32 to index
      %get3A_119 = tpu.vector_load %arg5[%get3A] {strides = array<i32>} : memref<4096xi32, #tpu.memory_space<vmem>>, vector<16xi32>,
      %add3A_120 = vector.broadcast %mul3A_63 : i32 to vector<16xi32>
      %add3A_121 = arith.addi %get3A_119, %add3A_120 : vector<16xi32>
      %mul3A_122 = arith.constant 16 : i32
      %mul3A_123 = arith.muli %scan3A_115, %mul3A_122 : i32
      %swap3A = arith.index_cast %mul3A_123 : i32 to index
      %swap3A_124 = tpu.vector_load %arg6[%swap3A] {strides = array<i32>} : memref<4096xi32, #tpu.memory_space<vmem>>, vector<16xi32>,
      tpu.vector_store %arg6[%swap3A], %add3A_121 {strides = array<i32>} : memref<4096xi32, #tpu.memory_space<vmem>>, vector<16xi32>,
      %scan3A_125 = arith.constant 0 : i32
      scf.yield %scan3A_125 : i32
    }
    %scan3A_70 = arith.constant 256 : i32
    %dma_start3A_71 = arith.constant 0 : i32
    %dma_start3A_72 = tpu.memref_slice %arg2[%dma_start3A_71] : memref<50331648xf32, #tpu.memory_space<hbm>> -> memref<50331648xf32, #tpu.memory_space<hbm>>
    tpu.enqueue_indirect_dma source(%dma_start3A_72 : memref<50331648xf32, #tpu.memory_space<hbm>>) target(%arg7 : memref<4096xf32, #tpu.memory_space<vmem>>) offsets(%arg6 : memref<4096xi32, #tpu.memory_space<vmem>>) semaphore(%arg8 : memref<!tpu.dma_semaphore, #tpu.memory_space<semaphore_mem>>)
    %dma_wait3A_73 = arith.constant 0 : i32
    %dma_wait3A_74 = tpu.memref_slice %arg2[%dma_wait3A_73] : memref<50331648xf32, #tpu.memory_space<hbm>> -> memref<50331648xf32, #tpu.memory_space<hbm>>
    tpu.wait_indirect_dma semaphore(%arg8 : memref<!tpu.dma_semaphore, #tpu.memory_space<semaphore_mem>>) src(%dma_wait3A_74 : memref<50331648xf32, #tpu.memory_space<hbm>>) dst(%arg7 : memref<4096xf32, #tpu.memory_space<vmem>>)
    "tpu.region"() ({
      %run_scoped3A = tpu.sem_alloc : memref<!tpu.dma_semaphore, #tpu.memory_space<semaphore_mem>>
      %dma_start3A_115 = arith.constant 0 : i32
      %dma_start3A_116 = tpu.memref_slice %arg4[%arg0, %add3A_58, %dma_start3A_115] : memref<2x96x4096xf32, #tpu.memory_space<hbm>> -> memref<1x1x4096xf32, #tpu.memory_space<hbm>>
      %dma_start3A_117 = tpu.memref_squeeze %dma_start3A_116 : memref<1x1x4096xf32, #tpu.memory_space<hbm>> -> memref<4096xf32, #tpu.memory_space<hbm>>
      %dma_start3A_118 = arith.constant 0 : i32
      %dma_start3A_119 = tpu.memref_slice %arg4[%arg0, %add3A_58, %dma_start3A_118] : memref<2x96x4096xf32, #tpu.memory_space<hbm>> -> memref<1x1x4096xf32, #tpu.memory_space<hbm>>
      %dma_start3A_120 = tpu.memref_squeeze %dma_start3A_119 : memref<1x1x4096xf32, #tpu.memory_space<hbm>> -> memref<4096xf32, #tpu.memory_space<hbm>>
      tpu.enqueue_dma source(%arg7 : memref<4096xf32, #tpu.memory_space<vmem>>) target(%dma_start3A_120 : memref<4096xf32, #tpu.memory_space<hbm>>) target_semaphore(%run_scoped3A : memref<!tpu.dma_semaphore, #tpu.memory_space<semaphore_mem>>)
      %dma_wait3A_121 = arith.constant 0 : i32
      %dma_wait3A_122 = tpu.memref_slice %arg4[%arg0, %add3A_58, %dma_wait3A_121] : memref<2x96x4096xf32, #tpu.memory_space<hbm>> -> memref<1x1x4096xf32, #tpu.memory_space<hbm>>
      %dma_wait3A_123 = tpu.memref_squeeze %dma_wait3A_122 : memref<1x1x4096xf32, #tpu.memory_space<hbm>> -> memref<4096xf32, #tpu.memory_space<hbm>>
      %dma_wait3A_124 = arith.constant 0 : i32
      %dma_wait3A_125 = tpu.memref_slice %arg4[%arg0, %add3A_58, %dma_wait3A_124] : memref<2x96x4096xf32, #tpu.memory_space<hbm>> -> memref<1x1x4096xf32, #tpu.memory_space<hbm>>
      %dma_wait3A_126 = tpu.memref_squeeze %dma_wait3A_125 : memref<1x1x4096xf32, #tpu.memory_space<hbm>> -> memref<4096xf32, #tpu.memory_space<hbm>>
      tpu.wait_dma2 semaphore(%run_scoped3A : memref<!tpu.dma_semaphore, #tpu.memory_space<semaphore_mem>>) src(%arg7 : memref<4096xf32, #tpu.memory_space<vmem>>) dst(%dma_wait3A_126 : memref<4096xf32, #tpu.memory_space<hbm>>)
      tpu.yield
    }) : () -> ()
    %mul3A_75 = arith.constant 6 : i32
    %mul3A_76 = arith.muli %arg1, %mul3A_75 : i32
    %add3A_77 = arith.constant 4 : i32
    %add3A_78 = arith.addi %mul3A_76, %add3A_77 : i32
    %mul3A_79 = arith.constant 96 : i32
    %mul3A_80 = arith.muli %arg0, %mul3A_79 : i32
    %add3A_81 = arith.addi %mul3A_80, %add3A_78 : i32
    %mul3A_82 = arith.constant 262144 : i32
    %mul3A_83 = arith.muli %add3A_81, %mul3A_82 : i32
    %scan3A_84 = arith.constant 0 : i32
    %scan3A_85 = arith.constant 0 : i32
    %scan3A_86 = arith.constant 256 : i32
    %scan3A_87 = arith.addi %scan3A_85, %scan3A_86 : i32
    %scan3A_88 = arith.constant 1 : i32
    %scan3A_89 = scf.for %scan3A_115 = %scan3A_85 to %scan3A_87 step %scan3A_88 iter_args(%scan3A_116 = %scan3A_84) -> (i32)  : i32 {
      %mul3A_117 = arith.constant 16 : i32
      %mul3A_118 = arith.muli %scan3A_115, %mul3A_117 : i32
      %get3A = arith.index_cast %mul3A_118 : i32 to index
      %get3A_119 = tpu.vector_load %arg5[%get3A] {strides = array<i32>} : memref<4096xi32, #tpu.memory_space<vmem>>, vector<16xi32>,
      %add3A_120 = vector.broadcast %mul3A_83 : i32 to vector<16xi32>
      %add3A_121 = arith.addi %get3A_119, %add3A_120 : vector<16xi32>
      %mul3A_122 = arith.constant 16 : i32
      %mul3A_123 = arith.muli %scan3A_115, %mul3A_122 : i32
      %swap3A = arith.index_cast %mul3A_123 : i32 to index
      %swap3A_124 = tpu.vector_load %arg6[%swap3A] {strides = array<i32>} : memref<4096xi32, #tpu.memory_space<vmem>>, vector<16xi32>,
      tpu.vector_store %arg6[%swap3A], %add3A_121 {strides = array<i32>} : memref<4096xi32, #tpu.memory_space<vmem>>, vector<16xi32>,
      %scan3A_125 = arith.constant 0 : i32
      scf.yield %scan3A_125 : i32
    }
    %scan3A_90 = arith.constant 256 : i32
    %dma_start3A_91 = arith.constant 0 : i32
    %dma_start3A_92 = tpu.memref_slice %arg2[%dma_start3A_91] : memref<50331648xf32, #tpu.memory_space<hbm>> -> memref<50331648xf32, #tpu.memory_space<hbm>>
    tpu.enqueue_indirect_dma source(%dma_start3A_92 : memref<50331648xf32, #tpu.memory_space<hbm>>) target(%arg7 : memref<4096xf32, #tpu.memory_space<vmem>>) offsets(%arg6 : memref<4096xi32, #tpu.memory_space<vmem>>) semaphore(%arg8 : memref<!tpu.dma_semaphore, #tpu.memory_space<semaphore_mem>>)
    %dma_wait3A_93 = arith.constant 0 : i32
    %dma_wait3A_94 = tpu.memref_slice %arg2[%dma_wait3A_93] : memref<50331648xf32, #tpu.memory_space<hbm>> -> memref<50331648xf32, #tpu.memory_space<hbm>>
    tpu.wait_indirect_dma semaphore(%arg8 : memref<!tpu.dma_semaphore, #tpu.memory_space<semaphore_mem>>) src(%dma_wait3A_94 : memref<50331648xf32, #tpu.memory_space<hbm>>) dst(%arg7 : memref<4096xf32, #tpu.memory_space<vmem>>)
    "tpu.region"() ({
      %run_scoped3A = tpu.sem_alloc : memref<!tpu.dma_semaphore, #tpu.memory_space<semaphore_mem>>
      %dma_start3A_115 = arith.constant 0 : i32
      %dma_start3A_116 = tpu.memref_slice %arg4[%arg0, %add3A_78, %dma_start3A_115] : memref<2x96x4096xf32, #tpu.memory_space<hbm>> -> memref<1x1x4096xf32, #tpu.memory_space<hbm>>
      %dma_start3A_117 = tpu.memref_squeeze %dma_start3A_116 : memref<1x1x4096xf32, #tpu.memory_space<hbm>> -> memref<4096xf32, #tpu.memory_space<hbm>>
      %dma_start3A_118 = arith.constant 0 : i32
      %dma_start3A_119 = tpu.memref_slice %arg4[%arg0, %add3A_78, %dma_start3A_118] : memref<2x96x4096xf32, #tpu.memory_space<hbm>> -> memref<1x1x4096xf32, #tpu.memory_space<hbm>>
      %dma_start3A_120 = tpu.memref_squeeze %dma_start3A_119 : memref<1x1x4096xf32, #tpu.memory_space<hbm>> -> memref<4096xf32, #tpu.memory_space<hbm>>
      tpu.enqueue_dma source(%arg7 : memref<4096xf32, #tpu.memory_space<vmem>>) target(%dma_start3A_120 : memref<4096xf32, #tpu.memory_space<hbm>>) target_semaphore(%run_scoped3A : memref<!tpu.dma_semaphore, #tpu.memory_space<semaphore_mem>>)
      %dma_wait3A_121 = arith.constant 0 : i32
      %dma_wait3A_122 = tpu.memref_slice %arg4[%arg0, %add3A_78, %dma_wait3A_121] : memref<2x96x4096xf32, #tpu.memory_space<hbm>> -> memref<1x1x4096xf32, #tpu.memory_space<hbm>>
      %dma_wait3A_123 = tpu.memref_squeeze %dma_wait3A_122 : memref<1x1x4096xf32, #tpu.memory_space<hbm>> -> memref<4096xf32, #tpu.memory_space<hbm>>
      %dma_wait3A_124 = arith.constant 0 : i32
      %dma_wait3A_125 = tpu.memref_slice %arg4[%arg0, %add3A_78, %dma_wait3A_124] : memref<2x96x4096xf32, #tpu.memory_space<hbm>> -> memref<1x1x4096xf32, #tpu.memory_space<hbm>>
      %dma_wait3A_126 = tpu.memref_squeeze %dma_wait3A_125 : memref<1x1x4096xf32, #tpu.memory_space<hbm>> -> memref<4096xf32, #tpu.memory_space<hbm>>
      tpu.wait_dma2 semaphore(%run_scoped3A : memref<!tpu.dma_semaphore, #tpu.memory_space<semaphore_mem>>) src(%arg7 : memref<4096xf32, #tpu.memory_space<vmem>>) dst(%dma_wait3A_126 : memref<4096xf32, #tpu.memory_space<hbm>>)
      tpu.yield
    }) : () -> ()
    %mul3A_95 = arith.constant 6 : i32
    %mul3A_96 = arith.muli %arg1, %mul3A_95 : i32
    %add3A_97 = arith.constant 5 : i32
    %add3A_98 = arith.addi %mul3A_96, %add3A_97 : i32
    %mul3A_99 = arith.constant 96 : i32
    %mul3A_100 = arith.muli %arg0, %mul3A_99 : i32
    %add3A_101 = arith.addi %mul3A_100, %add3A_98 : i32
    %mul3A_102 = arith.constant 262144 : i32
    %mul3A_103 = arith.muli %add3A_101, %mul3A_102 : i32
    %scan3A_104 = arith.constant 0 : i32
    %scan3A_105 = arith.constant 0 : i32
    %scan3A_106 = arith.constant 256 : i32
    %scan3A_107 = arith.addi %scan3A_105, %scan3A_106 : i32
    %scan3A_108 = arith.constant 1 : i32
    %scan3A_109 = scf.for %scan3A_115 = %scan3A_105 to %scan3A_107 step %scan3A_108 iter_args(%scan3A_116 = %scan3A_104) -> (i32)  : i32 {
      %mul3A_117 = arith.constant 16 : i32
      %mul3A_118 = arith.muli %scan3A_115, %mul3A_117 : i32
      %get3A = arith.index_cast %mul3A_118 : i32 to index
      %get3A_119 = tpu.vector_load %arg5[%get3A] {strides = array<i32>} : memref<4096xi32, #tpu.memory_space<vmem>>, vector<16xi32>,
      %add3A_120 = vector.broadcast %mul3A_103 : i32 to vector<16xi32>
      %add3A_121 = arith.addi %get3A_119, %add3A_120 : vector<16xi32>
      %mul3A_122 = arith.constant 16 : i32
      %mul3A_123 = arith.muli %scan3A_115, %mul3A_122 : i32
      %swap3A = arith.index_cast %mul3A_123 : i32 to index
      %swap3A_124 = tpu.vector_load %arg6[%swap3A] {strides = array<i32>} : memref<4096xi32, #tpu.memory_space<vmem>>, vector<16xi32>,
      tpu.vector_store %arg6[%swap3A], %add3A_121 {strides = array<i32>} : memref<4096xi32, #tpu.memory_space<vmem>>, vector<16xi32>,
      %scan3A_125 = arith.constant 0 : i32
      scf.yield %scan3A_125 : i32
    }
    %scan3A_110 = arith.constant 256 : i32
    %dma_start3A_111 = arith.constant 0 : i32
    %dma_start3A_112 = tpu.memref_slice %arg2[%dma_start3A_111] : memref<50331648xf32, #tpu.memory_space<hbm>> -> memref<50331648xf32, #tpu.memory_space<hbm>>
    tpu.enqueue_indirect_dma source(%dma_start3A_112 : memref<50331648xf32, #tpu.memory_space<hbm>>) target(%arg7 : memref<4096xf32, #tpu.memory_space<vmem>>) offsets(%arg6 : memref<4096xi32, #tpu.memory_space<vmem>>) semaphore(%arg8 : memref<!tpu.dma_semaphore, #tpu.memory_space<semaphore_mem>>)
    %dma_wait3A_113 = arith.constant 0 : i32
    %dma_wait3A_114 = tpu.memref_slice %arg2[%dma_wait3A_113] : memref<50331648xf32, #tpu.memory_space<hbm>> -> memref<50331648xf32, #tpu.memory_space<hbm>>
    tpu.wait_indirect_dma semaphore(%arg8 : memref<!tpu.dma_semaphore, #tpu.memory_space<semaphore_mem>>) src(%dma_wait3A_114 : memref<50331648xf32, #tpu.memory_space<hbm>>) dst(%arg7 : memref<4096xf32, #tpu.memory_space<vmem>>)
    "tpu.region"() ({
      %run_scoped3A = tpu.sem_alloc : memref<!tpu.dma_semaphore, #tpu.memory_space<semaphore_mem>>
      %dma_start3A_115 = arith.constant 0 : i32
      %dma_start3A_116 = tpu.memref_slice %arg4[%arg0, %add3A_98, %dma_start3A_115] : memref<2x96x4096xf32, #tpu.memory_space<hbm>> -> memref<1x1x4096xf32, #tpu.memory_space<hbm>>
      %dma_start3A_117 = tpu.memref_squeeze %dma_start3A_116 : memref<1x1x4096xf32, #tpu.memory_space<hbm>> -> memref<4096xf32, #tpu.memory_space<hbm>>
      %dma_start3A_118 = arith.constant 0 : i32
      %dma_start3A_119 = tpu.memref_slice %arg4[%arg0, %add3A_98, %dma_start3A_118] : memref<2x96x4096xf32, #tpu.memory_space<hbm>> -> memref<1x1x4096xf32, #tpu.memory_space<hbm>>
      %dma_start3A_120 = tpu.memref_squeeze %dma_start3A_119 : memref<1x1x4096xf32, #tpu.memory_space<hbm>> -> memref<4096xf32, #tpu.memory_space<hbm>>
      tpu.enqueue_dma source(%arg7 : memref<4096xf32, #tpu.memory_space<vmem>>) target(%dma_start3A_120 : memref<4096xf32, #tpu.memory_space<hbm>>) target_semaphore(%run_scoped3A : memref<!tpu.dma_semaphore, #tpu.memory_space<semaphore_mem>>)
      %dma_wait3A_121 = arith.constant 0 : i32
      %dma_wait3A_122 = tpu.memref_slice %arg4[%arg0, %add3A_98, %dma_wait3A_121] : memref<2x96x4096xf32, #tpu.memory_space<hbm>> -> memref<1x1x4096xf32, #tpu.memory_space<hbm>>
      %dma_wait3A_123 = tpu.memref_squeeze %dma_wait3A_122 : memref<1x1x4096xf32, #tpu.memory_space<hbm>> -> memref<4096xf32, #tpu.memory_space<hbm>>
      %dma_wait3A_124 = arith.constant 0 : i32
      %dma_wait3A_125 = tpu.memref_slice %arg4[%arg0, %add3A_98, %dma_wait3A_124] : memref<2x96x4096xf32, #tpu.memory_space<hbm>> -> memref<1x1x4096xf32, #tpu.memory_space<hbm>>
      %dma_wait3A_126 = tpu.memref_squeeze %dma_wait3A_125 : memref<1x1x4096xf32, #tpu.memory_space<hbm>> -> memref<4096xf32, #tpu.memory_space<hbm>>
      tpu.wait_dma2 semaphore(%run_scoped3A : memref<!tpu.dma_semaphore, #tpu.memory_space<semaphore_mem>>) src(%arg7 : memref<4096xf32, #tpu.memory_space<vmem>>) dst(%dma_wait3A_126 : memref<4096xf32, #tpu.memory_space<hbm>>)
      tpu.yield
    }) : () -> ()
    return
  }
}

module attributes {stable_mosaic.version = 14 : i64} {
  func.func @_nms_body(%arg0: i32, %arg1: i32, %arg2: memref<1x1x256x512xf32, #tpu.memory_space<vmem>>, %arg3: memref<1x256x512xf32, #tpu.memory_space<vmem>>) attributes {dimension_semantics = [#tpu.dimension_semantics<arbitrary>, #tpu.dimension_semantics<arbitrary>], iteration_bounds = array<i64: 2, 2>, scalar_prefetch = 0 : i64, scratch_operands = 0 : i64, tpu.core_type = #tpu.core_type<tc>, window_params = [{transform_indices = @transform_0, window_bounds = array<i64: 1, 1, 256, 512>}, {transform_indices = @transform_1, window_bounds = array<i64: 1, 256, 512>}]} {
    %get3A = arith.constant 0 : index
    %get3A_0 = arith.constant 0 : index
    %get3A_1 = arith.constant 0 : index
    %get3A_2 = arith.constant 0 : index
    %get3A_3 = vector.load %arg2[%get3A, %get3A_0, %get3A_1, %get3A_2] : memref<1x1x256x512xf32, #tpu.memory_space<vmem>>, vector<1x1x256x512xf32>
    %get3A_4 = vector.shape_cast %get3A_3 : vector<1x1x256x512xf32> to vector<256x512xf32>
    %iota3A = tpu.iota {dimensions = array<i32: 0>} : vector<256x512xi32>
    %slice3A = vector.extract_strided_slice %get3A_4 {offsets = [1, 0], sizes = [255, 512], strides = [1, 1]} : vector<256x512xf32> to vector<255x512xf32>
    %slice3A_5 = vector.extract_strided_slice %get3A_4 {offsets = [0, 0], sizes = [1, 512], strides = [1, 1]} : vector<256x512xf32> to vector<1x512xf32>
    %concatenate3A = tpu.concatenate %slice3A, %slice3A_5 in 0 : vector<255x512xf32>, vector<1x512xf32> -> vector<256x512xf32>
    %lt3A = arith.constant 255 : i32
    %lt3A_6 = vector.broadcast %lt3A : i32 to vector<256x512xi32>
    %lt3A_7 = arith.cmpi slt, %iota3A, %lt3A_6 : vector<256x512xi32>
    %jit3A = arith.constant 0xFF800000 : f32
    %broadcast_in_dim3A = vector.broadcast %jit3A : f32 to vector<256x512xf32>
    %select_n3A = arith.select %lt3A_7, %concatenate3A, %broadcast_in_dim3A : vector<256x512xi1>, vector<256x512xf32>
    %slice3A_8 = vector.extract_strided_slice %get3A_4 {offsets = [255, 0], sizes = [1, 512], strides = [1, 1]} : vector<256x512xf32> to vector<1x512xf32>
    %slice3A_9 = vector.extract_strided_slice %get3A_4 {offsets = [0, 0], sizes = [255, 512], strides = [1, 1]} : vector<256x512xf32> to vector<255x512xf32>
    %concatenate3A_10 = tpu.concatenate %slice3A_8, %slice3A_9 in 0 : vector<1x512xf32>, vector<255x512xf32> -> vector<256x512xf32>
    %ge3A = arith.constant 1 : i32
    %ge3A_11 = vector.broadcast %ge3A : i32 to vector<256x512xi32>
    %ge3A_12 = arith.cmpi sge, %iota3A, %ge3A_11 : vector<256x512xi32>
    %jit3A_13 = arith.constant 0xFF800000 : f32
    %broadcast_in_dim3A_14 = vector.broadcast %jit3A_13 : f32 to vector<256x512xf32>
    %select_n3A_15 = arith.select %ge3A_12, %concatenate3A_10, %broadcast_in_dim3A_14 : vector<256x512xi1>, vector<256x512xf32>
    %max3A = arith.maximumf %select_n3A, %select_n3A_15 : vector<256x512xf32>
    %max3A_16 = arith.maximumf %get3A_4, %max3A : vector<256x512xf32>
    %slice3A_17 = vector.extract_strided_slice %get3A_4 {offsets = [2, 0], sizes = [254, 512], strides = [1, 1]} : vector<256x512xf32> to vector<254x512xf32>
    %slice3A_18 = vector.extract_strided_slice %get3A_4 {offsets = [0, 0], sizes = [2, 512], strides = [1, 1]} : vector<256x512xf32> to vector<2x512xf32>
    %concatenate3A_19 = tpu.concatenate %slice3A_17, %slice3A_18 in 0 : vector<254x512xf32>, vector<2x512xf32> -> vector<256x512xf32>
    %lt3A_20 = arith.constant 254 : i32
    %lt3A_21 = vector.broadcast %lt3A_20 : i32 to vector<256x512xi32>
    %lt3A_22 = arith.cmpi slt, %iota3A, %lt3A_21 : vector<256x512xi32>
    %jit3A_23 = arith.constant 0xFF800000 : f32
    %broadcast_in_dim3A_24 = vector.broadcast %jit3A_23 : f32 to vector<256x512xf32>
    %select_n3A_25 = arith.select %lt3A_22, %concatenate3A_19, %broadcast_in_dim3A_24 : vector<256x512xi1>, vector<256x512xf32>
    %slice3A_26 = vector.extract_strided_slice %get3A_4 {offsets = [254, 0], sizes = [2, 512], strides = [1, 1]} : vector<256x512xf32> to vector<2x512xf32>
    %slice3A_27 = vector.extract_strided_slice %get3A_4 {offsets = [0, 0], sizes = [254, 512], strides = [1, 1]} : vector<256x512xf32> to vector<254x512xf32>
    %concatenate3A_28 = tpu.concatenate %slice3A_26, %slice3A_27 in 0 : vector<2x512xf32>, vector<254x512xf32> -> vector<256x512xf32>
    %ge3A_29 = arith.constant 2 : i32
    %ge3A_30 = vector.broadcast %ge3A_29 : i32 to vector<256x512xi32>
    %ge3A_31 = arith.cmpi sge, %iota3A, %ge3A_30 : vector<256x512xi32>
    %jit3A_32 = arith.constant 0xFF800000 : f32
    %broadcast_in_dim3A_33 = vector.broadcast %jit3A_32 : f32 to vector<256x512xf32>
    %select_n3A_34 = arith.select %ge3A_31, %concatenate3A_28, %broadcast_in_dim3A_33 : vector<256x512xi1>, vector<256x512xf32>
    %max3A_35 = arith.maximumf %select_n3A_25, %select_n3A_34 : vector<256x512xf32>
    %max3A_36 = arith.maximumf %max3A_16, %max3A_35 : vector<256x512xf32>
    %slice3A_37 = vector.extract_strided_slice %get3A_4 {offsets = [3, 0], sizes = [253, 512], strides = [1, 1]} : vector<256x512xf32> to vector<253x512xf32>
    %slice3A_38 = vector.extract_strided_slice %get3A_4 {offsets = [0, 0], sizes = [3, 512], strides = [1, 1]} : vector<256x512xf32> to vector<3x512xf32>
    %concatenate3A_39 = tpu.concatenate %slice3A_37, %slice3A_38 in 0 : vector<253x512xf32>, vector<3x512xf32> -> vector<256x512xf32>
    %lt3A_40 = arith.constant 253 : i32
    %lt3A_41 = vector.broadcast %lt3A_40 : i32 to vector<256x512xi32>
    %lt3A_42 = arith.cmpi slt, %iota3A, %lt3A_41 : vector<256x512xi32>
    %jit3A_43 = arith.constant 0xFF800000 : f32
    %broadcast_in_dim3A_44 = vector.broadcast %jit3A_43 : f32 to vector<256x512xf32>
    %select_n3A_45 = arith.select %lt3A_42, %concatenate3A_39, %broadcast_in_dim3A_44 : vector<256x512xi1>, vector<256x512xf32>
    %slice3A_46 = vector.extract_strided_slice %get3A_4 {offsets = [253, 0], sizes = [3, 512], strides = [1, 1]} : vector<256x512xf32> to vector<3x512xf32>
    %slice3A_47 = vector.extract_strided_slice %get3A_4 {offsets = [0, 0], sizes = [253, 512], strides = [1, 1]} : vector<256x512xf32> to vector<253x512xf32>
    %concatenate3A_48 = tpu.concatenate %slice3A_46, %slice3A_47 in 0 : vector<3x512xf32>, vector<253x512xf32> -> vector<256x512xf32>
    %ge3A_49 = arith.constant 3 : i32
    %ge3A_50 = vector.broadcast %ge3A_49 : i32 to vector<256x512xi32>
    %ge3A_51 = arith.cmpi sge, %iota3A, %ge3A_50 : vector<256x512xi32>
    %jit3A_52 = arith.constant 0xFF800000 : f32
    %broadcast_in_dim3A_53 = vector.broadcast %jit3A_52 : f32 to vector<256x512xf32>
    %select_n3A_54 = arith.select %ge3A_51, %concatenate3A_48, %broadcast_in_dim3A_53 : vector<256x512xi1>, vector<256x512xf32>
    %max3A_55 = arith.maximumf %select_n3A_45, %select_n3A_54 : vector<256x512xf32>
    %max3A_56 = arith.maximumf %max3A_36, %max3A_55 : vector<256x512xf32>
    %iota3A_57 = tpu.iota {dimensions = array<i32: 1>} : vector<256x512xi32>
    %slice3A_58 = vector.extract_strided_slice %max3A_56 {offsets = [0, 1], sizes = [256, 511], strides = [1, 1]} : vector<256x512xf32> to vector<256x511xf32>
    %slice3A_59 = vector.extract_strided_slice %max3A_56 {offsets = [0, 0], sizes = [256, 1], strides = [1, 1]} : vector<256x512xf32> to vector<256x1xf32>
    %concatenate3A_60 = tpu.concatenate %slice3A_58, %slice3A_59 in 1 : vector<256x511xf32>, vector<256x1xf32> -> vector<256x512xf32>
    %lt3A_61 = arith.constant 511 : i32
    %lt3A_62 = vector.broadcast %lt3A_61 : i32 to vector<256x512xi32>
    %lt3A_63 = arith.cmpi slt, %iota3A_57, %lt3A_62 : vector<256x512xi32>
    %jit3A_64 = arith.constant 0xFF800000 : f32
    %broadcast_in_dim3A_65 = vector.broadcast %jit3A_64 : f32 to vector<256x512xf32>
    %select_n3A_66 = arith.select %lt3A_63, %concatenate3A_60, %broadcast_in_dim3A_65 : vector<256x512xi1>, vector<256x512xf32>
    %slice3A_67 = vector.extract_strided_slice %max3A_56 {offsets = [0, 511], sizes = [256, 1], strides = [1, 1]} : vector<256x512xf32> to vector<256x1xf32>
    %slice3A_68 = vector.extract_strided_slice %max3A_56 {offsets = [0, 0], sizes = [256, 511], strides = [1, 1]} : vector<256x512xf32> to vector<256x511xf32>
    %concatenate3A_69 = tpu.concatenate %slice3A_67, %slice3A_68 in 1 : vector<256x1xf32>, vector<256x511xf32> -> vector<256x512xf32>
    %ge3A_70 = arith.constant 1 : i32
    %ge3A_71 = vector.broadcast %ge3A_70 : i32 to vector<256x512xi32>
    %ge3A_72 = arith.cmpi sge, %iota3A_57, %ge3A_71 : vector<256x512xi32>
    %jit3A_73 = arith.constant 0xFF800000 : f32
    %broadcast_in_dim3A_74 = vector.broadcast %jit3A_73 : f32 to vector<256x512xf32>
    %select_n3A_75 = arith.select %ge3A_72, %concatenate3A_69, %broadcast_in_dim3A_74 : vector<256x512xi1>, vector<256x512xf32>
    %max3A_76 = arith.maximumf %select_n3A_66, %select_n3A_75 : vector<256x512xf32>
    %max3A_77 = arith.maximumf %max3A_56, %max3A_76 : vector<256x512xf32>
    %slice3A_78 = vector.extract_strided_slice %max3A_56 {offsets = [0, 2], sizes = [256, 510], strides = [1, 1]} : vector<256x512xf32> to vector<256x510xf32>
    %slice3A_79 = vector.extract_strided_slice %max3A_56 {offsets = [0, 0], sizes = [256, 2], strides = [1, 1]} : vector<256x512xf32> to vector<256x2xf32>
    %concatenate3A_80 = tpu.concatenate %slice3A_78, %slice3A_79 in 1 : vector<256x510xf32>, vector<256x2xf32> -> vector<256x512xf32>
    %lt3A_81 = arith.constant 510 : i32
    %lt3A_82 = vector.broadcast %lt3A_81 : i32 to vector<256x512xi32>
    %lt3A_83 = arith.cmpi slt, %iota3A_57, %lt3A_82 : vector<256x512xi32>
    %jit3A_84 = arith.constant 0xFF800000 : f32
    %broadcast_in_dim3A_85 = vector.broadcast %jit3A_84 : f32 to vector<256x512xf32>
    %select_n3A_86 = arith.select %lt3A_83, %concatenate3A_80, %broadcast_in_dim3A_85 : vector<256x512xi1>, vector<256x512xf32>
    %slice3A_87 = vector.extract_strided_slice %max3A_56 {offsets = [0, 510], sizes = [256, 2], strides = [1, 1]} : vector<256x512xf32> to vector<256x2xf32>
    %slice3A_88 = vector.extract_strided_slice %max3A_56 {offsets = [0, 0], sizes = [256, 510], strides = [1, 1]} : vector<256x512xf32> to vector<256x510xf32>
    %concatenate3A_89 = tpu.concatenate %slice3A_87, %slice3A_88 in 1 : vector<256x2xf32>, vector<256x510xf32> -> vector<256x512xf32>
    %ge3A_90 = arith.constant 2 : i32
    %ge3A_91 = vector.broadcast %ge3A_90 : i32 to vector<256x512xi32>
    %ge3A_92 = arith.cmpi sge, %iota3A_57, %ge3A_91 : vector<256x512xi32>
    %jit3A_93 = arith.constant 0xFF800000 : f32
    %broadcast_in_dim3A_94 = vector.broadcast %jit3A_93 : f32 to vector<256x512xf32>
    %select_n3A_95 = arith.select %ge3A_92, %concatenate3A_89, %broadcast_in_dim3A_94 : vector<256x512xi1>, vector<256x512xf32>
    %max3A_96 = arith.maximumf %select_n3A_86, %select_n3A_95 : vector<256x512xf32>
    %max3A_97 = arith.maximumf %max3A_77, %max3A_96 : vector<256x512xf32>
    %slice3A_98 = vector.extract_strided_slice %max3A_56 {offsets = [0, 3], sizes = [256, 509], strides = [1, 1]} : vector<256x512xf32> to vector<256x509xf32>
    %slice3A_99 = vector.extract_strided_slice %max3A_56 {offsets = [0, 0], sizes = [256, 3], strides = [1, 1]} : vector<256x512xf32> to vector<256x3xf32>
    %concatenate3A_100 = tpu.concatenate %slice3A_98, %slice3A_99 in 1 : vector<256x509xf32>, vector<256x3xf32> -> vector<256x512xf32>
    %lt3A_101 = arith.constant 509 : i32
    %lt3A_102 = vector.broadcast %lt3A_101 : i32 to vector<256x512xi32>
    %lt3A_103 = arith.cmpi slt, %iota3A_57, %lt3A_102 : vector<256x512xi32>
    %jit3A_104 = arith.constant 0xFF800000 : f32
    %broadcast_in_dim3A_105 = vector.broadcast %jit3A_104 : f32 to vector<256x512xf32>
    %select_n3A_106 = arith.select %lt3A_103, %concatenate3A_100, %broadcast_in_dim3A_105 : vector<256x512xi1>, vector<256x512xf32>
    %slice3A_107 = vector.extract_strided_slice %max3A_56 {offsets = [0, 509], sizes = [256, 3], strides = [1, 1]} : vector<256x512xf32> to vector<256x3xf32>
    %slice3A_108 = vector.extract_strided_slice %max3A_56 {offsets = [0, 0], sizes = [256, 509], strides = [1, 1]} : vector<256x512xf32> to vector<256x509xf32>
    %concatenate3A_109 = tpu.concatenate %slice3A_107, %slice3A_108 in 1 : vector<256x3xf32>, vector<256x509xf32> -> vector<256x512xf32>
    %ge3A_110 = arith.constant 3 : i32
    %ge3A_111 = vector.broadcast %ge3A_110 : i32 to vector<256x512xi32>
    %ge3A_112 = arith.cmpi sge, %iota3A_57, %ge3A_111 : vector<256x512xi32>
    %jit3A_113 = arith.constant 0xFF800000 : f32
    %broadcast_in_dim3A_114 = vector.broadcast %jit3A_113 : f32 to vector<256x512xf32>
    %select_n3A_115 = arith.select %ge3A_112, %concatenate3A_109, %broadcast_in_dim3A_114 : vector<256x512xi1>, vector<256x512xf32>
    %max3A_116 = arith.maximumf %select_n3A_106, %select_n3A_115 : vector<256x512xf32>
    %max3A_117 = arith.maximumf %max3A_97, %max3A_116 : vector<256x512xf32>
    %eq3A = arith.cmpf oeq, %get3A_4, %max3A_117 : vector<256x512xf32>
    %convert_element_type3A = arith.extui %eq3A : vector<256x512xi1> to vector<256x512xi32>
    %convert_element_type3A_118 = arith.sitofp %convert_element_type3A : vector<256x512xi32> to vector<256x512xf32>
    %iota3A_119 = tpu.iota {dimensions = array<i32: 0>} : vector<256x512xi32>
    %slice3A_120 = vector.extract_strided_slice %convert_element_type3A_118 {offsets = [1, 0], sizes = [255, 512], strides = [1, 1]} : vector<256x512xf32> to vector<255x512xf32>
    %slice3A_121 = vector.extract_strided_slice %convert_element_type3A_118 {offsets = [0, 0], sizes = [1, 512], strides = [1, 1]} : vector<256x512xf32> to vector<1x512xf32>
    %concatenate3A_122 = tpu.concatenate %slice3A_120, %slice3A_121 in 0 : vector<255x512xf32>, vector<1x512xf32> -> vector<256x512xf32>
    %lt3A_123 = arith.constant 255 : i32
    %lt3A_124 = vector.broadcast %lt3A_123 : i32 to vector<256x512xi32>
    %lt3A_125 = arith.cmpi slt, %iota3A_119, %lt3A_124 : vector<256x512xi32>
    %jit3A_126 = arith.constant 0xFF800000 : f32
    %broadcast_in_dim3A_127 = vector.broadcast %jit3A_126 : f32 to vector<256x512xf32>
    %select_n3A_128 = arith.select %lt3A_125, %concatenate3A_122, %broadcast_in_dim3A_127 : vector<256x512xi1>, vector<256x512xf32>
    %slice3A_129 = vector.extract_strided_slice %convert_element_type3A_118 {offsets = [255, 0], sizes = [1, 512], strides = [1, 1]} : vector<256x512xf32> to vector<1x512xf32>
    %slice3A_130 = vector.extract_strided_slice %convert_element_type3A_118 {offsets = [0, 0], sizes = [255, 512], strides = [1, 1]} : vector<256x512xf32> to vector<255x512xf32>
    %concatenate3A_131 = tpu.concatenate %slice3A_129, %slice3A_130 in 0 : vector<1x512xf32>, vector<255x512xf32> -> vector<256x512xf32>
    %ge3A_132 = arith.constant 1 : i32
    %ge3A_133 = vector.broadcast %ge3A_132 : i32 to vector<256x512xi32>
    %ge3A_134 = arith.cmpi sge, %iota3A_119, %ge3A_133 : vector<256x512xi32>
    %jit3A_135 = arith.constant 0xFF800000 : f32
    %broadcast_in_dim3A_136 = vector.broadcast %jit3A_135 : f32 to vector<256x512xf32>
    %select_n3A_137 = arith.select %ge3A_134, %concatenate3A_131, %broadcast_in_dim3A_136 : vector<256x512xi1>, vector<256x512xf32>
    %max3A_138 = arith.maximumf %select_n3A_128, %select_n3A_137 : vector<256x512xf32>
    %max3A_139 = arith.maximumf %convert_element_type3A_118, %max3A_138 : vector<256x512xf32>
    %slice3A_140 = vector.extract_strided_slice %convert_element_type3A_118 {offsets = [2, 0], sizes = [254, 512], strides = [1, 1]} : vector<256x512xf32> to vector<254x512xf32>
    %slice3A_141 = vector.extract_strided_slice %convert_element_type3A_118 {offsets = [0, 0], sizes = [2, 512], strides = [1, 1]} : vector<256x512xf32> to vector<2x512xf32>
    %concatenate3A_142 = tpu.concatenate %slice3A_140, %slice3A_141 in 0 : vector<254x512xf32>, vector<2x512xf32> -> vector<256x512xf32>
    %lt3A_143 = arith.constant 254 : i32
    %lt3A_144 = vector.broadcast %lt3A_143 : i32 to vector<256x512xi32>
    %lt3A_145 = arith.cmpi slt, %iota3A_119, %lt3A_144 : vector<256x512xi32>
    %jit3A_146 = arith.constant 0xFF800000 : f32
    %broadcast_in_dim3A_147 = vector.broadcast %jit3A_146 : f32 to vector<256x512xf32>
    %select_n3A_148 = arith.select %lt3A_145, %concatenate3A_142, %broadcast_in_dim3A_147 : vector<256x512xi1>, vector<256x512xf32>
    %slice3A_149 = vector.extract_strided_slice %convert_element_type3A_118 {offsets = [254, 0], sizes = [2, 512], strides = [1, 1]} : vector<256x512xf32> to vector<2x512xf32>
    %slice3A_150 = vector.extract_strided_slice %convert_element_type3A_118 {offsets = [0, 0], sizes = [254, 512], strides = [1, 1]} : vector<256x512xf32> to vector<254x512xf32>
    %concatenate3A_151 = tpu.concatenate %slice3A_149, %slice3A_150 in 0 : vector<2x512xf32>, vector<254x512xf32> -> vector<256x512xf32>
    %ge3A_152 = arith.constant 2 : i32
    %ge3A_153 = vector.broadcast %ge3A_152 : i32 to vector<256x512xi32>
    %ge3A_154 = arith.cmpi sge, %iota3A_119, %ge3A_153 : vector<256x512xi32>
    %jit3A_155 = arith.constant 0xFF800000 : f32
    %broadcast_in_dim3A_156 = vector.broadcast %jit3A_155 : f32 to vector<256x512xf32>
    %select_n3A_157 = arith.select %ge3A_154, %concatenate3A_151, %broadcast_in_dim3A_156 : vector<256x512xi1>, vector<256x512xf32>
    %max3A_158 = arith.maximumf %select_n3A_148, %select_n3A_157 : vector<256x512xf32>
    %max3A_159 = arith.maximumf %max3A_139, %max3A_158 : vector<256x512xf32>
    %slice3A_160 = vector.extract_strided_slice %convert_element_type3A_118 {offsets = [3, 0], sizes = [253, 512], strides = [1, 1]} : vector<256x512xf32> to vector<253x512xf32>
    %slice3A_161 = vector.extract_strided_slice %convert_element_type3A_118 {offsets = [0, 0], sizes = [3, 512], strides = [1, 1]} : vector<256x512xf32> to vector<3x512xf32>
    %concatenate3A_162 = tpu.concatenate %slice3A_160, %slice3A_161 in 0 : vector<253x512xf32>, vector<3x512xf32> -> vector<256x512xf32>
    %lt3A_163 = arith.constant 253 : i32
    %lt3A_164 = vector.broadcast %lt3A_163 : i32 to vector<256x512xi32>
    %lt3A_165 = arith.cmpi slt, %iota3A_119, %lt3A_164 : vector<256x512xi32>
    %jit3A_166 = arith.constant 0xFF800000 : f32
    %broadcast_in_dim3A_167 = vector.broadcast %jit3A_166 : f32 to vector<256x512xf32>
    %select_n3A_168 = arith.select %lt3A_165, %concatenate3A_162, %broadcast_in_dim3A_167 : vector<256x512xi1>, vector<256x512xf32>
    %slice3A_169 = vector.extract_strided_slice %convert_element_type3A_118 {offsets = [253, 0], sizes = [3, 512], strides = [1, 1]} : vector<256x512xf32> to vector<3x512xf32>
    %slice3A_170 = vector.extract_strided_slice %convert_element_type3A_118 {offsets = [0, 0], sizes = [253, 512], strides = [1, 1]} : vector<256x512xf32> to vector<253x512xf32>
    %concatenate3A_171 = tpu.concatenate %slice3A_169, %slice3A_170 in 0 : vector<3x512xf32>, vector<253x512xf32> -> vector<256x512xf32>
    %ge3A_172 = arith.constant 3 : i32
    %ge3A_173 = vector.broadcast %ge3A_172 : i32 to vector<256x512xi32>
    %ge3A_174 = arith.cmpi sge, %iota3A_119, %ge3A_173 : vector<256x512xi32>
    %jit3A_175 = arith.constant 0xFF800000 : f32
    %broadcast_in_dim3A_176 = vector.broadcast %jit3A_175 : f32 to vector<256x512xf32>
    %select_n3A_177 = arith.select %ge3A_174, %concatenate3A_171, %broadcast_in_dim3A_176 : vector<256x512xi1>, vector<256x512xf32>
    %max3A_178 = arith.maximumf %select_n3A_168, %select_n3A_177 : vector<256x512xf32>
    %max3A_179 = arith.maximumf %max3A_159, %max3A_178 : vector<256x512xf32>
    %iota3A_180 = tpu.iota {dimensions = array<i32: 1>} : vector<256x512xi32>
    %slice3A_181 = vector.extract_strided_slice %max3A_179 {offsets = [0, 1], sizes = [256, 511], strides = [1, 1]} : vector<256x512xf32> to vector<256x511xf32>
    %slice3A_182 = vector.extract_strided_slice %max3A_179 {offsets = [0, 0], sizes = [256, 1], strides = [1, 1]} : vector<256x512xf32> to vector<256x1xf32>
    %concatenate3A_183 = tpu.concatenate %slice3A_181, %slice3A_182 in 1 : vector<256x511xf32>, vector<256x1xf32> -> vector<256x512xf32>
    %lt3A_184 = arith.constant 511 : i32
    %lt3A_185 = vector.broadcast %lt3A_184 : i32 to vector<256x512xi32>
    %lt3A_186 = arith.cmpi slt, %iota3A_180, %lt3A_185 : vector<256x512xi32>
    %jit3A_187 = arith.constant 0xFF800000 : f32
    %broadcast_in_dim3A_188 = vector.broadcast %jit3A_187 : f32 to vector<256x512xf32>
    %select_n3A_189 = arith.select %lt3A_186, %concatenate3A_183, %broadcast_in_dim3A_188 : vector<256x512xi1>, vector<256x512xf32>
    %slice3A_190 = vector.extract_strided_slice %max3A_179 {offsets = [0, 511], sizes = [256, 1], strides = [1, 1]} : vector<256x512xf32> to vector<256x1xf32>
    %slice3A_191 = vector.extract_strided_slice %max3A_179 {offsets = [0, 0], sizes = [256, 511], strides = [1, 1]} : vector<256x512xf32> to vector<256x511xf32>
    %concatenate3A_192 = tpu.concatenate %slice3A_190, %slice3A_191 in 1 : vector<256x1xf32>, vector<256x511xf32> -> vector<256x512xf32>
    %ge3A_193 = arith.constant 1 : i32
    %ge3A_194 = vector.broadcast %ge3A_193 : i32 to vector<256x512xi32>
    %ge3A_195 = arith.cmpi sge, %iota3A_180, %ge3A_194 : vector<256x512xi32>
    %jit3A_196 = arith.constant 0xFF800000 : f32
    %broadcast_in_dim3A_197 = vector.broadcast %jit3A_196 : f32 to vector<256x512xf32>
    %select_n3A_198 = arith.select %ge3A_195, %concatenate3A_192, %broadcast_in_dim3A_197 : vector<256x512xi1>, vector<256x512xf32>
    %max3A_199 = arith.maximumf %select_n3A_189, %select_n3A_198 : vector<256x512xf32>
    %max3A_200 = arith.maximumf %max3A_179, %max3A_199 : vector<256x512xf32>
    %slice3A_201 = vector.extract_strided_slice %max3A_179 {offsets = [0, 2], sizes = [256, 510], strides = [1, 1]} : vector<256x512xf32> to vector<256x510xf32>
    %slice3A_202 = vector.extract_strided_slice %max3A_179 {offsets = [0, 0], sizes = [256, 2], strides = [1, 1]} : vector<256x512xf32> to vector<256x2xf32>
    %concatenate3A_203 = tpu.concatenate %slice3A_201, %slice3A_202 in 1 : vector<256x510xf32>, vector<256x2xf32> -> vector<256x512xf32>
    %lt3A_204 = arith.constant 510 : i32
    %lt3A_205 = vector.broadcast %lt3A_204 : i32 to vector<256x512xi32>
    %lt3A_206 = arith.cmpi slt, %iota3A_180, %lt3A_205 : vector<256x512xi32>
    %jit3A_207 = arith.constant 0xFF800000 : f32
    %broadcast_in_dim3A_208 = vector.broadcast %jit3A_207 : f32 to vector<256x512xf32>
    %select_n3A_209 = arith.select %lt3A_206, %concatenate3A_203, %broadcast_in_dim3A_208 : vector<256x512xi1>, vector<256x512xf32>
    %slice3A_210 = vector.extract_strided_slice %max3A_179 {offsets = [0, 510], sizes = [256, 2], strides = [1, 1]} : vector<256x512xf32> to vector<256x2xf32>
    %slice3A_211 = vector.extract_strided_slice %max3A_179 {offsets = [0, 0], sizes = [256, 510], strides = [1, 1]} : vector<256x512xf32> to vector<256x510xf32>
    %concatenate3A_212 = tpu.concatenate %slice3A_210, %slice3A_211 in 1 : vector<256x2xf32>, vector<256x510xf32> -> vector<256x512xf32>
    %ge3A_213 = arith.constant 2 : i32
    %ge3A_214 = vector.broadcast %ge3A_213 : i32 to vector<256x512xi32>
    %ge3A_215 = arith.cmpi sge, %iota3A_180, %ge3A_214 : vector<256x512xi32>
    %jit3A_216 = arith.constant 0xFF800000 : f32
    %broadcast_in_dim3A_217 = vector.broadcast %jit3A_216 : f32 to vector<256x512xf32>
    %select_n3A_218 = arith.select %ge3A_215, %concatenate3A_212, %broadcast_in_dim3A_217 : vector<256x512xi1>, vector<256x512xf32>
    %max3A_219 = arith.maximumf %select_n3A_209, %select_n3A_218 : vector<256x512xf32>
    %max3A_220 = arith.maximumf %max3A_200, %max3A_219 : vector<256x512xf32>
    %slice3A_221 = vector.extract_strided_slice %max3A_179 {offsets = [0, 3], sizes = [256, 509], strides = [1, 1]} : vector<256x512xf32> to vector<256x509xf32>
    %slice3A_222 = vector.extract_strided_slice %max3A_179 {offsets = [0, 0], sizes = [256, 3], strides = [1, 1]} : vector<256x512xf32> to vector<256x3xf32>
    %concatenate3A_223 = tpu.concatenate %slice3A_221, %slice3A_222 in 1 : vector<256x509xf32>, vector<256x3xf32> -> vector<256x512xf32>
    %lt3A_224 = arith.constant 509 : i32
    %lt3A_225 = vector.broadcast %lt3A_224 : i32 to vector<256x512xi32>
    %lt3A_226 = arith.cmpi slt, %iota3A_180, %lt3A_225 : vector<256x512xi32>
    %jit3A_227 = arith.constant 0xFF800000 : f32
    %broadcast_in_dim3A_228 = vector.broadcast %jit3A_227 : f32 to vector<256x512xf32>
    %select_n3A_229 = arith.select %lt3A_226, %concatenate3A_223, %broadcast_in_dim3A_228 : vector<256x512xi1>, vector<256x512xf32>
    %slice3A_230 = vector.extract_strided_slice %max3A_179 {offsets = [0, 509], sizes = [256, 3], strides = [1, 1]} : vector<256x512xf32> to vector<256x3xf32>
    %slice3A_231 = vector.extract_strided_slice %max3A_179 {offsets = [0, 0], sizes = [256, 509], strides = [1, 1]} : vector<256x512xf32> to vector<256x509xf32>
    %concatenate3A_232 = tpu.concatenate %slice3A_230, %slice3A_231 in 1 : vector<256x3xf32>, vector<256x509xf32> -> vector<256x512xf32>
    %ge3A_233 = arith.constant 3 : i32
    %ge3A_234 = vector.broadcast %ge3A_233 : i32 to vector<256x512xi32>
    %ge3A_235 = arith.cmpi sge, %iota3A_180, %ge3A_234 : vector<256x512xi32>
    %jit3A_236 = arith.constant 0xFF800000 : f32
    %broadcast_in_dim3A_237 = vector.broadcast %jit3A_236 : f32 to vector<256x512xf32>
    %select_n3A_238 = arith.select %ge3A_235, %concatenate3A_232, %broadcast_in_dim3A_237 : vector<256x512xi1>, vector<256x512xf32>
    %max3A_239 = arith.maximumf %select_n3A_229, %select_n3A_238 : vector<256x512xf32>
    %max3A_240 = arith.maximumf %max3A_220, %max3A_239 : vector<256x512xf32>
    %gt3A = arith.constant 0.000000e+00 : f32
    %gt3A_241 = vector.broadcast %gt3A : f32 to vector<256x512xf32>
    %gt3A_242 = arith.cmpf ogt, %max3A_240, %gt3A_241 : vector<256x512xf32>
    %jit3A_243 = arith.constant 0.000000e+00 : f32
    %broadcast_in_dim3A_244 = vector.broadcast %jit3A_243 : f32 to vector<256x512xf32>
    %select_n3A_245 = arith.select %gt3A_242, %broadcast_in_dim3A_244, %get3A_4 : vector<256x512xi1>, vector<256x512xf32>
    %iota3A_246 = tpu.iota {dimensions = array<i32: 0>} : vector<256x512xi32>
    %slice3A_247 = vector.extract_strided_slice %select_n3A_245 {offsets = [1, 0], sizes = [255, 512], strides = [1, 1]} : vector<256x512xf32> to vector<255x512xf32>
    %slice3A_248 = vector.extract_strided_slice %select_n3A_245 {offsets = [0, 0], sizes = [1, 512], strides = [1, 1]} : vector<256x512xf32> to vector<1x512xf32>
    %concatenate3A_249 = tpu.concatenate %slice3A_247, %slice3A_248 in 0 : vector<255x512xf32>, vector<1x512xf32> -> vector<256x512xf32>
    %lt3A_250 = arith.constant 255 : i32
    %lt3A_251 = vector.broadcast %lt3A_250 : i32 to vector<256x512xi32>
    %lt3A_252 = arith.cmpi slt, %iota3A_246, %lt3A_251 : vector<256x512xi32>
    %jit3A_253 = arith.constant 0xFF800000 : f32
    %broadcast_in_dim3A_254 = vector.broadcast %jit3A_253 : f32 to vector<256x512xf32>
    %select_n3A_255 = arith.select %lt3A_252, %concatenate3A_249, %broadcast_in_dim3A_254 : vector<256x512xi1>, vector<256x512xf32>
    %slice3A_256 = vector.extract_strided_slice %select_n3A_245 {offsets = [255, 0], sizes = [1, 512], strides = [1, 1]} : vector<256x512xf32> to vector<1x512xf32>
    %slice3A_257 = vector.extract_strided_slice %select_n3A_245 {offsets = [0, 0], sizes = [255, 512], strides = [1, 1]} : vector<256x512xf32> to vector<255x512xf32>
    %concatenate3A_258 = tpu.concatenate %slice3A_256, %slice3A_257 in 0 : vector<1x512xf32>, vector<255x512xf32> -> vector<256x512xf32>
    %ge3A_259 = arith.constant 1 : i32
    %ge3A_260 = vector.broadcast %ge3A_259 : i32 to vector<256x512xi32>
    %ge3A_261 = arith.cmpi sge, %iota3A_246, %ge3A_260 : vector<256x512xi32>
    %jit3A_262 = arith.constant 0xFF800000 : f32
    %broadcast_in_dim3A_263 = vector.broadcast %jit3A_262 : f32 to vector<256x512xf32>
    %select_n3A_264 = arith.select %ge3A_261, %concatenate3A_258, %broadcast_in_dim3A_263 : vector<256x512xi1>, vector<256x512xf32>
    %max3A_265 = arith.maximumf %select_n3A_255, %select_n3A_264 : vector<256x512xf32>
    %max3A_266 = arith.maximumf %select_n3A_245, %max3A_265 : vector<256x512xf32>
    %slice3A_267 = vector.extract_strided_slice %select_n3A_245 {offsets = [2, 0], sizes = [254, 512], strides = [1, 1]} : vector<256x512xf32> to vector<254x512xf32>
    %slice3A_268 = vector.extract_strided_slice %select_n3A_245 {offsets = [0, 0], sizes = [2, 512], strides = [1, 1]} : vector<256x512xf32> to vector<2x512xf32>
    %concatenate3A_269 = tpu.concatenate %slice3A_267, %slice3A_268 in 0 : vector<254x512xf32>, vector<2x512xf32> -> vector<256x512xf32>
    %lt3A_270 = arith.constant 254 : i32
    %lt3A_271 = vector.broadcast %lt3A_270 : i32 to vector<256x512xi32>
    %lt3A_272 = arith.cmpi slt, %iota3A_246, %lt3A_271 : vector<256x512xi32>
    %jit3A_273 = arith.constant 0xFF800000 : f32
    %broadcast_in_dim3A_274 = vector.broadcast %jit3A_273 : f32 to vector<256x512xf32>
    %select_n3A_275 = arith.select %lt3A_272, %concatenate3A_269, %broadcast_in_dim3A_274 : vector<256x512xi1>, vector<256x512xf32>
    %slice3A_276 = vector.extract_strided_slice %select_n3A_245 {offsets = [254, 0], sizes = [2, 512], strides = [1, 1]} : vector<256x512xf32> to vector<2x512xf32>
    %slice3A_277 = vector.extract_strided_slice %select_n3A_245 {offsets = [0, 0], sizes = [254, 512], strides = [1, 1]} : vector<256x512xf32> to vector<254x512xf32>
    %concatenate3A_278 = tpu.concatenate %slice3A_276, %slice3A_277 in 0 : vector<2x512xf32>, vector<254x512xf32> -> vector<256x512xf32>
    %ge3A_279 = arith.constant 2 : i32
    %ge3A_280 = vector.broadcast %ge3A_279 : i32 to vector<256x512xi32>
    %ge3A_281 = arith.cmpi sge, %iota3A_246, %ge3A_280 : vector<256x512xi32>
    %jit3A_282 = arith.constant 0xFF800000 : f32
    %broadcast_in_dim3A_283 = vector.broadcast %jit3A_282 : f32 to vector<256x512xf32>
    %select_n3A_284 = arith.select %ge3A_281, %concatenate3A_278, %broadcast_in_dim3A_283 : vector<256x512xi1>, vector<256x512xf32>
    %max3A_285 = arith.maximumf %select_n3A_275, %select_n3A_284 : vector<256x512xf32>
    %max3A_286 = arith.maximumf %max3A_266, %max3A_285 : vector<256x512xf32>
    %slice3A_287 = vector.extract_strided_slice %select_n3A_245 {offsets = [3, 0], sizes = [253, 512], strides = [1, 1]} : vector<256x512xf32> to vector<253x512xf32>
    %slice3A_288 = vector.extract_strided_slice %select_n3A_245 {offsets = [0, 0], sizes = [3, 512], strides = [1, 1]} : vector<256x512xf32> to vector<3x512xf32>
    %concatenate3A_289 = tpu.concatenate %slice3A_287, %slice3A_288 in 0 : vector<253x512xf32>, vector<3x512xf32> -> vector<256x512xf32>
    %lt3A_290 = arith.constant 253 : i32
    %lt3A_291 = vector.broadcast %lt3A_290 : i32 to vector<256x512xi32>
    %lt3A_292 = arith.cmpi slt, %iota3A_246, %lt3A_291 : vector<256x512xi32>
    %jit3A_293 = arith.constant 0xFF800000 : f32
    %broadcast_in_dim3A_294 = vector.broadcast %jit3A_293 : f32 to vector<256x512xf32>
    %select_n3A_295 = arith.select %lt3A_292, %concatenate3A_289, %broadcast_in_dim3A_294 : vector<256x512xi1>, vector<256x512xf32>
    %slice3A_296 = vector.extract_strided_slice %select_n3A_245 {offsets = [253, 0], sizes = [3, 512], strides = [1, 1]} : vector<256x512xf32> to vector<3x512xf32>
    %slice3A_297 = vector.extract_strided_slice %select_n3A_245 {offsets = [0, 0], sizes = [253, 512], strides = [1, 1]} : vector<256x512xf32> to vector<253x512xf32>
    %concatenate3A_298 = tpu.concatenate %slice3A_296, %slice3A_297 in 0 : vector<3x512xf32>, vector<253x512xf32> -> vector<256x512xf32>
    %ge3A_299 = arith.constant 3 : i32
    %ge3A_300 = vector.broadcast %ge3A_299 : i32 to vector<256x512xi32>
    %ge3A_301 = arith.cmpi sge, %iota3A_246, %ge3A_300 : vector<256x512xi32>
    %jit3A_302 = arith.constant 0xFF800000 : f32
    %broadcast_in_dim3A_303 = vector.broadcast %jit3A_302 : f32 to vector<256x512xf32>
    %select_n3A_304 = arith.select %ge3A_301, %concatenate3A_298, %broadcast_in_dim3A_303 : vector<256x512xi1>, vector<256x512xf32>
    %max3A_305 = arith.maximumf %select_n3A_295, %select_n3A_304 : vector<256x512xf32>
    %max3A_306 = arith.maximumf %max3A_286, %max3A_305 : vector<256x512xf32>
    %iota3A_307 = tpu.iota {dimensions = array<i32: 1>} : vector<256x512xi32>
    %slice3A_308 = vector.extract_strided_slice %max3A_306 {offsets = [0, 1], sizes = [256, 511], strides = [1, 1]} : vector<256x512xf32> to vector<256x511xf32>
    %slice3A_309 = vector.extract_strided_slice %max3A_306 {offsets = [0, 0], sizes = [256, 1], strides = [1, 1]} : vector<256x512xf32> to vector<256x1xf32>
    %concatenate3A_310 = tpu.concatenate %slice3A_308, %slice3A_309 in 1 : vector<256x511xf32>, vector<256x1xf32> -> vector<256x512xf32>
    %lt3A_311 = arith.constant 511 : i32
    %lt3A_312 = vector.broadcast %lt3A_311 : i32 to vector<256x512xi32>
    %lt3A_313 = arith.cmpi slt, %iota3A_307, %lt3A_312 : vector<256x512xi32>
    %jit3A_314 = arith.constant 0xFF800000 : f32
    %broadcast_in_dim3A_315 = vector.broadcast %jit3A_314 : f32 to vector<256x512xf32>
    %select_n3A_316 = arith.select %lt3A_313, %concatenate3A_310, %broadcast_in_dim3A_315 : vector<256x512xi1>, vector<256x512xf32>
    %slice3A_317 = vector.extract_strided_slice %max3A_306 {offsets = [0, 511], sizes = [256, 1], strides = [1, 1]} : vector<256x512xf32> to vector<256x1xf32>
    %slice3A_318 = vector.extract_strided_slice %max3A_306 {offsets = [0, 0], sizes = [256, 511], strides = [1, 1]} : vector<256x512xf32> to vector<256x511xf32>
    %concatenate3A_319 = tpu.concatenate %slice3A_317, %slice3A_318 in 1 : vector<256x1xf32>, vector<256x511xf32> -> vector<256x512xf32>
    %ge3A_320 = arith.constant 1 : i32
    %ge3A_321 = vector.broadcast %ge3A_320 : i32 to vector<256x512xi32>
    %ge3A_322 = arith.cmpi sge, %iota3A_307, %ge3A_321 : vector<256x512xi32>
    %jit3A_323 = arith.constant 0xFF800000 : f32
    %broadcast_in_dim3A_324 = vector.broadcast %jit3A_323 : f32 to vector<256x512xf32>
    %select_n3A_325 = arith.select %ge3A_322, %concatenate3A_319, %broadcast_in_dim3A_324 : vector<256x512xi1>, vector<256x512xf32>
    %max3A_326 = arith.maximumf %select_n3A_316, %select_n3A_325 : vector<256x512xf32>
    %max3A_327 = arith.maximumf %max3A_306, %max3A_326 : vector<256x512xf32>
    %slice3A_328 = vector.extract_strided_slice %max3A_306 {offsets = [0, 2], sizes = [256, 510], strides = [1, 1]} : vector<256x512xf32> to vector<256x510xf32>
    %slice3A_329 = vector.extract_strided_slice %max3A_306 {offsets = [0, 0], sizes = [256, 2], strides = [1, 1]} : vector<256x512xf32> to vector<256x2xf32>
    %concatenate3A_330 = tpu.concatenate %slice3A_328, %slice3A_329 in 1 : vector<256x510xf32>, vector<256x2xf32> -> vector<256x512xf32>
    %lt3A_331 = arith.constant 510 : i32
    %lt3A_332 = vector.broadcast %lt3A_331 : i32 to vector<256x512xi32>
    %lt3A_333 = arith.cmpi slt, %iota3A_307, %lt3A_332 : vector<256x512xi32>
    %jit3A_334 = arith.constant 0xFF800000 : f32
    %broadcast_in_dim3A_335 = vector.broadcast %jit3A_334 : f32 to vector<256x512xf32>
    %select_n3A_336 = arith.select %lt3A_333, %concatenate3A_330, %broadcast_in_dim3A_335 : vector<256x512xi1>, vector<256x512xf32>
    %slice3A_337 = vector.extract_strided_slice %max3A_306 {offsets = [0, 510], sizes = [256, 2], strides = [1, 1]} : vector<256x512xf32> to vector<256x2xf32>
    %slice3A_338 = vector.extract_strided_slice %max3A_306 {offsets = [0, 0], sizes = [256, 510], strides = [1, 1]} : vector<256x512xf32> to vector<256x510xf32>
    %concatenate3A_339 = tpu.concatenate %slice3A_337, %slice3A_338 in 1 : vector<256x2xf32>, vector<256x510xf32> -> vector<256x512xf32>
    %ge3A_340 = arith.constant 2 : i32
    %ge3A_341 = vector.broadcast %ge3A_340 : i32 to vector<256x512xi32>
    %ge3A_342 = arith.cmpi sge, %iota3A_307, %ge3A_341 : vector<256x512xi32>
    %jit3A_343 = arith.constant 0xFF800000 : f32
    %broadcast_in_dim3A_344 = vector.broadcast %jit3A_343 : f32 to vector<256x512xf32>
    %select_n3A_345 = arith.select %ge3A_342, %concatenate3A_339, %broadcast_in_dim3A_344 : vector<256x512xi1>, vector<256x512xf32>
    %max3A_346 = arith.maximumf %select_n3A_336, %select_n3A_345 : vector<256x512xf32>
    %max3A_347 = arith.maximumf %max3A_327, %max3A_346 : vector<256x512xf32>
    %slice3A_348 = vector.extract_strided_slice %max3A_306 {offsets = [0, 3], sizes = [256, 509], strides = [1, 1]} : vector<256x512xf32> to vector<256x509xf32>
    %slice3A_349 = vector.extract_strided_slice %max3A_306 {offsets = [0, 0], sizes = [256, 3], strides = [1, 1]} : vector<256x512xf32> to vector<256x3xf32>
    %concatenate3A_350 = tpu.concatenate %slice3A_348, %slice3A_349 in 1 : vector<256x509xf32>, vector<256x3xf32> -> vector<256x512xf32>
    %lt3A_351 = arith.constant 509 : i32
    %lt3A_352 = vector.broadcast %lt3A_351 : i32 to vector<256x512xi32>
    %lt3A_353 = arith.cmpi slt, %iota3A_307, %lt3A_352 : vector<256x512xi32>
    %jit3A_354 = arith.constant 0xFF800000 : f32
    %broadcast_in_dim3A_355 = vector.broadcast %jit3A_354 : f32 to vector<256x512xf32>
    %select_n3A_356 = arith.select %lt3A_353, %concatenate3A_350, %broadcast_in_dim3A_355 : vector<256x512xi1>, vector<256x512xf32>
    %slice3A_357 = vector.extract_strided_slice %max3A_306 {offsets = [0, 509], sizes = [256, 3], strides = [1, 1]} : vector<256x512xf32> to vector<256x3xf32>
    %slice3A_358 = vector.extract_strided_slice %max3A_306 {offsets = [0, 0], sizes = [256, 509], strides = [1, 1]} : vector<256x512xf32> to vector<256x509xf32>
    %concatenate3A_359 = tpu.concatenate %slice3A_357, %slice3A_358 in 1 : vector<256x3xf32>, vector<256x509xf32> -> vector<256x512xf32>
    %ge3A_360 = arith.constant 3 : i32
    %ge3A_361 = vector.broadcast %ge3A_360 : i32 to vector<256x512xi32>
    %ge3A_362 = arith.cmpi sge, %iota3A_307, %ge3A_361 : vector<256x512xi32>
    %jit3A_363 = arith.constant 0xFF800000 : f32
    %broadcast_in_dim3A_364 = vector.broadcast %jit3A_363 : f32 to vector<256x512xf32>
    %select_n3A_365 = arith.select %ge3A_362, %concatenate3A_359, %broadcast_in_dim3A_364 : vector<256x512xi1>, vector<256x512xf32>
    %max3A_366 = arith.maximumf %select_n3A_356, %select_n3A_365 : vector<256x512xf32>
    %max3A_367 = arith.maximumf %max3A_347, %max3A_366 : vector<256x512xf32>
    %eq3A_368 = arith.cmpf oeq, %select_n3A_245, %max3A_367 : vector<256x512xf32>
    %not3A = arith.constant dense<true> : vector<256x512xi1>
    %not3A_369 = arith.xori %gt3A_242, %not3A : vector<256x512xi1>
    %and3A = arith.andi %eq3A_368, %not3A_369 : vector<256x512xi1>
    %or3A = arith.ori %eq3A, %and3A : vector<256x512xi1>
    %convert_element_type3A_370 = arith.extui %or3A : vector<256x512xi1> to vector<256x512xi32>
    %convert_element_type3A_371 = arith.sitofp %convert_element_type3A_370 : vector<256x512xi32> to vector<256x512xf32>
    %iota3A_372 = tpu.iota {dimensions = array<i32: 0>} : vector<256x512xi32>
    %slice3A_373 = vector.extract_strided_slice %convert_element_type3A_371 {offsets = [1, 0], sizes = [255, 512], strides = [1, 1]} : vector<256x512xf32> to vector<255x512xf32>
    %slice3A_374 = vector.extract_strided_slice %convert_element_type3A_371 {offsets = [0, 0], sizes = [1, 512], strides = [1, 1]} : vector<256x512xf32> to vector<1x512xf32>
    %concatenate3A_375 = tpu.concatenate %slice3A_373, %slice3A_374 in 0 : vector<255x512xf32>, vector<1x512xf32> -> vector<256x512xf32>
    %lt3A_376 = arith.constant 255 : i32
    %lt3A_377 = vector.broadcast %lt3A_376 : i32 to vector<256x512xi32>
    %lt3A_378 = arith.cmpi slt, %iota3A_372, %lt3A_377 : vector<256x512xi32>
    %jit3A_379 = arith.constant 0xFF800000 : f32
    %broadcast_in_dim3A_380 = vector.broadcast %jit3A_379 : f32 to vector<256x512xf32>
    %select_n3A_381 = arith.select %lt3A_378, %concatenate3A_375, %broadcast_in_dim3A_380 : vector<256x512xi1>, vector<256x512xf32>
    %slice3A_382 = vector.extract_strided_slice %convert_element_type3A_371 {offsets = [255, 0], sizes = [1, 512], strides = [1, 1]} : vector<256x512xf32> to vector<1x512xf32>
    %slice3A_383 = vector.extract_strided_slice %convert_element_type3A_371 {offsets = [0, 0], sizes = [255, 512], strides = [1, 1]} : vector<256x512xf32> to vector<255x512xf32>
    %concatenate3A_384 = tpu.concatenate %slice3A_382, %slice3A_383 in 0 : vector<1x512xf32>, vector<255x512xf32> -> vector<256x512xf32>
    %ge3A_385 = arith.constant 1 : i32
    %ge3A_386 = vector.broadcast %ge3A_385 : i32 to vector<256x512xi32>
    %ge3A_387 = arith.cmpi sge, %iota3A_372, %ge3A_386 : vector<256x512xi32>
    %jit3A_388 = arith.constant 0xFF800000 : f32
    %broadcast_in_dim3A_389 = vector.broadcast %jit3A_388 : f32 to vector<256x512xf32>
    %select_n3A_390 = arith.select %ge3A_387, %concatenate3A_384, %broadcast_in_dim3A_389 : vector<256x512xi1>, vector<256x512xf32>
    %max3A_391 = arith.maximumf %select_n3A_381, %select_n3A_390 : vector<256x512xf32>
    %max3A_392 = arith.maximumf %convert_element_type3A_371, %max3A_391 : vector<256x512xf32>
    %slice3A_393 = vector.extract_strided_slice %convert_element_type3A_371 {offsets = [2, 0], sizes = [254, 512], strides = [1, 1]} : vector<256x512xf32> to vector<254x512xf32>
    %slice3A_394 = vector.extract_strided_slice %convert_element_type3A_371 {offsets = [0, 0], sizes = [2, 512], strides = [1, 1]} : vector<256x512xf32> to vector<2x512xf32>
    %concatenate3A_395 = tpu.concatenate %slice3A_393, %slice3A_394 in 0 : vector<254x512xf32>, vector<2x512xf32> -> vector<256x512xf32>
    %lt3A_396 = arith.constant 254 : i32
    %lt3A_397 = vector.broadcast %lt3A_396 : i32 to vector<256x512xi32>
    %lt3A_398 = arith.cmpi slt, %iota3A_372, %lt3A_397 : vector<256x512xi32>
    %jit3A_399 = arith.constant 0xFF800000 : f32
    %broadcast_in_dim3A_400 = vector.broadcast %jit3A_399 : f32 to vector<256x512xf32>
    %select_n3A_401 = arith.select %lt3A_398, %concatenate3A_395, %broadcast_in_dim3A_400 : vector<256x512xi1>, vector<256x512xf32>
    %slice3A_402 = vector.extract_strided_slice %convert_element_type3A_371 {offsets = [254, 0], sizes = [2, 512], strides = [1, 1]} : vector<256x512xf32> to vector<2x512xf32>
    %slice3A_403 = vector.extract_strided_slice %convert_element_type3A_371 {offsets = [0, 0], sizes = [254, 512], strides = [1, 1]} : vector<256x512xf32> to vector<254x512xf32>
    %concatenate3A_404 = tpu.concatenate %slice3A_402, %slice3A_403 in 0 : vector<2x512xf32>, vector<254x512xf32> -> vector<256x512xf32>
    %ge3A_405 = arith.constant 2 : i32
    %ge3A_406 = vector.broadcast %ge3A_405 : i32 to vector<256x512xi32>
    %ge3A_407 = arith.cmpi sge, %iota3A_372, %ge3A_406 : vector<256x512xi32>
    %jit3A_408 = arith.constant 0xFF800000 : f32
    %broadcast_in_dim3A_409 = vector.broadcast %jit3A_408 : f32 to vector<256x512xf32>
    %select_n3A_410 = arith.select %ge3A_407, %concatenate3A_404, %broadcast_in_dim3A_409 : vector<256x512xi1>, vector<256x512xf32>
    %max3A_411 = arith.maximumf %select_n3A_401, %select_n3A_410 : vector<256x512xf32>
    %max3A_412 = arith.maximumf %max3A_392, %max3A_411 : vector<256x512xf32>
    %slice3A_413 = vector.extract_strided_slice %convert_element_type3A_371 {offsets = [3, 0], sizes = [253, 512], strides = [1, 1]} : vector<256x512xf32> to vector<253x512xf32>
    %slice3A_414 = vector.extract_strided_slice %convert_element_type3A_371 {offsets = [0, 0], sizes = [3, 512], strides = [1, 1]} : vector<256x512xf32> to vector<3x512xf32>
    %concatenate3A_415 = tpu.concatenate %slice3A_413, %slice3A_414 in 0 : vector<253x512xf32>, vector<3x512xf32> -> vector<256x512xf32>
    %lt3A_416 = arith.constant 253 : i32
    %lt3A_417 = vector.broadcast %lt3A_416 : i32 to vector<256x512xi32>
    %lt3A_418 = arith.cmpi slt, %iota3A_372, %lt3A_417 : vector<256x512xi32>
    %jit3A_419 = arith.constant 0xFF800000 : f32
    %broadcast_in_dim3A_420 = vector.broadcast %jit3A_419 : f32 to vector<256x512xf32>
    %select_n3A_421 = arith.select %lt3A_418, %concatenate3A_415, %broadcast_in_dim3A_420 : vector<256x512xi1>, vector<256x512xf32>
    %slice3A_422 = vector.extract_strided_slice %convert_element_type3A_371 {offsets = [253, 0], sizes = [3, 512], strides = [1, 1]} : vector<256x512xf32> to vector<3x512xf32>
    %slice3A_423 = vector.extract_strided_slice %convert_element_type3A_371 {offsets = [0, 0], sizes = [253, 512], strides = [1, 1]} : vector<256x512xf32> to vector<253x512xf32>
    %concatenate3A_424 = tpu.concatenate %slice3A_422, %slice3A_423 in 0 : vector<3x512xf32>, vector<253x512xf32> -> vector<256x512xf32>
    %ge3A_425 = arith.constant 3 : i32
    %ge3A_426 = vector.broadcast %ge3A_425 : i32 to vector<256x512xi32>
    %ge3A_427 = arith.cmpi sge, %iota3A_372, %ge3A_426 : vector<256x512xi32>
    %jit3A_428 = arith.constant 0xFF800000 : f32
    %broadcast_in_dim3A_429 = vector.broadcast %jit3A_428 : f32 to vector<256x512xf32>
    %select_n3A_430 = arith.select %ge3A_427, %concatenate3A_424, %broadcast_in_dim3A_429 : vector<256x512xi1>, vector<256x512xf32>
    %max3A_431 = arith.maximumf %select_n3A_421, %select_n3A_430 : vector<256x512xf32>
    %max3A_432 = arith.maximumf %max3A_412, %max3A_431 : vector<256x512xf32>
    %iota3A_433 = tpu.iota {dimensions = array<i32: 1>} : vector<256x512xi32>
    %slice3A_434 = vector.extract_strided_slice %max3A_432 {offsets = [0, 1], sizes = [256, 511], strides = [1, 1]} : vector<256x512xf32> to vector<256x511xf32>
    %slice3A_435 = vector.extract_strided_slice %max3A_432 {offsets = [0, 0], sizes = [256, 1], strides = [1, 1]} : vector<256x512xf32> to vector<256x1xf32>
    %concatenate3A_436 = tpu.concatenate %slice3A_434, %slice3A_435 in 1 : vector<256x511xf32>, vector<256x1xf32> -> vector<256x512xf32>
    %lt3A_437 = arith.constant 511 : i32
    %lt3A_438 = vector.broadcast %lt3A_437 : i32 to vector<256x512xi32>
    %lt3A_439 = arith.cmpi slt, %iota3A_433, %lt3A_438 : vector<256x512xi32>
    %jit3A_440 = arith.constant 0xFF800000 : f32
    %broadcast_in_dim3A_441 = vector.broadcast %jit3A_440 : f32 to vector<256x512xf32>
    %select_n3A_442 = arith.select %lt3A_439, %concatenate3A_436, %broadcast_in_dim3A_441 : vector<256x512xi1>, vector<256x512xf32>
    %slice3A_443 = vector.extract_strided_slice %max3A_432 {offsets = [0, 511], sizes = [256, 1], strides = [1, 1]} : vector<256x512xf32> to vector<256x1xf32>
    %slice3A_444 = vector.extract_strided_slice %max3A_432 {offsets = [0, 0], sizes = [256, 511], strides = [1, 1]} : vector<256x512xf32> to vector<256x511xf32>
    %concatenate3A_445 = tpu.concatenate %slice3A_443, %slice3A_444 in 1 : vector<256x1xf32>, vector<256x511xf32> -> vector<256x512xf32>
    %ge3A_446 = arith.constant 1 : i32
    %ge3A_447 = vector.broadcast %ge3A_446 : i32 to vector<256x512xi32>
    %ge3A_448 = arith.cmpi sge, %iota3A_433, %ge3A_447 : vector<256x512xi32>
    %jit3A_449 = arith.constant 0xFF800000 : f32
    %broadcast_in_dim3A_450 = vector.broadcast %jit3A_449 : f32 to vector<256x512xf32>
    %select_n3A_451 = arith.select %ge3A_448, %concatenate3A_445, %broadcast_in_dim3A_450 : vector<256x512xi1>, vector<256x512xf32>
    %max3A_452 = arith.maximumf %select_n3A_442, %select_n3A_451 : vector<256x512xf32>
    %max3A_453 = arith.maximumf %max3A_432, %max3A_452 : vector<256x512xf32>
    %slice3A_454 = vector.extract_strided_slice %max3A_432 {offsets = [0, 2], sizes = [256, 510], strides = [1, 1]} : vector<256x512xf32> to vector<256x510xf32>
    %slice3A_455 = vector.extract_strided_slice %max3A_432 {offsets = [0, 0], sizes = [256, 2], strides = [1, 1]} : vector<256x512xf32> to vector<256x2xf32>
    %concatenate3A_456 = tpu.concatenate %slice3A_454, %slice3A_455 in 1 : vector<256x510xf32>, vector<256x2xf32> -> vector<256x512xf32>
    %lt3A_457 = arith.constant 510 : i32
    %lt3A_458 = vector.broadcast %lt3A_457 : i32 to vector<256x512xi32>
    %lt3A_459 = arith.cmpi slt, %iota3A_433, %lt3A_458 : vector<256x512xi32>
    %jit3A_460 = arith.constant 0xFF800000 : f32
    %broadcast_in_dim3A_461 = vector.broadcast %jit3A_460 : f32 to vector<256x512xf32>
    %select_n3A_462 = arith.select %lt3A_459, %concatenate3A_456, %broadcast_in_dim3A_461 : vector<256x512xi1>, vector<256x512xf32>
    %slice3A_463 = vector.extract_strided_slice %max3A_432 {offsets = [0, 510], sizes = [256, 2], strides = [1, 1]} : vector<256x512xf32> to vector<256x2xf32>
    %slice3A_464 = vector.extract_strided_slice %max3A_432 {offsets = [0, 0], sizes = [256, 510], strides = [1, 1]} : vector<256x512xf32> to vector<256x510xf32>
    %concatenate3A_465 = tpu.concatenate %slice3A_463, %slice3A_464 in 1 : vector<256x2xf32>, vector<256x510xf32> -> vector<256x512xf32>
    %ge3A_466 = arith.constant 2 : i32
    %ge3A_467 = vector.broadcast %ge3A_466 : i32 to vector<256x512xi32>
    %ge3A_468 = arith.cmpi sge, %iota3A_433, %ge3A_467 : vector<256x512xi32>
    %jit3A_469 = arith.constant 0xFF800000 : f32
    %broadcast_in_dim3A_470 = vector.broadcast %jit3A_469 : f32 to vector<256x512xf32>
    %select_n3A_471 = arith.select %ge3A_468, %concatenate3A_465, %broadcast_in_dim3A_470 : vector<256x512xi1>, vector<256x512xf32>
    %max3A_472 = arith.maximumf %select_n3A_462, %select_n3A_471 : vector<256x512xf32>
    %max3A_473 = arith.maximumf %max3A_453, %max3A_472 : vector<256x512xf32>
    %slice3A_474 = vector.extract_strided_slice %max3A_432 {offsets = [0, 3], sizes = [256, 509], strides = [1, 1]} : vector<256x512xf32> to vector<256x509xf32>
    %slice3A_475 = vector.extract_strided_slice %max3A_432 {offsets = [0, 0], sizes = [256, 3], strides = [1, 1]} : vector<256x512xf32> to vector<256x3xf32>
    %concatenate3A_476 = tpu.concatenate %slice3A_474, %slice3A_475 in 1 : vector<256x509xf32>, vector<256x3xf32> -> vector<256x512xf32>
    %lt3A_477 = arith.constant 509 : i32
    %lt3A_478 = vector.broadcast %lt3A_477 : i32 to vector<256x512xi32>
    %lt3A_479 = arith.cmpi slt, %iota3A_433, %lt3A_478 : vector<256x512xi32>
    %jit3A_480 = arith.constant 0xFF800000 : f32
    %broadcast_in_dim3A_481 = vector.broadcast %jit3A_480 : f32 to vector<256x512xf32>
    %select_n3A_482 = arith.select %lt3A_479, %concatenate3A_476, %broadcast_in_dim3A_481 : vector<256x512xi1>, vector<256x512xf32>
    %slice3A_483 = vector.extract_strided_slice %max3A_432 {offsets = [0, 509], sizes = [256, 3], strides = [1, 1]} : vector<256x512xf32> to vector<256x3xf32>
    %slice3A_484 = vector.extract_strided_slice %max3A_432 {offsets = [0, 0], sizes = [256, 509], strides = [1, 1]} : vector<256x512xf32> to vector<256x509xf32>
    %concatenate3A_485 = tpu.concatenate %slice3A_483, %slice3A_484 in 1 : vector<256x3xf32>, vector<256x509xf32> -> vector<256x512xf32>
    %ge3A_486 = arith.constant 3 : i32
    %ge3A_487 = vector.broadcast %ge3A_486 : i32 to vector<256x512xi32>
    %ge3A_488 = arith.cmpi sge, %iota3A_433, %ge3A_487 : vector<256x512xi32>
    %jit3A_489 = arith.constant 0xFF800000 : f32
    %broadcast_in_dim3A_490 = vector.broadcast %jit3A_489 : f32 to vector<256x512xf32>
    %select_n3A_491 = arith.select %ge3A_488, %concatenate3A_485, %broadcast_in_dim3A_490 : vector<256x512xi1>, vector<256x512xf32>
    %max3A_492 = arith.maximumf %select_n3A_482, %select_n3A_491 : vector<256x512xf32>
    %max3A_493 = arith.maximumf %max3A_473, %max3A_492 : vector<256x512xf32>
    %gt3A_494 = arith.constant 0.000000e+00 : f32
    %gt3A_495 = vector.broadcast %gt3A_494 : f32 to vector<256x512xf32>
    %gt3A_496 = arith.cmpf ogt, %max3A_493, %gt3A_495 : vector<256x512xf32>
    %jit3A_497 = arith.constant 0.000000e+00 : f32
    %broadcast_in_dim3A_498 = vector.broadcast %jit3A_497 : f32 to vector<256x512xf32>
    %select_n3A_499 = arith.select %gt3A_496, %broadcast_in_dim3A_498, %get3A_4 : vector<256x512xi1>, vector<256x512xf32>
    %iota3A_500 = tpu.iota {dimensions = array<i32: 0>} : vector<256x512xi32>
    %slice3A_501 = vector.extract_strided_slice %select_n3A_499 {offsets = [1, 0], sizes = [255, 512], strides = [1, 1]} : vector<256x512xf32> to vector<255x512xf32>
    %slice3A_502 = vector.extract_strided_slice %select_n3A_499 {offsets = [0, 0], sizes = [1, 512], strides = [1, 1]} : vector<256x512xf32> to vector<1x512xf32>
    %concatenate3A_503 = tpu.concatenate %slice3A_501, %slice3A_502 in 0 : vector<255x512xf32>, vector<1x512xf32> -> vector<256x512xf32>
    %lt3A_504 = arith.constant 255 : i32
    %lt3A_505 = vector.broadcast %lt3A_504 : i32 to vector<256x512xi32>
    %lt3A_506 = arith.cmpi slt, %iota3A_500, %lt3A_505 : vector<256x512xi32>
    %jit3A_507 = arith.constant 0xFF800000 : f32
    %broadcast_in_dim3A_508 = vector.broadcast %jit3A_507 : f32 to vector<256x512xf32>
    %select_n3A_509 = arith.select %lt3A_506, %concatenate3A_503, %broadcast_in_dim3A_508 : vector<256x512xi1>, vector<256x512xf32>
    %slice3A_510 = vector.extract_strided_slice %select_n3A_499 {offsets = [255, 0], sizes = [1, 512], strides = [1, 1]} : vector<256x512xf32> to vector<1x512xf32>
    %slice3A_511 = vector.extract_strided_slice %select_n3A_499 {offsets = [0, 0], sizes = [255, 512], strides = [1, 1]} : vector<256x512xf32> to vector<255x512xf32>
    %concatenate3A_512 = tpu.concatenate %slice3A_510, %slice3A_511 in 0 : vector<1x512xf32>, vector<255x512xf32> -> vector<256x512xf32>
    %ge3A_513 = arith.constant 1 : i32
    %ge3A_514 = vector.broadcast %ge3A_513 : i32 to vector<256x512xi32>
    %ge3A_515 = arith.cmpi sge, %iota3A_500, %ge3A_514 : vector<256x512xi32>
    %jit3A_516 = arith.constant 0xFF800000 : f32
    %broadcast_in_dim3A_517 = vector.broadcast %jit3A_516 : f32 to vector<256x512xf32>
    %select_n3A_518 = arith.select %ge3A_515, %concatenate3A_512, %broadcast_in_dim3A_517 : vector<256x512xi1>, vector<256x512xf32>
    %max3A_519 = arith.maximumf %select_n3A_509, %select_n3A_518 : vector<256x512xf32>
    %max3A_520 = arith.maximumf %select_n3A_499, %max3A_519 : vector<256x512xf32>
    %slice3A_521 = vector.extract_strided_slice %select_n3A_499 {offsets = [2, 0], sizes = [254, 512], strides = [1, 1]} : vector<256x512xf32> to vector<254x512xf32>
    %slice3A_522 = vector.extract_strided_slice %select_n3A_499 {offsets = [0, 0], sizes = [2, 512], strides = [1, 1]} : vector<256x512xf32> to vector<2x512xf32>
    %concatenate3A_523 = tpu.concatenate %slice3A_521, %slice3A_522 in 0 : vector<254x512xf32>, vector<2x512xf32> -> vector<256x512xf32>
    %lt3A_524 = arith.constant 254 : i32
    %lt3A_525 = vector.broadcast %lt3A_524 : i32 to vector<256x512xi32>
    %lt3A_526 = arith.cmpi slt, %iota3A_500, %lt3A_525 : vector<256x512xi32>
    %jit3A_527 = arith.constant 0xFF800000 : f32
    %broadcast_in_dim3A_528 = vector.broadcast %jit3A_527 : f32 to vector<256x512xf32>
    %select_n3A_529 = arith.select %lt3A_526, %concatenate3A_523, %broadcast_in_dim3A_528 : vector<256x512xi1>, vector<256x512xf32>
    %slice3A_530 = vector.extract_strided_slice %select_n3A_499 {offsets = [254, 0], sizes = [2, 512], strides = [1, 1]} : vector<256x512xf32> to vector<2x512xf32>
    %slice3A_531 = vector.extract_strided_slice %select_n3A_499 {offsets = [0, 0], sizes = [254, 512], strides = [1, 1]} : vector<256x512xf32> to vector<254x512xf32>
    %concatenate3A_532 = tpu.concatenate %slice3A_530, %slice3A_531 in 0 : vector<2x512xf32>, vector<254x512xf32> -> vector<256x512xf32>
    %ge3A_533 = arith.constant 2 : i32
    %ge3A_534 = vector.broadcast %ge3A_533 : i32 to vector<256x512xi32>
    %ge3A_535 = arith.cmpi sge, %iota3A_500, %ge3A_534 : vector<256x512xi32>
    %jit3A_536 = arith.constant 0xFF800000 : f32
    %broadcast_in_dim3A_537 = vector.broadcast %jit3A_536 : f32 to vector<256x512xf32>
    %select_n3A_538 = arith.select %ge3A_535, %concatenate3A_532, %broadcast_in_dim3A_537 : vector<256x512xi1>, vector<256x512xf32>
    %max3A_539 = arith.maximumf %select_n3A_529, %select_n3A_538 : vector<256x512xf32>
    %max3A_540 = arith.maximumf %max3A_520, %max3A_539 : vector<256x512xf32>
    %slice3A_541 = vector.extract_strided_slice %select_n3A_499 {offsets = [3, 0], sizes = [253, 512], strides = [1, 1]} : vector<256x512xf32> to vector<253x512xf32>
    %slice3A_542 = vector.extract_strided_slice %select_n3A_499 {offsets = [0, 0], sizes = [3, 512], strides = [1, 1]} : vector<256x512xf32> to vector<3x512xf32>
    %concatenate3A_543 = tpu.concatenate %slice3A_541, %slice3A_542 in 0 : vector<253x512xf32>, vector<3x512xf32> -> vector<256x512xf32>
    %lt3A_544 = arith.constant 253 : i32
    %lt3A_545 = vector.broadcast %lt3A_544 : i32 to vector<256x512xi32>
    %lt3A_546 = arith.cmpi slt, %iota3A_500, %lt3A_545 : vector<256x512xi32>
    %jit3A_547 = arith.constant 0xFF800000 : f32
    %broadcast_in_dim3A_548 = vector.broadcast %jit3A_547 : f32 to vector<256x512xf32>
    %select_n3A_549 = arith.select %lt3A_546, %concatenate3A_543, %broadcast_in_dim3A_548 : vector<256x512xi1>, vector<256x512xf32>
    %slice3A_550 = vector.extract_strided_slice %select_n3A_499 {offsets = [253, 0], sizes = [3, 512], strides = [1, 1]} : vector<256x512xf32> to vector<3x512xf32>
    %slice3A_551 = vector.extract_strided_slice %select_n3A_499 {offsets = [0, 0], sizes = [253, 512], strides = [1, 1]} : vector<256x512xf32> to vector<253x512xf32>
    %concatenate3A_552 = tpu.concatenate %slice3A_550, %slice3A_551 in 0 : vector<3x512xf32>, vector<253x512xf32> -> vector<256x512xf32>
    %ge3A_553 = arith.constant 3 : i32
    %ge3A_554 = vector.broadcast %ge3A_553 : i32 to vector<256x512xi32>
    %ge3A_555 = arith.cmpi sge, %iota3A_500, %ge3A_554 : vector<256x512xi32>
    %jit3A_556 = arith.constant 0xFF800000 : f32
    %broadcast_in_dim3A_557 = vector.broadcast %jit3A_556 : f32 to vector<256x512xf32>
    %select_n3A_558 = arith.select %ge3A_555, %concatenate3A_552, %broadcast_in_dim3A_557 : vector<256x512xi1>, vector<256x512xf32>
    %max3A_559 = arith.maximumf %select_n3A_549, %select_n3A_558 : vector<256x512xf32>
    %max3A_560 = arith.maximumf %max3A_540, %max3A_559 : vector<256x512xf32>
    %iota3A_561 = tpu.iota {dimensions = array<i32: 1>} : vector<256x512xi32>
    %slice3A_562 = vector.extract_strided_slice %max3A_560 {offsets = [0, 1], sizes = [256, 511], strides = [1, 1]} : vector<256x512xf32> to vector<256x511xf32>
    %slice3A_563 = vector.extract_strided_slice %max3A_560 {offsets = [0, 0], sizes = [256, 1], strides = [1, 1]} : vector<256x512xf32> to vector<256x1xf32>
    %concatenate3A_564 = tpu.concatenate %slice3A_562, %slice3A_563 in 1 : vector<256x511xf32>, vector<256x1xf32> -> vector<256x512xf32>
    %lt3A_565 = arith.constant 511 : i32
    %lt3A_566 = vector.broadcast %lt3A_565 : i32 to vector<256x512xi32>
    %lt3A_567 = arith.cmpi slt, %iota3A_561, %lt3A_566 : vector<256x512xi32>
    %jit3A_568 = arith.constant 0xFF800000 : f32
    %broadcast_in_dim3A_569 = vector.broadcast %jit3A_568 : f32 to vector<256x512xf32>
    %select_n3A_570 = arith.select %lt3A_567, %concatenate3A_564, %broadcast_in_dim3A_569 : vector<256x512xi1>, vector<256x512xf32>
    %slice3A_571 = vector.extract_strided_slice %max3A_560 {offsets = [0, 511], sizes = [256, 1], strides = [1, 1]} : vector<256x512xf32> to vector<256x1xf32>
    %slice3A_572 = vector.extract_strided_slice %max3A_560 {offsets = [0, 0], sizes = [256, 511], strides = [1, 1]} : vector<256x512xf32> to vector<256x511xf32>
    %concatenate3A_573 = tpu.concatenate %slice3A_571, %slice3A_572 in 1 : vector<256x1xf32>, vector<256x511xf32> -> vector<256x512xf32>
    %ge3A_574 = arith.constant 1 : i32
    %ge3A_575 = vector.broadcast %ge3A_574 : i32 to vector<256x512xi32>
    %ge3A_576 = arith.cmpi sge, %iota3A_561, %ge3A_575 : vector<256x512xi32>
    %jit3A_577 = arith.constant 0xFF800000 : f32
    %broadcast_in_dim3A_578 = vector.broadcast %jit3A_577 : f32 to vector<256x512xf32>
    %select_n3A_579 = arith.select %ge3A_576, %concatenate3A_573, %broadcast_in_dim3A_578 : vector<256x512xi1>, vector<256x512xf32>
    %max3A_580 = arith.maximumf %select_n3A_570, %select_n3A_579 : vector<256x512xf32>
    %max3A_581 = arith.maximumf %max3A_560, %max3A_580 : vector<256x512xf32>
    %slice3A_582 = vector.extract_strided_slice %max3A_560 {offsets = [0, 2], sizes = [256, 510], strides = [1, 1]} : vector<256x512xf32> to vector<256x510xf32>
    %slice3A_583 = vector.extract_strided_slice %max3A_560 {offsets = [0, 0], sizes = [256, 2], strides = [1, 1]} : vector<256x512xf32> to vector<256x2xf32>
    %concatenate3A_584 = tpu.concatenate %slice3A_582, %slice3A_583 in 1 : vector<256x510xf32>, vector<256x2xf32> -> vector<256x512xf32>
    %lt3A_585 = arith.constant 510 : i32
    %lt3A_586 = vector.broadcast %lt3A_585 : i32 to vector<256x512xi32>
    %lt3A_587 = arith.cmpi slt, %iota3A_561, %lt3A_586 : vector<256x512xi32>
    %jit3A_588 = arith.constant 0xFF800000 : f32
    %broadcast_in_dim3A_589 = vector.broadcast %jit3A_588 : f32 to vector<256x512xf32>
    %select_n3A_590 = arith.select %lt3A_587, %concatenate3A_584, %broadcast_in_dim3A_589 : vector<256x512xi1>, vector<256x512xf32>
    %slice3A_591 = vector.extract_strided_slice %max3A_560 {offsets = [0, 510], sizes = [256, 2], strides = [1, 1]} : vector<256x512xf32> to vector<256x2xf32>
    %slice3A_592 = vector.extract_strided_slice %max3A_560 {offsets = [0, 0], sizes = [256, 510], strides = [1, 1]} : vector<256x512xf32> to vector<256x510xf32>
    %concatenate3A_593 = tpu.concatenate %slice3A_591, %slice3A_592 in 1 : vector<256x2xf32>, vector<256x510xf32> -> vector<256x512xf32>
    %ge3A_594 = arith.constant 2 : i32
    %ge3A_595 = vector.broadcast %ge3A_594 : i32 to vector<256x512xi32>
    %ge3A_596 = arith.cmpi sge, %iota3A_561, %ge3A_595 : vector<256x512xi32>
    %jit3A_597 = arith.constant 0xFF800000 : f32
    %broadcast_in_dim3A_598 = vector.broadcast %jit3A_597 : f32 to vector<256x512xf32>
    %select_n3A_599 = arith.select %ge3A_596, %concatenate3A_593, %broadcast_in_dim3A_598 : vector<256x512xi1>, vector<256x512xf32>
    %max3A_600 = arith.maximumf %select_n3A_590, %select_n3A_599 : vector<256x512xf32>
    %max3A_601 = arith.maximumf %max3A_581, %max3A_600 : vector<256x512xf32>
    %slice3A_602 = vector.extract_strided_slice %max3A_560 {offsets = [0, 3], sizes = [256, 509], strides = [1, 1]} : vector<256x512xf32> to vector<256x509xf32>
    %slice3A_603 = vector.extract_strided_slice %max3A_560 {offsets = [0, 0], sizes = [256, 3], strides = [1, 1]} : vector<256x512xf32> to vector<256x3xf32>
    %concatenate3A_604 = tpu.concatenate %slice3A_602, %slice3A_603 in 1 : vector<256x509xf32>, vector<256x3xf32> -> vector<256x512xf32>
    %lt3A_605 = arith.constant 509 : i32
    %lt3A_606 = vector.broadcast %lt3A_605 : i32 to vector<256x512xi32>
    %lt3A_607 = arith.cmpi slt, %iota3A_561, %lt3A_606 : vector<256x512xi32>
    %jit3A_608 = arith.constant 0xFF800000 : f32
    %broadcast_in_dim3A_609 = vector.broadcast %jit3A_608 : f32 to vector<256x512xf32>
    %select_n3A_610 = arith.select %lt3A_607, %concatenate3A_604, %broadcast_in_dim3A_609 : vector<256x512xi1>, vector<256x512xf32>
    %slice3A_611 = vector.extract_strided_slice %max3A_560 {offsets = [0, 509], sizes = [256, 3], strides = [1, 1]} : vector<256x512xf32> to vector<256x3xf32>
    %slice3A_612 = vector.extract_strided_slice %max3A_560 {offsets = [0, 0], sizes = [256, 509], strides = [1, 1]} : vector<256x512xf32> to vector<256x509xf32>
    %concatenate3A_613 = tpu.concatenate %slice3A_611, %slice3A_612 in 1 : vector<256x3xf32>, vector<256x509xf32> -> vector<256x512xf32>
    %ge3A_614 = arith.constant 3 : i32
    %ge3A_615 = vector.broadcast %ge3A_614 : i32 to vector<256x512xi32>
    %ge3A_616 = arith.cmpi sge, %iota3A_561, %ge3A_615 : vector<256x512xi32>
    %jit3A_617 = arith.constant 0xFF800000 : f32
    %broadcast_in_dim3A_618 = vector.broadcast %jit3A_617 : f32 to vector<256x512xf32>
    %select_n3A_619 = arith.select %ge3A_616, %concatenate3A_613, %broadcast_in_dim3A_618 : vector<256x512xi1>, vector<256x512xf32>
    %max3A_620 = arith.maximumf %select_n3A_610, %select_n3A_619 : vector<256x512xf32>
    %max3A_621 = arith.maximumf %max3A_601, %max3A_620 : vector<256x512xf32>
    %eq3A_622 = arith.cmpf oeq, %select_n3A_499, %max3A_621 : vector<256x512xf32>
    %not3A_623 = arith.constant dense<true> : vector<256x512xi1>
    %not3A_624 = arith.xori %gt3A_496, %not3A_623 : vector<256x512xi1>
    %and3A_625 = arith.andi %eq3A_622, %not3A_624 : vector<256x512xi1>
    %or3A_626 = arith.ori %or3A, %and3A_625 : vector<256x512xi1>
    %jit3A_627 = arith.constant 0.000000e+00 : f32
    %broadcast_in_dim3A_628 = vector.broadcast %jit3A_627 : f32 to vector<256x512xf32>
    %select_n3A_629 = arith.select %or3A_626, %get3A_4, %broadcast_in_dim3A_628 : vector<256x512xi1>, vector<256x512xf32>
    %iota3A_630 = tpu.iota {dimensions = array<i32: 0>} : vector<256x512xi32>
    %mul3A = arith.constant 256 : i32
    %mul3A_631 = arith.muli %arg1, %mul3A : i32
    %add3A = vector.broadcast %mul3A_631 : i32 to vector<256x512xi32>
    %add3A_632 = arith.addi %iota3A_630, %add3A : vector<256x512xi32>
    %iota3A_633 = tpu.iota {dimensions = array<i32: 1>} : vector<256x512xi32>
    %gt3A_634 = arith.constant 2 : i32
    %gt3A_635 = vector.broadcast %gt3A_634 : i32 to vector<256x512xi32>
    %gt3A_636 = arith.cmpi sgt, %add3A_632, %gt3A_635 : vector<256x512xi32>
    %lt3A_637 = arith.constant 510 : i32
    %lt3A_638 = vector.broadcast %lt3A_637 : i32 to vector<256x512xi32>
    %lt3A_639 = arith.cmpi slt, %add3A_632, %lt3A_638 : vector<256x512xi32>
    %and3A_640 = arith.andi %gt3A_636, %lt3A_639 : vector<256x512xi1>
    %gt3A_641 = arith.constant 2 : i32
    %gt3A_642 = vector.broadcast %gt3A_641 : i32 to vector<256x512xi32>
    %gt3A_643 = arith.cmpi sgt, %iota3A_633, %gt3A_642 : vector<256x512xi32>
    %and3A_644 = arith.andi %and3A_640, %gt3A_643 : vector<256x512xi1>
    %lt3A_645 = arith.constant 510 : i32
    %lt3A_646 = vector.broadcast %lt3A_645 : i32 to vector<256x512xi32>
    %lt3A_647 = arith.cmpi slt, %iota3A_633, %lt3A_646 : vector<256x512xi32>
    %and3A_648 = arith.andi %and3A_644, %lt3A_647 : vector<256x512xi1>
    %jit3A_649 = arith.constant 0.000000e+00 : f32
    %broadcast_in_dim3A_650 = vector.broadcast %jit3A_649 : f32 to vector<256x512xf32>
    %select_n3A_651 = arith.select %and3A_648, %select_n3A_629, %broadcast_in_dim3A_650 : vector<256x512xi1>, vector<256x512xf32>
    %swap3A = arith.constant 0 : index
    %swap3A_652 = arith.constant 0 : index
    %swap3A_653 = arith.constant 0 : index
    %swap3A_654 = vector.load %arg3[%swap3A, %swap3A_652, %swap3A_653] : memref<1x256x512xf32, #tpu.memory_space<vmem>>, vector<1x256x512xf32>
    %swap3A_655 = vector.shape_cast %swap3A_654 : vector<1x256x512xf32> to vector<256x512xf32>
    %swap3A_656 = vector.shape_cast %select_n3A_651 : vector<256x512xf32> to vector<1x256x512xf32>
    tpu.vector_store %arg3[%swap3A, %swap3A_652, %swap3A_653], %swap3A_656 {strides = array<i32>} : memref<1x256x512xf32, #tpu.memory_space<vmem>>, vector<1x256x512xf32>,
    return
  }
  func.func @transform_0(%arg0: i32, %arg1: i32) -> (i32, i32, i32, i32) {
    %c0_i32 = arith.constant 0 : i32
    %c0_i32_0 = arith.constant 0 : i32
    %c0_i32_1 = arith.constant 0 : i32
    return %arg0, %c0_i32, %arg1, %c0_i32_0 : i32, i32, i32, i32
  }
  func.func @transform_1(%arg0: i32, %arg1: i32) -> (i32, i32, i32) {
    %c0_i32 = arith.constant 0 : i32
    %c0_i32_0 = arith.constant 0 : i32
    return %arg0, %arg1, %c0_i32 : i32, i32, i32
  }
}

</mosaic_0001>

<sc_bundles>
// kernel: gather_offload_async_start.1
scs
__scs_entry_jumppad:
0x0: {  	(pc) =	sbr.rel $0x88, $3  }
0x1: {  	(tag) =	ssettag $0x0;
	lr =	simm.s32 $0x1  }
0x2: {  	[smem:$0x3F9F] =	sst lr;
	_ =	strace $0xD0000000  }
0x3: {  	_ = 	snop  }
0x4: {  	_ = 	snop  }
0x5: {  	_ = 	snop  }
0x6: {  	_ = 	snop  }
0x7: {  	_ = 	snop  }
__scs_overlays_trampoline_lowered:
0x8: {  	[smem:$0x3FAE] =	sst s0  }
0x9: {  	[smem:$0x3FAF] =	sst s1  }
0xa: {  	[smem:$0x3FB0] =	sst s2  }
0xb: {  	[smem:$0x3FB1] =	sst s3  }
0xc: {  	[smem:$0x3FB2] =	sst s4  }
0xd: {  	[smem:$0x3FB3] =	sst s5  }
0xe: {  	[smem:$0x3FB4] =	sst s6  }
0xf: {  	[smem:$0x3FB5] =	sst s7  }
0x10: {  	[smem:$0x3FB6] =	sst s8  }
0x11: {  	[smem:$0x3FB7] =	sst s9;
	s0 =	simm.s32 @!p0 $0x0  }
0x12: {  	s1 =	sld [smem:$0x3F9D];
	s0 =	simm.s32 @p0 $0x1  }
0x13: {  	[smem:$0x3FB8] =	sst s0;
	s0 =	simm.s32 @!p1 $0x0  }
0x14: {  	s2 =	sld [smem:$0x3F9C];
	s0 =	simm.s32 @p1 $0x1  }
0x15: {  	[smem:$0x3FB9] =	sst s0;
	s0 =	simm.s32 @!p2 $0x0  }
0x16: {  	s3 =	sld [smem:$0x3FDB];
	s0 =	simm.s32 @p2 $0x1  }
0x17: {  	s4 =	simm.s32 $0x1BF5;
	[smem:$0x3FBB] =	sst s0  }
0x18: {  	s0 =	sld [smem:$0x3F9E];
	_ =	swait.ge [sflag:s4], $0x0  }
0x19: {  	s7 =	sld [smem:$0x3F9F]  }
0x1a: {  	s8 =	sadd.s32 $0xFFFFE003, lr  }
0x1b: {  	s9 =	sadd.s32 $0xFFFFFEF7, lr;
	s5 =	simm.s32 $0xFFFFFFFF;
	p2 =	slt.u32 s8, $0xFFFFF086  }
0x1c: {  	p1 =	slt.u32 s9, $0xF7A;
	s5 =	simm.s32 @!p2 $0x0  }
0x1d: {  	s5 =	simm.s32 @p1 $0x1;
	p0 =	seq.s32 s7, s2  }
0x1e: {  	s7 =	smul.u32 @!p0 $0xF7A, s2;
	p2 =	seq.s32 @!p0 s5, $0x0  }
0x1f: {  	s9 =	smul.u32 $0xF7A, s1;
	s8 =	simm.s32 @!p0 $0x1BF5;
	p2 =	por !p2, p0  }
0x20: {  	[sflag:s8] =	ssyncset.s32 @!p0 $0xFFFFF086;
	s6 =	sadd.s32 @!p0 s3, s7;
	s7 =	simm.s32 @!p0 $0x108  }
0x21: {  	s3 =	sadd.s32 s3, s9;
	s6 =	sadd.s32 @!p0 $0x88, s6;
	s7 =	simm.s32 @p2 $0x1082  }
0x22: {  	[simem:s7], [sflag:s8] =	dma.local @!p0 [hbm:s6], $0xF7A  }
0x23: {  	s9 =	sor.u32 $0xD0000000, s2;
	s6 =	simm.s32 $0x108;
	_ =	swait.ge @!p0 [sflag:s8], $0x0  }
0x24: {  	s3 =	sadd.s32 $0x88, s3;
	s6 =	simm.s32 @!p1 $0x1082;
	[sflag:s4] =	ssyncset.s32 $0xFFFFF086  }
0x25: {  	[simem:s6], [sflag:s4] =	dma.local [hbm:s3], $0xF7A  }
0x26: {  	[smem:$0x3F9F] =	sst s1;
	(tag) =	ssettag s2;
	_ =	strace s9  }
0x27: {  	s1 =	sld [smem:$0x3FAF]  }
0x28: {  	s2 =	sld [smem:$0x3FB0]  }
0x29: {  	s4 =	sld [smem:$0x3FB2]  }
0x2a: {  	p0 =	seq.s32 s5, $0x0;
	s5 =	sld [smem:$0x3FB3]  }
0x2b: {  	s6 =	sld [smem:$0x3FB4]  }
0x2c: {  	s7 =	sld [smem:$0x3FB5]  }
0x2d: {  	s3 =	simm.s32 $0x108;
	s8 =	sld [smem:$0x3FB6]  }
0x2e: {  	s3 =	simm.s32 @!p0 $0x1082;
	s9 =	sld [smem:$0x3FB7]  }
0x2f: {  	lr =	sadd.s32 s0, s3;
	s0 =	sld [smem:$0x3FAE]  }
0x30: {  	s3 =	sld [smem:$0x3FB1]  }
0x31: {  	[smem:$0x3FBA] =	sst s10  }
0x32: {  	s10 =	sld [smem:$0x3FB8];
	_ =	sdelay $0x3  }
0x33: {  	p0 =	seq.s32 s10, $0x1;
	s10 =	sld [smem:$0x3FBA];
	_ =	sdelay $0x3  }
0x34: {  	[smem:$0x3FBA] =	sst s10  }
0x35: {  	s10 =	sld [smem:$0x3FB9];
	_ =	sdelay $0x3  }
0x36: {  	p1 =	seq.s32 s10, $0x1;
	s10 =	sld [smem:$0x3FBA];
	_ =	sdelay $0x3  }
0x37: {  	[smem:$0x3FBA] =	sst s10  }
0x38: {  	s10 =	sld [smem:$0x3FBB]  }
0x39: {  	_ = 	snop;
	(pc) =	sbr.ind lr, $3  }
0x3a: {  	_ = 	snop  }
0x3b: {  	_ = 	snop  }
0x3c: {  	p2 =	seq.s32 s10, $0x1;
	s10 =	sld [smem:$0x3FBA]  }
0x3d: {  	_ =	shalt  }
0x3e: {  	_ =	shalt  }
0x3f: {  	_ =	shalt  }
0x40: {  	_ =	shalt  }
0x41: {  	_ =	shalt  }
0x42: {  	_ =	shalt  }
0x43: {  	_ =	shalt  }
0x44: {  	_ =	shalt  }
0x45: {  	_ =	shalt  }
0x46: {  	_ =	shalt  }
0x47: {  	_ =	shalt  }
0x48: {  	_ =	shalt  }
0x49: {  	_ =	shalt  }
0x4a: {  	_ =	shalt  }
0x4b: {  	_ =	shalt  }
0x4c: {  	_ =	shalt  }
0x4d: {  	_ =	shalt  }
0x4e: {  	_ =	shalt  }
0x4f: {  	_ =	shalt  }
0x50: {  	_ =	shalt  }
0x51: {  	_ =	shalt  }
0x52: {  	_ =	shalt  }
0x53: {  	_ =	shalt  }
0x54: {  	_ =	shalt  }
0x55: {  	_ =	shalt  }
0x56: {  	_ =	shalt  }
0x57: {  	_ =	shalt  }
0x58: {  	_ =	shalt  }
0x59: {  	_ =	shalt  }
0x5a: {  	_ =	shalt  }
0x5b: {  	_ =	shalt  }
0x5c: {  	_ =	shalt  }
0x5d: {  	_ =	shalt  }
0x5e: {  	_ =	shalt  }
0x5f: {  	_ =	shalt  }
0x60: {  	_ =	shalt  }
0x61: {  	_ =	shalt  }
0x62: {  	_ =	shalt  }
0x63: {  	_ =	shalt  }
0x64: {  	_ =	shalt  }
0x65: {  	_ =	shalt  }
0x66: {  	_ =	shalt  }
0x67: {  	_ =	shalt  }
0x68: {  	_ =	shalt  }
0x69: {  	_ =	shalt  }
0x6a: {  	_ =	shalt  }
0x6b: {  	_ =	shalt  }
0x6c: {  	_ =	shalt  }
0x6d: {  	_ =	shalt  }
0x6e: {  	_ =	shalt  }
0x6f: {  	_ =	shalt  }
0x70: {  	_ =	shalt  }
0x71: {  	_ =	shalt  }
0x72: {  	_ =	shalt  }
0x73: {  	_ =	shalt  }
0x74: {  	_ =	shalt  }
0x75: {  	_ =	shalt  }
0x76: {  	_ =	shalt  }
0x77: {  	_ =	shalt  }
0x78: {  	_ =	shalt  }
0x79: {  	_ =	shalt  }
0x7a: {  	_ =	shalt  }
0x7b: {  	_ =	shalt  }
0x7c: {  	_ =	shalt  }
0x7d: {  	_ =	shalt  }
0x7e: {  	_ =	shalt  }
0x7f: {  	_ =	shalt  }
0x80: {  	_ =	shalt  }
0x81: {  	_ =	shalt  }
0x82: {  	_ =	shalt  }
0x83: {  	_ =	shalt  }
0x84: {  	_ =	shalt  }
0x85: {  	_ =	shalt  }
0x86: {  	_ =	shalt  }
0x87: {  	_ =	shalt  }
.Lfunc_end0:
.L_simem_size_0:
called_computation.2_lowered:
.L_overlay_start_0:
0x88: {  	s2 =	sld [smem:$0x3FD9]  }
0x89: {  	s3 =	sld [smem:$0x3FFE];
	_ =	sdelay $0x1  }
0x8a: {  	s1 =	srdreg.scid  }
0x8b: {  	s0 =	sand.u32 $0x1, s1  }
0x8c: {  	s17 =	sshll.u32 s0, $0xA;
	s2 =	sadd.s32 s3, s2  }
0x8d: {  	s2 =	sadd.s32 s2, s17  }
0x8e: {  	[smem:$0x3FC6] =	sst s2  }
0x8f: {  	_ = 	snop  }
0x90: {  	s18 =	sld [smem:$0x3FC9];
	(tm) =	ssettm $0x1  }
0x91: {  	s19 =	sld [smem:$0x3FFB];
	_ =	sdelay $0x3  }
0x92: {  	_ =	strace s19  }
0x93: {  	s2 =	sld [smem:$0x3FFC];
	_ =	sdelay $0x3  }
0x94: {  	_ =	strace s2  }
0x95: {  	s2 =	sld [smem:$0x3FFD];
	_ =	sdelay $0x3  }
0x96: {  	_ =	strace s2  }
0x97: {  	_ =	strace $0x8FFFFFFF  }
0x98: {  	s20 =	sld [smem:$0x3FDB];
	_ =	sdelay $0x1  }
0x99: {  	s4 =	simm.s32 $_scs_section_size  }
0x9a: {  	s5 =	simm.s32 $_size__tile_overlayer_lowered;
	s6 =	simm.s32 $_tile_overlayer_lowered  }
0x9b: {  	s7 =	simm.s32 $0x1BFF;
	s21 =	sshll.u32 s6, $0x1;
	s4 =	sadd.s32 s4, s20  }
0x9c: {  	s22 =	simm.s32 $0x0;
	s5 =	sshll.u32 s5, $0x1;
	s6 =	sadd.s32 s21, s4  }
0x9d: {  	[timem:s22], [sflag:s7] =	dma.local [hbm:s6], s5  }
0x9e: {  	_ =	swait.ge [sflag:s7], s5  }
0x9f: {  	s5 =	ssub.s32 $0x0, s5;
	[sflag:s7] =	ssyncset.done $0x0  }
0xa0: {  	[sflag:s7] =	ssyncadd.s32 s5;
	_ =	sdelay $0x1  }
0xa1: {  	s23 =	simm.s32 $0x1B8B  }
0xa2: {  	_ =	swait.ge [sflag:s23], $0x1  }
0xa3: {  	[sflag:s23] =	ssyncset.done $0x0  }
0xa4: {  	[sflag:s23] =	ssyncadd.s32 $0xFFFFFFFF  }
0xa5: {  	s5 =	sld [smem:$0x0]  }
0xa6: {  	s6 =	sand.u32 $0xFFFFFFFE, s1  }
0xa7: {  	p0 =	sne.s32 s1, s6  }
0xa8: {  	s6 =	sshll.u32 @p0 s6, $0xE  }
0xa9: {  	s6 =	sadd.s32 @p0 $0x11B8D, s6;
	s7 =	sshll.u32 @p0 s5, $0x11  }
0xaa: {  	s6 =	sor.u32 @p0 s7, s6  }
0xab: {  	[sflag:s6] =	ssyncadd.remote.s32 @p0 $0x1;
	_ =	sdelay $0x1  }
0xac: {  	s6 =	simm.s32 @p0 $0x1B8D  }
0xad: {  	_ =	swait.eq @p0 [sflag:s6], $0x1  }
0xae: {  	[sflag:s6] =	ssyncadd.s32 @p0 $0xFFFFFFFF  }
0xaf: {  	s7 =	sshll.u32 @!p0 s1, $0xE  }
0xb0: {  	s7 =	sor.u32 @!p0 $0x4000, s7;
	s6 =	simm.s32 @!p0 $0x1B8D  }
0xb1: {  	s5 =	sshll.u32 @!p0 s5, $0x11;
	s7 =	sadd.s32 @!p0 $0x11B8D, s7;
	_ =	swait.eq @!p0 [sflag:s6], $0x1  }
0xb2: {  	s5 =	sor.u32 @!p0 s5, s7;
	[sflag:s6] =	ssyncadd.s32 @!p0 $0xFFFFFFFF  }
0xb3: {  	s25 =	simm.s32 $0x1B8E;
	s24 =	sld [smem:$0x3FFE];
	[sflag:s5] =	ssyncadd.remote.s32 @!p0 $0x1  }
0xb4: {  	s26 =	simm.s32 $execute0_lowered;
	[smem:$0x3FD2] =	sst s25  }
0xb5: {  	s6 =	sshll.u32 s26, $0x1;
	_ =	strace $0x80000055;
	[dreg:$0x1] =	wrdreg $0xFFFFFFFF  }
0xb6: {  	s28 =	simm.s32 $_size_execute0_lowered;
	s4 =	sadd.s32 s4, s6;
	[dreg:$0x0] =	wrdreg $0x0  }
0xb7: {  	s6 =	sshll.u32 s28, $0x1;
	[dreg:$0x2] =	wrdreg s4  }
0xb8: {  	[dreg:$0x3] =	wrdreg s6  }
0xb9: {  	[dreg:$0x4] =	wrdreg $0xC0  }
0xba: {  	_ =	task [dreg:s22], $0x5FFFF  }
0xbb: {  	[dreg:$0x1] =	wrdreg $0xFFFFFFFF  }
0xbc: {  	[dreg:$0x0] =	wrdreg $0x60  }
0xbd: {  	[dreg:$0x2] =	wrdreg s18  }
0xbe: {  	[dreg:$0x3] =	wrdreg s24  }
0xbf: {  	[dreg:$0x4] =	wrdreg $0xB  }
0xc0: {  	_ =	task.clear_ibuf [dreg:s22], $0x5FFFF;
	_ =	strace $0x90000055  }
0xc1: {  	s29 =	simm.s32 $0xB;
	_ =	strace $0x80000057  }
0xc2: {  	_ =	swait.ge [sflag:s29], $0x1  }
0xc3: {  	[sflag:s29] =	ssyncadd.s32 $0xFFFFFFFF  }
0xc4: {  	_ =	strace $0x90000057  }
0xc5: {  	_ =	sfence  }
0xc6: {  	s30 =	sld [smem:$0x0];
	_ =	sdelay $0x2  }
0xc7: {  	s31 =	sshll.u32 s1, $0xD;
	s1 =	sshrl.u32 s1, $0x2  }
0xc8: {  	s4 =	sand.u32 $0x4000, s31;
	s1 =	sadd.s32 s1, s30  }
0xc9: {  	s0 =	sor.u32 s4, s0;
	s1 =	sshll.u32 s1, $0x11  }
0xca: {  	s0 =	sor.u32 s1, s0  }
0xcb: {  	s0 =	sadd.s32 $0x8F2B, s0  }
0xcc: {  	[sflag:s0] =	ssyncadd.remote.s32 $0x1  }
0xcd: {  	_ =	sfence.sel $0xFFFF  }
0xce: {  	[dreg:$0x0] =	wrdreg $0xFFFFFFFF;
	(pc) =	sbr.abs _section_cstart, $3  }
0xcf: {  	[dreg:$0x1] =	wrdreg $0xFFFFFFFF  }
0xd0: {  	_ =	task.clear_ibuf [dreg:s22], $0x2FFFF;
	_ =	strace $0x9FFFFFFF  }
0xd1: {  	(tm) =	ssettm $0x7FFFFFFF  }
tec
execute0_lowered:
.L_overlay_start_1:
0x0: {  	(tag) =	ssettag $0x1  }
0x1: {  	s1 =	srdreg.scid;
	s2 =	rddreg [dreg:$0x0]  }
0x2: {  	s0 =	stileid.u32;
	s5 =	rddreg [dreg:$0x1];
	s6 =	simm.s32 $0x1  }
0x3: {  	s9 =	simm.s32 $0x1;
	s10 =	simm.s32 $0x3;
	s1 =	sshll.u32 s1, $0x7  }
0x4: {  	s13 =	simm.s32 $0x0;
	s3 =	sshll.u32 s0, $0x8;
	s4 =	sand.u32 $0x80, s1  }
0x5: {  	s12 =	simm.s32 $0x0;
	s1 =	rddreg [dreg:$0x2];
	s3 =	sor.u32 s3, s4  }
0x6: {  	_ =	strace $0x80000056;
	s4 =	sadd.s32 $0x800, s5;
	s8 =	ssub.s32 $0x2000, s3  }
.Ltmp0:
0x7: {  	s5 =	sadd.s32 $0x1C00, s5;
	s7 =	sand.u32 $0xF80, s8;
	(pc) =	sbr.rel .LBB2_1-.Ltmp0, $4  }
0x8: {  	[sflag:s6] =	ssyncpa.u1 $0x0;
	s11 =	smov.u32 s3;
	p0 =	sne.s32 s7, $0x0  }
0x9: {  	s8 =	sshrl.u32 s8, $0xC;
	s7 =	simm.s32 $0x2;
	s9 =	simm.s32 @!p0 $0x0  }
0xa: {  	[sflag:s7] =	ssyncpa.u1 $0x0;
	p0 =	por $0x0, $0x0;
	s8 =	sadd.s32 s9, s8  }
0xb: {  	vm0 =	vmmov $0xffff;
	[sflag:s10] =	ssyncpa.u1 $0x0;
	s10 =	simm.s32 $0x0;
	s9 =	sadd.s32 $0x1, s8  }
.LBB2_4:
0xc: {  	v3 =	vshrl.u32 v0, $0x1;
	v4 =	vshrl.u32 v0, $0xA;
	v1 =	vor.u32 v1, v2  }
0xd: {  	v62 =	vshll.u32 v0, $0x12;
	v60 =	vand.u32 $0x1FF, v3;
	v61 =	vand.u32 $0x1FF, v4  }
0xe: {  	v0 =	vand.u32 $0x40000, v62;
	v2 =	vsel vm1, $0xFFFFFFFF, v60;
	v3 =	vsel vm1, $0xFFFFFFFF, v61  }
0xf: {  	v0 =	vsel vm1, $0xFFFC0000, v0;
	v63 =	vand.u32 $0x7F, v3;
	v5 =	vshll.u32 v2, $0x9  }
0x10: {  	v3 =	vshll.u32 v3, $0x3;
	v5 =	vand.u32 $0xFFFFF000, v5;
	v0 =	vor.u32 v0, v63  }
0x11: {  	v2 =	vshll.u32 v2, $0x7;
	v3 =	vand.u32 $0xFFFFFC00, v3;
	v0 =	vadd.s32 v5, v0  }
0x12: {  	v2 =	vand.u32 $0x380, v2;
	v0 =	vadd.s32 v3, v0  }
0x13: {  	v0 =	vor.u32 v2, v0;
	_ =	sdelay $0x1  }
0x14: {  	(ifvalue) =	ssetifvalue $0x7FFFFFFF;
	s14 =	sadd.s32 $0x10, s14  }
0x15: {  	[tilespmem:s14], [sflag:$0x1] =	stream.indirect_vreg.gather [hbm4b:s2+s10], $0x1, v1, vm0, $0x4038;
	[tilespmem:$0x200] =	vst v63  }
0x16: {  	(ifvalue) =	ssetifvalue $0x7FFFFFFF;
	s14 =	sadd.s32 $0x10, s14  }
0x17: {  	[tilespmem:s14], [sflag:$0x1] =	stream.indirect_vreg.gather [hbm4b:s2+s10], $0x1, v0, vm0, $0x4038;
	[tilespmem:$0x200] =	vst v63  }
0x18: {  	_ =	swait.ge [sflag:s6], $0x80  }
0x19: {  	s30 =	sshrl.u32 s13, $0x3;
	[sflag:s6] =	ssyncset.done $0x0  }
0x1a: {  	s31 =	sand.u32 $0x7, s13;
	s14 =	sadd.s32 s5, s30;
	[sflag:s6] =	ssyncadd.s32 $0xFFFFFF80  }
0x1b: {  	[hbm4b:s14+s31] =	stream.linear.scatter [tilespmem:s15], [sflag:$0x3], $0x80, $0x38;
	[tilespmem:$0x200] =	vst v63  }
.LBB2_5:
0x1c: {  	s15 =	sadd.s32 $0x1000, s11  }
0x1d: {  	p2 =	sgt.s32 s15, $0x1FFF  }
0x1e: {  	s15 =	smov.u32 @p2 s3;
	p2 =	sne.s32 s12, s9  }
.Ltmp1:
0x1f: {  	p1 =	slt.u32 s12, $0x2;
	(pc) =	sbr.rel @!p2 .LBB2_6-.Ltmp1, $4  }
0x20: {  	s14 =	simm.s32 @!p1 $0x3  }
0x21: {  	s16 =	sadd.s32 $0x1, s12;
	_ =	swait.ge @!p1 [sflag:s14], $0x80  }
0x22: {  	s13 =	smov.u32 s11;
	p0 =	por !p0, !p0;
	[sflag:s14] =	ssyncset.done @!p1 $0x0  }
0x23: {  	s12 =	smov.u32 s16;
	s11 =	smov.u32 s15;
	[sflag:s14] =	ssyncadd.s32 @!p1 $0xFFFFFF80  }
.LBB2_1:
0x24: {  	p1 =	sge.u32 s12, s8  }
0x25: {  	s14 =	sxor.u32 @!p1 $0xFFFFFFFF, s12  }
0x26: {  	s31 =	sadd.s32 $0xFFFFFFFF, s12;
	s15 =	sshrl.u32 @!p1 s11, $0x3;
	s14 =	sshll.u32 @!p1 s14, $0x7  }
0x27: {  	s16 =	sand.u32 @!p1 $0x7, s11;
	s15 =	sadd.s32 @!p1 s4, s15;
	s14 =	sand.u32 @!p1 $0x80, s14  }
0x28: {  	[tilespmem:s14], [sflag:$0x2] =	stream.linear.gather @!p1 [hbm4b:s15+s16], $0x80, $0x38;
	[tilespmem:$0x200] =	vst v63  }
0x29: {  	p1 =	sge.u32 s31, s8  }
.Ltmp2:
0x2a: {  	_ = 	snop;
	(pc) =	sbr.rel @p1 .LBB2_5-.Ltmp2, $1  }
0x2b: {  	_ =	sdelay $0x3  }
0x2c: {  	s14 =	simm.s32 $0x1  }
0x2d: {  	_ =	swait.ge [sflag:s7], $0x80;
	s14 =	simm.s32 @!p0 $0x0  }
0x2e: {  	[sflag:s7] =	ssyncset.done $0x0;
	s14 =	sshll.u32 s14, $0x7  }
0x2f: {  	[sflag:s7] =	ssyncadd.s32 $0xFFFFFF80;
	(ifvalue) =	ssetifvalue $0x7FFFFFFF;
	v0 =	vld.msk [tilespmem:s14+$0x0 ss:$0x1], $0xffff;
	_ =	sdelay $0x4  }
0x30: {  	s15 =	sadd.s32 $0x10, s14;
	vm1 =	veq.s32 v0, $0x80000000;
	v1 =	vshrl.u32 v0, $0x1;
	v2 =	vshrl.u32 v0, $0xA  }
0x31: {  	v3 =	vld.msk [tilespmem:s15+$0x0 ss:$0x1], $0xffff;
	v0 =	vshll.u32 v0, $0x12;
	v1 =	vand.u32 $0x1FF, v1;
	v2 =	vand.u32 $0x1FF, v2  }
0x32: {  	v0 =	vand.u32 $0x40000, v0;
	v1 =	vsel vm1, $0xFFFFFFFF, v1;
	v2 =	vsel vm1, $0xFFFFFFFF, v2  }
0x33: {  	v0 =	vsel vm1, $0xFFFC0000, v0;
	v4 =	vand.u32 $0x7F, v2;
	v5 =	vshll.u32 v1, $0x9  }
0x34: {  	v2 =	vshll.u32 v2, $0x3;
	v5 =	vand.u32 $0xFFFFF000, v5;
	v0 =	vor.u32 v0, v4  }
0x35: {  	v1 =	vshll.u32 v1, $0x7;
	v2 =	vand.u32 $0xFFFFFC00, v2;
	v0 =	vadd.s32 v5, v0  }
0x36: {  	v62 =	vshrl.u32 v3, $0xA;
	v1 =	vand.u32 $0x380, v1;
	v0 =	vadd.s32 v2, v0  }
0x37: {  	s17 =	sadd.s32 $0x10, s15;
	vm1 =	veq.s32 v3, $0x80000000;
	v2 =	vshrl.u32 v3, $0x1;
	v1 =	vor.u32 v1, v0  }
0x38: {  	v4 =	vand.u32 $0x1FF, v62;
	v3 =	vshll.u32 v3, $0x12;
	v0 =	vld.msk [tilespmem:s17+$0x0 ss:$0x1], $0xffff;
	v2 =	vand.u32 $0x1FF, v2  }
0x39: {  	v4 =	vsel vm1, $0xFFFFFFFF, v4;
	v3 =	vand.u32 $0x40000, v3;
	v2 =	vsel vm1, $0xFFFFFFFF, v2  }
0x3a: {  	s31 =	sshll.u32 s12, $0x7;
	v63 =	vand.u32 $0x7F, v4;
	v3 =	vsel vm1, $0xFFFC0000, v3;
	v6 =	vshll.u32 v2, $0x9  }
0x3b: {  	s14 =	sor.u32 $0x100, s14;
	s15 =	sand.u32 $0x80, s31;
	v4 =	vshll.u32 v4, $0x3;
	(ifvalue) =	ssetifvalue $0x7FFFFFFF;
	v3 =	vor.u32 v3, v63;
	v6 =	vand.u32 $0xFFFFF000, v6  }
0x3c: {  	v4 =	vand.u32 $0xFFFFFC00, v4;
	[tilespmem:s14], [sflag:$0x1] =	stream.indirect_vreg.gather [hbm4b:s2+s10], $0x1, v1, vm0, $0x4038;
	v1 =	vshll.u32 v2, $0x7;
	v2 =	vadd.s32 v6, v3;
	[tilespmem:$0x200] =	vst v63  }
0x3d: {  	s16 =	simm.s32 $0x20;
	s15 =	sor.u32 $0x100, s15;
	s17 =	sadd.s32 $0x10, s17;
	vm1 =	veq.s32 v0, $0x80000000;
	v1 =	vand.u32 $0x380, v1;
	v2 =	vadd.s32 v4, v2  }
.LBB2_3:
0x3e: {  	v3 =	vld.msk [tilespmem:s17+$0x0 ss:$0x1], $0xffff;
	v4 =	vshrl.u32 v0, $0x1;
	v5 =	vshrl.u32 v0, $0xA;
	v1 =	vor.u32 v1, v2;
	s16 =	sadd.s32 $0x10, s16  }
0x3f: {  	v0 =	vshll.u32 v0, $0x12;
	v2 =	vand.u32 $0x1FF, v4;
	v4 =	vand.u32 $0x1FF, v5;
	p1 =	slt.u32 s16, $0x70  }
.Ltmp3:
0x40: {  	v0 =	vand.u32 $0x40000, v0;
	v2 =	vsel vm1, $0xFFFFFFFF, v2;
	v4 =	vsel vm1, $0xFFFFFFFF, v4;
	(pc) =	sbr.rel @p1 .LBB2_3-.Ltmp3, $4  }
0x41: {  	v0 =	vsel vm1, $0xFFFC0000, v0;
	v5 =	vand.u32 $0x7F, v4;
	v6 =	vshll.u32 v2, $0x9  }
0x42: {  	s14 =	sadd.s32 $0x10, s14;
	v4 =	vshll.u32 v4, $0x3;
	v6 =	vand.u32 $0xFFFFF000, v6;
	v7 =	vor.u32 v0, v5;
	(ifvalue) =	ssetifvalue $0x7FFFFFFF  }
0x43: {  	v2 =	vshll.u32 v2, $0x7;
	v4 =	vand.u32 $0xFFFFFC00, v4;
	v5 =	vadd.s32 v6, v7;
	[tilespmem:s14], [sflag:$0x1] =	stream.indirect_vreg.gather [hbm4b:s2+s10], $0x1, v1, vm0, $0x4038;
	[tilespmem:$0x200] =	vst v63  }
0x44: {  	s17 =	sadd.s32 $0x10, s17;
	vm1 =	veq.s32 v3, $0x80000000;
	v1 =	vand.u32 $0x380, v2;
	v0 =	vmovc v3;
	v2 =	vadd.s32 v4, v5  }
.Ltmp4:
0x45: {  	_ = 	snop;
	(pc) =	sbr.rel .LBB2_4-.Ltmp4, $1  }
0x46: {  	_ =	sdelay $0x3  }
.LBB2_6:
0x47: {  	_ =	sfence.sel $0x180000  }
0x48: {  	s2 =	simm.s32 $0x2;
	[bflag:$0x0] =	sbarrier.arrive $0xFFFF  }
0x49: {  	s30 =	simm.s32 $0x3;
	[sflag:s2] =	ssyncpa.u1 $0x1  }
0x4a: {  	s31 =	simm.s32 $0x1;
	[sflag:s30] =	ssyncpa.u1 $0x1  }
0x4b: {  	[sflag:s31] =	ssyncpa.u1 $0x1  }
0x4c: {  	p0 =	sne.s32 s0, $0x0;
	_ =	strace $0x90000056  }
0x4d: {  	s0 =	sadd.s32 @!p0 $0x100000, s1;
	[bflag:$0x2] =	sbarrier.arrive $0xFFFF  }
0x4e: {  	[sflag:s0] =	ssyncadd.tile.s32 @!p0 $0x1;
	_ =	shalt  }
.Lfunc_end2:
_tile_overlayer_lowered:
.L_overlay_start_2:
0x4f: {  	(tag) =	ssettag $0x2  }
0x50: {  	s0 =	rddreg [dreg:$0x0];
	s2 =	stileid.u32  }
0x51: {  	s1 =	rddreg [dreg:$0x1];
	p0 =	sne.s32 s2, $0x0  }
0x52: {  	s3 =	rddreg [dreg:$0x2];
	[bflag:$0x3] =	sbarrier.arrive $0xFFFF;
	s2 =	simm.s32 @!p0 $0x1C01  }
0x53: {  	[timem:s3], [sflag:s2] =	dma.local @!p0 [hbm:s0], s1  }
0x54: {  	s0 =	simm.s32 @!p0 $0x1  }
0x55: {  	_ =	swait.ge @!p0 [sflag:s0], s1  }
0x56: {  	s1 =	ssub.s32 @!p0 $0x0, s1;
	[sflag:s0] =	ssyncset.done @!p0 $0x0  }
0x57: {  	[sflag:s0] =	ssyncadd.s32 @!p0 s1  }
0x58: {  	[bflag:$0x3] =	sbarrier.arrive $0xFFFF  }
0x59: {  	_ =	shalt  }

// kernel: gather_offload_async_start.2
scs
__scs_entry_jumppad:
0x0: {  	(pc) =	sbr.rel $0x88, $3  }
0x1: {  	(tag) =	ssettag $0x0;
	lr =	simm.s32 $0x1  }
0x2: {  	[smem:$0x3F9F] =	sst lr;
	_ =	strace $0xD0000000  }
0x3: {  	_ = 	snop  }
0x4: {  	_ = 	snop  }
0x5: {  	_ = 	snop  }
0x6: {  	_ = 	snop  }
0x7: {  	_ = 	snop  }
__scs_overlays_trampoline_lowered:
0x8: {  	[smem:$0x3FAE] =	sst s0  }
0x9: {  	[smem:$0x3FAF] =	sst s1  }
0xa: {  	[smem:$0x3FB0] =	sst s2  }
0xb: {  	[smem:$0x3FB1] =	sst s3  }
0xc: {  	[smem:$0x3FB2] =	sst s4  }
0xd: {  	[smem:$0x3FB3] =	sst s5  }
0xe: {  	[smem:$0x3FB4] =	sst s6  }
0xf: {  	[smem:$0x3FB5] =	sst s7  }
0x10: {  	[smem:$0x3FB6] =	sst s8  }
0x11: {  	[smem:$0x3FB7] =	sst s9;
	s0 =	simm.s32 @!p0 $0x0  }
0x12: {  	s1 =	sld [smem:$0x3F9D];
	s0 =	simm.s32 @p0 $0x1  }
0x13: {  	[smem:$0x3FB8] =	sst s0;
	s0 =	simm.s32 @!p1 $0x0  }
0x14: {  	s2 =	sld [smem:$0x3F9C];
	s0 =	simm.s32 @p1 $0x1  }
0x15: {  	[smem:$0x3FB9] =	sst s0;
	s0 =	simm.s32 @!p2 $0x0  }
0x16: {  	s3 =	sld [smem:$0x3FDB];
	s0 =	simm.s32 @p2 $0x1  }
0x17: {  	s4 =	simm.s32 $0x1BF5;
	[smem:$0x3FBB] =	sst s0  }
0x18: {  	s0 =	sld [smem:$0x3F9E];
	_ =	swait.ge [sflag:s4], $0x0  }
0x19: {  	s7 =	sld [smem:$0x3F9F]  }
0x1a: {  	s8 =	sadd.s32 $0xFFFFE003, lr  }
0x1b: {  	s9 =	sadd.s32 $0xFFFFFEF7, lr;
	s5 =	simm.s32 $0xFFFFFFFF;
	p2 =	slt.u32 s8, $0xFFFFF086  }
0x1c: {  	p1 =	slt.u32 s9, $0xF7A;
	s5 =	simm.s32 @!p2 $0x0  }
0x1d: {  	s5 =	simm.s32 @p1 $0x1;
	p0 =	seq.s32 s7, s2  }
0x1e: {  	s7 =	smul.u32 @!p0 $0xF7A, s2;
	p2 =	seq.s32 @!p0 s5, $0x0  }
0x1f: {  	s9 =	smul.u32 $0xF7A, s1;
	s8 =	simm.s32 @!p0 $0x1BF5;
	p2 =	por !p2, p0  }
0x20: {  	[sflag:s8] =	ssyncset.s32 @!p0 $0xFFFFF086;
	s6 =	sadd.s32 @!p0 s3, s7;
	s7 =	simm.s32 @!p0 $0x108  }
0x21: {  	s3 =	sadd.s32 s3, s9;
	s6 =	sadd.s32 @!p0 $0x88, s6;
	s7 =	simm.s32 @p2 $0x1082  }
0x22: {  	[simem:s7], [sflag:s8] =	dma.local @!p0 [hbm:s6], $0xF7A  }
0x23: {  	s9 =	sor.u32 $0xD0000000, s2;
	s6 =	simm.s32 $0x108;
	_ =	swait.ge @!p0 [sflag:s8], $0x0  }
0x24: {  	s3 =	sadd.s32 $0x88, s3;
	s6 =	simm.s32 @!p1 $0x1082;
	[sflag:s4] =	ssyncset.s32 $0xFFFFF086  }
0x25: {  	[simem:s6], [sflag:s4] =	dma.local [hbm:s3], $0xF7A  }
0x26: {  	[smem:$0x3F9F] =	sst s1;
	(tag) =	ssettag s2;
	_ =	strace s9  }
0x27: {  	s1 =	sld [smem:$0x3FAF]  }
0x28: {  	s2 =	sld [smem:$0x3FB0]  }
0x29: {  	s4 =	sld [smem:$0x3FB2]  }
0x2a: {  	p0 =	seq.s32 s5, $0x0;
	s5 =	sld [smem:$0x3FB3]  }
0x2b: {  	s6 =	sld [smem:$0x3FB4]  }
0x2c: {  	s7 =	sld [smem:$0x3FB5]  }
0x2d: {  	s3 =	simm.s32 $0x108;
	s8 =	sld [smem:$0x3FB6]  }
0x2e: {  	s3 =	simm.s32 @!p0 $0x1082;
	s9 =	sld [smem:$0x3FB7]  }
0x2f: {  	lr =	sadd.s32 s0, s3;
	s0 =	sld [smem:$0x3FAE]  }
0x30: {  	s3 =	sld [smem:$0x3FB1]  }
0x31: {  	[smem:$0x3FBA] =	sst s10  }
0x32: {  	s10 =	sld [smem:$0x3FB8];
	_ =	sdelay $0x3  }
0x33: {  	p0 =	seq.s32 s10, $0x1;
	s10 =	sld [smem:$0x3FBA];
	_ =	sdelay $0x3  }
0x34: {  	[smem:$0x3FBA] =	sst s10  }
0x35: {  	s10 =	sld [smem:$0x3FB9];
	_ =	sdelay $0x3  }
0x36: {  	p1 =	seq.s32 s10, $0x1;
	s10 =	sld [smem:$0x3FBA];
	_ =	sdelay $0x3  }
0x37: {  	[smem:$0x3FBA] =	sst s10  }
0x38: {  	s10 =	sld [smem:$0x3FBB]  }
0x39: {  	_ = 	snop;
	(pc) =	sbr.ind lr, $3  }
0x3a: {  	_ = 	snop  }
0x3b: {  	_ = 	snop  }
0x3c: {  	p2 =	seq.s32 s10, $0x1;
	s10 =	sld [smem:$0x3FBA]  }
0x3d: {  	_ =	shalt  }
0x3e: {  	_ =	shalt  }
0x3f: {  	_ =	shalt  }
0x40: {  	_ =	shalt  }
0x41: {  	_ =	shalt  }
0x42: {  	_ =	shalt  }
0x43: {  	_ =	shalt  }
0x44: {  	_ =	shalt  }
0x45: {  	_ =	shalt  }
0x46: {  	_ =	shalt  }
0x47: {  	_ =	shalt  }
0x48: {  	_ =	shalt  }
0x49: {  	_ =	shalt  }
0x4a: {  	_ =	shalt  }
0x4b: {  	_ =	shalt  }
0x4c: {  	_ =	shalt  }
0x4d: {  	_ =	shalt  }
0x4e: {  	_ =	shalt  }
0x4f: {  	_ =	shalt  }
0x50: {  	_ =	shalt  }
0x51: {  	_ =	shalt  }
0x52: {  	_ =	shalt  }
0x53: {  	_ =	shalt  }
0x54: {  	_ =	shalt  }
0x55: {  	_ =	shalt  }
0x56: {  	_ =	shalt  }
0x57: {  	_ =	shalt  }
0x58: {  	_ =	shalt  }
0x59: {  	_ =	shalt  }
0x5a: {  	_ =	shalt  }
0x5b: {  	_ =	shalt  }
0x5c: {  	_ =	shalt  }
0x5d: {  	_ =	shalt  }
0x5e: {  	_ =	shalt  }
0x5f: {  	_ =	shalt  }
0x60: {  	_ =	shalt  }
0x61: {  	_ =	shalt  }
0x62: {  	_ =	shalt  }
0x63: {  	_ =	shalt  }
0x64: {  	_ =	shalt  }
0x65: {  	_ =	shalt  }
0x66: {  	_ =	shalt  }
0x67: {  	_ =	shalt  }
0x68: {  	_ =	shalt  }
0x69: {  	_ =	shalt  }
0x6a: {  	_ =	shalt  }
0x6b: {  	_ =	shalt  }
0x6c: {  	_ =	shalt  }
0x6d: {  	_ =	shalt  }
0x6e: {  	_ =	shalt  }
0x6f: {  	_ =	shalt  }
0x70: {  	_ =	shalt  }
0x71: {  	_ =	shalt  }
0x72: {  	_ =	shalt  }
0x73: {  	_ =	shalt  }
0x74: {  	_ =	shalt  }
0x75: {  	_ =	shalt  }
0x76: {  	_ =	shalt  }
0x77: {  	_ =	shalt  }
0x78: {  	_ =	shalt  }
0x79: {  	_ =	shalt  }
0x7a: {  	_ =	shalt  }
0x7b: {  	_ =	shalt  }
0x7c: {  	_ =	shalt  }
0x7d: {  	_ =	shalt  }
0x7e: {  	_ =	shalt  }
0x7f: {  	_ =	shalt  }
0x80: {  	_ =	shalt  }
0x81: {  	_ =	shalt  }
0x82: {  	_ =	shalt  }
0x83: {  	_ =	shalt  }
0x84: {  	_ =	shalt  }
0x85: {  	_ =	shalt  }
0x86: {  	_ =	shalt  }
0x87: {  	_ =	shalt  }
.Lfunc_end0:
.L_simem_size_0:
called_computation.3_lowered:
.L_overlay_start_0:
0x88: {  	s2 =	sld [smem:$0x3FD9]  }
0x89: {  	s3 =	sld [smem:$0x3FFE];
	_ =	sdelay $0x1  }
0x8a: {  	s1 =	srdreg.scid  }
0x8b: {  	s0 =	sand.u32 $0x1, s1  }
0x8c: {  	s17 =	sshll.u32 s0, $0xA;
	s2 =	sadd.s32 s3, s2  }
0x8d: {  	s2 =	sadd.s32 s2, s17  }
0x8e: {  	[smem:$0x3FC6] =	sst s2  }
0x8f: {  	_ = 	snop  }
0x90: {  	s18 =	sld [smem:$0x3FC9];
	(tm) =	ssettm $0x1  }
0x91: {  	s19 =	sld [smem:$0x3FFB];
	_ =	sdelay $0x3  }
0x92: {  	_ =	strace s19  }
0x93: {  	s2 =	sld [smem:$0x3FFC];
	_ =	sdelay $0x3  }
0x94: {  	_ =	strace s2  }
0x95: {  	s2 =	sld [smem:$0x3FFD];
	_ =	sdelay $0x3  }
0x96: {  	_ =	strace s2  }
0x97: {  	_ =	strace $0x8FFFFFFF  }
0x98: {  	s20 =	sld [smem:$0x3FDB];
	_ =	sdelay $0x1  }
0x99: {  	s4 =	simm.s32 $_scs_section_size  }
0x9a: {  	s5 =	simm.s32 $_size__tile_overlayer_lowered;
	s6 =	simm.s32 $_tile_overlayer_lowered  }
0x9b: {  	s7 =	simm.s32 $0x1BFF;
	s21 =	sshll.u32 s6, $0x1;
	s4 =	sadd.s32 s4, s20  }
0x9c: {  	s22 =	simm.s32 $0x0;
	s5 =	sshll.u32 s5, $0x1;
	s6 =	sadd.s32 s21, s4  }
0x9d: {  	[timem:s22], [sflag:s7] =	dma.local [hbm:s6], s5  }
0x9e: {  	_ =	swait.ge [sflag:s7], s5  }
0x9f: {  	s5 =	ssub.s32 $0x0, s5;
	[sflag:s7] =	ssyncset.done $0x0  }
0xa0: {  	[sflag:s7] =	ssyncadd.s32 s5;
	_ =	sdelay $0x1  }
0xa1: {  	s23 =	simm.s32 $0x1B8B  }
0xa2: {  	_ =	swait.ge [sflag:s23], $0x1  }
0xa3: {  	[sflag:s23] =	ssyncset.done $0x0  }
0xa4: {  	[sflag:s23] =	ssyncadd.s32 $0xFFFFFFFF  }
0xa5: {  	s5 =	sld [smem:$0x0]  }
0xa6: {  	s6 =	sand.u32 $0xFFFFFFFE, s1  }
0xa7: {  	p0 =	sne.s32 s1, s6  }
0xa8: {  	s6 =	sshll.u32 @p0 s6, $0xE  }
0xa9: {  	s6 =	sadd.s32 @p0 $0x11B8D, s6;
	s7 =	sshll.u32 @p0 s5, $0x11  }
0xaa: {  	s6 =	sor.u32 @p0 s7, s6  }
0xab: {  	[sflag:s6] =	ssyncadd.remote.s32 @p0 $0x1;
	_ =	sdelay $0x1  }
0xac: {  	s6 =	simm.s32 @p0 $0x1B8D  }
0xad: {  	_ =	swait.eq @p0 [sflag:s6], $0x1  }
0xae: {  	[sflag:s6] =	ssyncadd.s32 @p0 $0xFFFFFFFF  }
0xaf: {  	s7 =	sshll.u32 @!p0 s1, $0xE  }
0xb0: {  	s7 =	sor.u32 @!p0 $0x4000, s7;
	s6 =	simm.s32 @!p0 $0x1B8D  }
0xb1: {  	s5 =	sshll.u32 @!p0 s5, $0x11;
	s7 =	sadd.s32 @!p0 $0x11B8D, s7;
	_ =	swait.eq @!p0 [sflag:s6], $0x1  }
0xb2: {  	s5 =	sor.u32 @!p0 s5, s7;
	[sflag:s6] =	ssyncadd.s32 @!p0 $0xFFFFFFFF  }
0xb3: {  	s25 =	simm.s32 $0x1B8E;
	s24 =	sld [smem:$0x3FFE];
	[sflag:s5] =	ssyncadd.remote.s32 @!p0 $0x1  }
0xb4: {  	s26 =	simm.s32 $execute0_lowered;
	[smem:$0x3FD2] =	sst s25  }
0xb5: {  	s6 =	sshll.u32 s26, $0x1;
	_ =	strace $0x8000004C;
	[dreg:$0x1] =	wrdreg $0xFFFFFFFF  }
0xb6: {  	s28 =	simm.s32 $_size_execute0_lowered;
	s4 =	sadd.s32 s4, s6;
	[dreg:$0x0] =	wrdreg $0x0  }
0xb7: {  	s6 =	sshll.u32 s28, $0x1;
	[dreg:$0x2] =	wrdreg s4  }
0xb8: {  	[dreg:$0x3] =	wrdreg s6  }
0xb9: {  	[dreg:$0x4] =	wrdreg $0xC0  }
0xba: {  	_ =	task [dreg:s22], $0x5FFFF  }
0xbb: {  	[dreg:$0x1] =	wrdreg $0xFFFFFFFF  }
0xbc: {  	[dreg:$0x0] =	wrdreg $0x60  }
0xbd: {  	[dreg:$0x2] =	wrdreg s18  }
0xbe: {  	[dreg:$0x3] =	wrdreg s24  }
0xbf: {  	[dreg:$0x4] =	wrdreg $0xC  }
0xc0: {  	_ =	task.clear_ibuf [dreg:s22], $0x5FFFF;
	_ =	strace $0x9000004C  }
0xc1: {  	s29 =	simm.s32 $0xC;
	_ =	strace $0x8000004E  }
0xc2: {  	_ =	swait.ge [sflag:s29], $0x1  }
0xc3: {  	[sflag:s29] =	ssyncadd.s32 $0xFFFFFFFF  }
0xc4: {  	_ =	strace $0x9000004E  }
0xc5: {  	_ =	sfence  }
0xc6: {  	s30 =	sld [smem:$0x0];
	_ =	sdelay $0x2  }
0xc7: {  	s31 =	sshll.u32 s1, $0xD;
	s1 =	sshrl.u32 s1, $0x2  }
0xc8: {  	s4 =	sand.u32 $0x4000, s31;
	s1 =	sadd.s32 s1, s30  }
0xc9: {  	s0 =	sor.u32 s4, s0;
	s1 =	sshll.u32 s1, $0x11  }
0xca: {  	s0 =	sor.u32 s1, s0  }
0xcb: {  	s0 =	sadd.s32 $0x8F2B, s0  }
0xcc: {  	[sflag:s0] =	ssyncadd.remote.s32 $0x1  }
0xcd: {  	_ =	sfence.sel $0xFFFF  }
0xce: {  	[dreg:$0x0] =	wrdreg $0xFFFFFFFF;
	(pc) =	sbr.abs _section_cstart, $3  }
0xcf: {  	[dreg:$0x1] =	wrdreg $0xFFFFFFFF  }
0xd0: {  	_ =	task.clear_ibuf [dreg:s22], $0x2FFFF;
	_ =	strace $0x9FFFFFFF  }
0xd1: {  	(tm) =	ssettm $0x7FFFFFFF  }
tec
execute0_lowered:
.L_overlay_start_1:
0x0: {  	(tag) =	ssettag $0x1  }
0x1: {  	s1 =	srdreg.scid;
	s2 =	rddreg [dreg:$0x0]  }
0x2: {  	s0 =	stileid.u32;
	s5 =	rddreg [dreg:$0x1];
	s6 =	simm.s32 $0x1  }
0x3: {  	s9 =	simm.s32 $0x1;
	s10 =	simm.s32 $0x3;
	s1 =	sshll.u32 s1, $0x7  }
0x4: {  	s13 =	simm.s32 $0x0;
	s3 =	sshll.u32 s0, $0x8;
	s4 =	sand.u32 $0x80, s1  }
0x5: {  	s12 =	simm.s32 $0x0;
	s1 =	rddreg [dreg:$0x2];
	s3 =	sor.u32 s3, s4  }
0x6: {  	_ =	strace $0x8000004D;
	s4 =	sadd.s32 $0x400, s5;
	s8 =	ssub.s32 $0x2000, s3  }
.Ltmp0:
0x7: {  	s5 =	sadd.s32 $0x1000, s5;
	s7 =	sand.u32 $0xF80, s8;
	(pc) =	sbr.rel .LBB2_1-.Ltmp0, $4  }
0x8: {  	[sflag:s6] =	ssyncpa.u1 $0x0;
	s11 =	smov.u32 s3;
	p0 =	sne.s32 s7, $0x0  }
0x9: {  	s8 =	sshrl.u32 s8, $0xC;
	s7 =	simm.s32 $0x2;
	s9 =	simm.s32 @!p0 $0x0  }
0xa: {  	[sflag:s7] =	ssyncpa.u1 $0x0;
	p0 =	por $0x0, $0x0;
	s8 =	sadd.s32 s9, s8  }
0xb: {  	vm0 =	vmmov $0xffff;
	[sflag:s10] =	ssyncpa.u1 $0x0;
	s10 =	simm.s32 $0x0;
	s9 =	sadd.s32 $0x1, s8  }
.LBB2_4:
0xc: {  	v3 =	vshrl.u32 v0, $0x1;
	v4 =	vshrl.u32 v0, $0xA;
	v1 =	vor.u32 v1, v2  }
0xd: {  	v62 =	vshll.u32 v0, $0x12;
	v60 =	vand.u32 $0x1FF, v3;
	v61 =	vand.u32 $0x1FF, v4  }
0xe: {  	v0 =	vand.u32 $0x40000, v62;
	v2 =	vsel vm1, $0xFFFFFFFF, v60;
	v3 =	vsel vm1, $0xFFFFFFFF, v61  }
0xf: {  	v0 =	vsel vm1, $0xFFFC0000, v0;
	v63 =	vand.u32 $0x7F, v3;
	v5 =	vshll.u32 v2, $0x9  }
0x10: {  	v3 =	vshll.u32 v3, $0x3;
	v5 =	vand.u32 $0xFFFFF000, v5;
	v0 =	vor.u32 v0, v63  }
0x11: {  	v2 =	vshll.u32 v2, $0x7;
	v3 =	vand.u32 $0xFFFFFC00, v3;
	v0 =	vadd.s32 v5, v0  }
0x12: {  	v2 =	vand.u32 $0x380, v2;
	v0 =	vadd.s32 v3, v0  }
0x13: {  	v0 =	vor.u32 v2, v0;
	_ =	sdelay $0x1  }
0x14: {  	(ifvalue) =	ssetifvalue $0x7FFFFFFF;
	s14 =	sadd.s32 $0x10, s14  }
0x15: {  	[tilespmem:s14], [sflag:$0x1] =	stream.indirect_vreg.gather [hbm4b:s2+s10], $0x1, v1, vm0, $0x4038;
	[tilespmem:$0x200] =	vst v63  }
0x16: {  	(ifvalue) =	ssetifvalue $0x7FFFFFFF;
	s14 =	sadd.s32 $0x10, s14  }
0x17: {  	[tilespmem:s14], [sflag:$0x1] =	stream.indirect_vreg.gather [hbm4b:s2+s10], $0x1, v0, vm0, $0x4038;
	[tilespmem:$0x200] =	vst v63  }
0x18: {  	_ =	swait.ge [sflag:s6], $0x80  }
0x19: {  	s30 =	sshrl.u32 s13, $0x3;
	[sflag:s6] =	ssyncset.done $0x0  }
0x1a: {  	s31 =	sand.u32 $0x7, s13;
	s14 =	sadd.s32 s5, s30;
	[sflag:s6] =	ssyncadd.s32 $0xFFFFFF80  }
0x1b: {  	[hbm4b:s14+s31] =	stream.linear.scatter [tilespmem:s15], [sflag:$0x3], $0x80, $0x38;
	[tilespmem:$0x200] =	vst v63  }
.LBB2_5:
0x1c: {  	s15 =	sadd.s32 $0x1000, s11  }
0x1d: {  	p2 =	sgt.s32 s15, $0x1FFF  }
0x1e: {  	s15 =	smov.u32 @p2 s3;
	p2 =	sne.s32 s12, s9  }
.Ltmp1:
0x1f: {  	p1 =	slt.u32 s12, $0x2;
	(pc) =	sbr.rel @!p2 .LBB2_6-.Ltmp1, $4  }
0x20: {  	s14 =	simm.s32 @!p1 $0x3  }
0x21: {  	s16 =	sadd.s32 $0x1, s12;
	_ =	swait.ge @!p1 [sflag:s14], $0x80  }
0x22: {  	s13 =	smov.u32 s11;
	p0 =	por !p0, !p0;
	[sflag:s14] =	ssyncset.done @!p1 $0x0  }
0x23: {  	s12 =	smov.u32 s16;
	s11 =	smov.u32 s15;
	[sflag:s14] =	ssyncadd.s32 @!p1 $0xFFFFFF80  }
.LBB2_1:
0x24: {  	p1 =	sge.u32 s12, s8  }
0x25: {  	s14 =	sxor.u32 @!p1 $0xFFFFFFFF, s12  }
0x26: {  	s31 =	sadd.s32 $0xFFFFFFFF, s12;
	s15 =	sshrl.u32 @!p1 s11, $0x3;
	s14 =	sshll.u32 @!p1 s14, $0x7  }
0x27: {  	s16 =	sand.u32 @!p1 $0x7, s11;
	s15 =	sadd.s32 @!p1 s4, s15;
	s14 =	sand.u32 @!p1 $0x80, s14  }
0x28: {  	[tilespmem:s14], [sflag:$0x2] =	stream.linear.gather @!p1 [hbm4b:s15+s16], $0x80, $0x38;
	[tilespmem:$0x200] =	vst v63  }
0x29: {  	p1 =	sge.u32 s31, s8  }
.Ltmp2:
0x2a: {  	_ = 	snop;
	(pc) =	sbr.rel @p1 .LBB2_5-.Ltmp2, $1  }
0x2b: {  	_ =	sdelay $0x3  }
0x2c: {  	s14 =	simm.s32 $0x1  }
0x2d: {  	_ =	swait.ge [sflag:s7], $0x80;
	s14 =	simm.s32 @!p0 $0x0  }
0x2e: {  	[sflag:s7] =	ssyncset.done $0x0;
	s14 =	sshll.u32 s14, $0x7  }
0x2f: {  	[sflag:s7] =	ssyncadd.s32 $0xFFFFFF80;
	(ifvalue) =	ssetifvalue $0x7FFFFFFF;
	v0 =	vld.msk [tilespmem:s14+$0x0 ss:$0x1], $0xffff;
	_ =	sdelay $0x4  }
0x30: {  	s15 =	sadd.s32 $0x10, s14;
	vm1 =	veq.s32 v0, $0x80000000;
	v1 =	vshrl.u32 v0, $0x1;
	v2 =	vshrl.u32 v0, $0xA  }
0x31: {  	v3 =	vld.msk [tilespmem:s15+$0x0 ss:$0x1], $0xffff;
	v0 =	vshll.u32 v0, $0x12;
	v1 =	vand.u32 $0x1FF, v1;
	v2 =	vand.u32 $0x1FF, v2  }
0x32: {  	v0 =	vand.u32 $0x40000, v0;
	v1 =	vsel vm1, $0xFFFFFFFF, v1;
	v2 =	vsel vm1, $0xFFFFFFFF, v2  }
0x33: {  	v0 =	vsel vm1, $0xFFFC0000, v0;
	v4 =	vand.u32 $0x7F, v2;
	v5 =	vshll.u32 v1, $0x9  }
0x34: {  	v2 =	vshll.u32 v2, $0x3;
	v5 =	vand.u32 $0xFFFFF000, v5;
	v0 =	vor.u32 v0, v4  }
0x35: {  	v1 =	vshll.u32 v1, $0x7;
	v2 =	vand.u32 $0xFFFFFC00, v2;
	v0 =	vadd.s32 v5, v0  }
0x36: {  	v62 =	vshrl.u32 v3, $0xA;
	v1 =	vand.u32 $0x380, v1;
	v0 =	vadd.s32 v2, v0  }
0x37: {  	s17 =	sadd.s32 $0x10, s15;
	vm1 =	veq.s32 v3, $0x80000000;
	v2 =	vshrl.u32 v3, $0x1;
	v1 =	vor.u32 v1, v0  }
0x38: {  	v4 =	vand.u32 $0x1FF, v62;
	v3 =	vshll.u32 v3, $0x12;
	v0 =	vld.msk [tilespmem:s17+$0x0 ss:$0x1], $0xffff;
	v2 =	vand.u32 $0x1FF, v2  }
0x39: {  	v4 =	vsel vm1, $0xFFFFFFFF, v4;
	v3 =	vand.u32 $0x40000, v3;
	v2 =	vsel vm1, $0xFFFFFFFF, v2  }
0x3a: {  	s31 =	sshll.u32 s12, $0x7;
	v63 =	vand.u32 $0x7F, v4;
	v3 =	vsel vm1, $0xFFFC0000, v3;
	v6 =	vshll.u32 v2, $0x9  }
0x3b: {  	s14 =	sor.u32 $0x100, s14;
	s15 =	sand.u32 $0x80, s31;
	v4 =	vshll.u32 v4, $0x3;
	(ifvalue) =	ssetifvalue $0x7FFFFFFF;
	v3 =	vor.u32 v3, v63;
	v6 =	vand.u32 $0xFFFFF000, v6  }
0x3c: {  	v4 =	vand.u32 $0xFFFFFC00, v4;
	[tilespmem:s14], [sflag:$0x1] =	stream.indirect_vreg.gather [hbm4b:s2+s10], $0x1, v1, vm0, $0x4038;
	v1 =	vshll.u32 v2, $0x7;
	v2 =	vadd.s32 v6, v3;
	[tilespmem:$0x200] =	vst v63  }
0x3d: {  	s16 =	simm.s32 $0x20;
	s15 =	sor.u32 $0x100, s15;
	s17 =	sadd.s32 $0x10, s17;
	vm1 =	veq.s32 v0, $0x80000000;
	v1 =	vand.u32 $0x380, v1;
	v2 =	vadd.s32 v4, v2  }
.LBB2_3:
0x3e: {  	v3 =	vld.msk [tilespmem:s17+$0x0 ss:$0x1], $0xffff;
	v4 =	vshrl.u32 v0, $0x1;
	v5 =	vshrl.u32 v0, $0xA;
	v1 =	vor.u32 v1, v2;
	s16 =	sadd.s32 $0x10, s16  }
0x3f: {  	v0 =	vshll.u32 v0, $0x12;
	v2 =	vand.u32 $0x1FF, v4;
	v4 =	vand.u32 $0x1FF, v5;
	p1 =	slt.u32 s16, $0x70  }
.Ltmp3:
0x40: {  	v0 =	vand.u32 $0x40000, v0;
	v2 =	vsel vm1, $0xFFFFFFFF, v2;
	v4 =	vsel vm1, $0xFFFFFFFF, v4;
	(pc) =	sbr.rel @p1 .LBB2_3-.Ltmp3, $4  }
0x41: {  	v0 =	vsel vm1, $0xFFFC0000, v0;
	v5 =	vand.u32 $0x7F, v4;
	v6 =	vshll.u32 v2, $0x9  }
0x42: {  	s14 =	sadd.s32 $0x10, s14;
	v4 =	vshll.u32 v4, $0x3;
	v6 =	vand.u32 $0xFFFFF000, v6;
	v7 =	vor.u32 v0, v5;
	(ifvalue) =	ssetifvalue $0x7FFFFFFF  }
0x43: {  	v2 =	vshll.u32 v2, $0x7;
	v4 =	vand.u32 $0xFFFFFC00, v4;
	v5 =	vadd.s32 v6, v7;
	[tilespmem:s14], [sflag:$0x1] =	stream.indirect_vreg.gather [hbm4b:s2+s10], $0x1, v1, vm0, $0x4038;
	[tilespmem:$0x200] =	vst v63  }
0x44: {  	s17 =	sadd.s32 $0x10, s17;
	vm1 =	veq.s32 v3, $0x80000000;
	v1 =	vand.u32 $0x380, v2;
	v0 =	vmovc v3;
	v2 =	vadd.s32 v4, v5  }
.Ltmp4:
0x45: {  	_ = 	snop;
	(pc) =	sbr.rel .LBB2_4-.Ltmp4, $1  }
0x46: {  	_ =	sdelay $0x3  }
.LBB2_6:
0x47: {  	_ =	sfence.sel $0x180000  }
0x48: {  	s2 =	simm.s32 $0x2;
	[bflag:$0x0] =	sbarrier.arrive $0xFFFF  }
0x49: {  	s30 =	simm.s32 $0x3;
	[sflag:s2] =	ssyncpa.u1 $0x1  }
0x4a: {  	s31 =	simm.s32 $0x1;
	[sflag:s30] =	ssyncpa.u1 $0x1  }
0x4b: {  	[sflag:s31] =	ssyncpa.u1 $0x1  }
0x4c: {  	p0 =	sne.s32 s0, $0x0;
	_ =	strace $0x9000004D  }
0x4d: {  	s0 =	sadd.s32 @!p0 $0x100000, s1;
	[bflag:$0x2] =	sbarrier.arrive $0xFFFF  }
0x4e: {  	[sflag:s0] =	ssyncadd.tile.s32 @!p0 $0x1;
	_ =	shalt  }
.Lfunc_end2:
_tile_overlayer_lowered:
.L_overlay_start_2:
0x4f: {  	(tag) =	ssettag $0x2  }
0x50: {  	s0 =	rddreg [dreg:$0x0];
	s2 =	stileid.u32  }
0x51: {  	s1 =	rddreg [dreg:$0x1];
	p0 =	sne.s32 s2, $0x0  }
0x52: {  	s3 =	rddreg [dreg:$0x2];
	[bflag:$0x3] =	sbarrier.arrive $0xFFFF;
	s2 =	simm.s32 @!p0 $0x1C01  }
0x53: {  	[timem:s3], [sflag:s2] =	dma.local @!p0 [hbm:s0], s1  }
0x54: {  	s0 =	simm.s32 @!p0 $0x1  }
0x55: {  	_ =	swait.ge @!p0 [sflag:s0], s1  }
0x56: {  	s1 =	ssub.s32 @!p0 $0x0, s1;
	[sflag:s0] =	ssyncset.done @!p0 $0x0  }
0x57: {  	[sflag:s0] =	ssyncadd.s32 @!p0 s1  }
0x58: {  	[bflag:$0x3] =	sbarrier.arrive $0xFFFF  }
0x59: {  	_ =	shalt  }

// kernel: gather_offload_async_start.3
scs
__scs_entry_jumppad:
0x0: {  	(pc) =	sbr.rel $0x88, $3  }
0x1: {  	(tag) =	ssettag $0x0;
	lr =	simm.s32 $0x1  }
0x2: {  	[smem:$0x3F9F] =	sst lr;
	_ =	strace $0xD0000000  }
0x3: {  	_ = 	snop  }
0x4: {  	_ = 	snop  }
0x5: {  	_ = 	snop  }
0x6: {  	_ = 	snop  }
0x7: {  	_ = 	snop  }
__scs_overlays_trampoline_lowered:
0x8: {  	[smem:$0x3FAE] =	sst s0  }
0x9: {  	[smem:$0x3FAF] =	sst s1  }
0xa: {  	[smem:$0x3FB0] =	sst s2  }
0xb: {  	[smem:$0x3FB1] =	sst s3  }
0xc: {  	[smem:$0x3FB2] =	sst s4  }
0xd: {  	[smem:$0x3FB3] =	sst s5  }
0xe: {  	[smem:$0x3FB4] =	sst s6  }
0xf: {  	[smem:$0x3FB5] =	sst s7  }
0x10: {  	[smem:$0x3FB6] =	sst s8  }
0x11: {  	[smem:$0x3FB7] =	sst s9;
	s0 =	simm.s32 @!p0 $0x0  }
0x12: {  	s1 =	sld [smem:$0x3F9D];
	s0 =	simm.s32 @p0 $0x1  }
0x13: {  	[smem:$0x3FB8] =	sst s0;
	s0 =	simm.s32 @!p1 $0x0  }
0x14: {  	s2 =	sld [smem:$0x3F9C];
	s0 =	simm.s32 @p1 $0x1  }
0x15: {  	[smem:$0x3FB9] =	sst s0;
	s0 =	simm.s32 @!p2 $0x0  }
0x16: {  	s3 =	sld [smem:$0x3FDB];
	s0 =	simm.s32 @p2 $0x1  }
0x17: {  	s4 =	simm.s32 $0x1BF5;
	[smem:$0x3FBB] =	sst s0  }
0x18: {  	s0 =	sld [smem:$0x3F9E];
	_ =	swait.ge [sflag:s4], $0x0  }
0x19: {  	s7 =	sld [smem:$0x3F9F]  }
0x1a: {  	s8 =	sadd.s32 $0xFFFFE003, lr  }
0x1b: {  	s9 =	sadd.s32 $0xFFFFFEF7, lr;
	s5 =	simm.s32 $0xFFFFFFFF;
	p2 =	slt.u32 s8, $0xFFFFF086  }
0x1c: {  	p1 =	slt.u32 s9, $0xF7A;
	s5 =	simm.s32 @!p2 $0x0  }
0x1d: {  	s5 =	simm.s32 @p1 $0x1;
	p0 =	seq.s32 s7, s2  }
0x1e: {  	s7 =	smul.u32 @!p0 $0xF7A, s2;
	p2 =	seq.s32 @!p0 s5, $0x0  }
0x1f: {  	s9 =	smul.u32 $0xF7A, s1;
	s8 =	simm.s32 @!p0 $0x1BF5;
	p2 =	por !p2, p0  }
0x20: {  	[sflag:s8] =	ssyncset.s32 @!p0 $0xFFFFF086;
	s6 =	sadd.s32 @!p0 s3, s7;
	s7 =	simm.s32 @!p0 $0x108  }
0x21: {  	s3 =	sadd.s32 s3, s9;
	s6 =	sadd.s32 @!p0 $0x88, s6;
	s7 =	simm.s32 @p2 $0x1082  }
0x22: {  	[simem:s7], [sflag:s8] =	dma.local @!p0 [hbm:s6], $0xF7A  }
0x23: {  	s9 =	sor.u32 $0xD0000000, s2;
	s6 =	simm.s32 $0x108;
	_ =	swait.ge @!p0 [sflag:s8], $0x0  }
0x24: {  	s3 =	sadd.s32 $0x88, s3;
	s6 =	simm.s32 @!p1 $0x1082;
	[sflag:s4] =	ssyncset.s32 $0xFFFFF086  }
0x25: {  	[simem:s6], [sflag:s4] =	dma.local [hbm:s3], $0xF7A  }
0x26: {  	[smem:$0x3F9F] =	sst s1;
	(tag) =	ssettag s2;
	_ =	strace s9  }
0x27: {  	s1 =	sld [smem:$0x3FAF]  }
0x28: {  	s2 =	sld [smem:$0x3FB0]  }
0x29: {  	s4 =	sld [smem:$0x3FB2]  }
0x2a: {  	p0 =	seq.s32 s5, $0x0;
	s5 =	sld [smem:$0x3FB3]  }
0x2b: {  	s6 =	sld [smem:$0x3FB4]  }
0x2c: {  	s7 =	sld [smem:$0x3FB5]  }
0x2d: {  	s3 =	simm.s32 $0x108;
	s8 =	sld [smem:$0x3FB6]  }
0x2e: {  	s3 =	simm.s32 @!p0 $0x1082;
	s9 =	sld [smem:$0x3FB7]  }
0x2f: {  	lr =	sadd.s32 s0, s3;
	s0 =	sld [smem:$0x3FAE]  }
0x30: {  	s3 =	sld [smem:$0x3FB1]  }
0x31: {  	[smem:$0x3FBA] =	sst s10  }
0x32: {  	s10 =	sld [smem:$0x3FB8];
	_ =	sdelay $0x3  }
0x33: {  	p0 =	seq.s32 s10, $0x1;
	s10 =	sld [smem:$0x3FBA];
	_ =	sdelay $0x3  }
0x34: {  	[smem:$0x3FBA] =	sst s10  }
0x35: {  	s10 =	sld [smem:$0x3FB9];
	_ =	sdelay $0x3  }
0x36: {  	p1 =	seq.s32 s10, $0x1;
	s10 =	sld [smem:$0x3FBA];
	_ =	sdelay $0x3  }
0x37: {  	[smem:$0x3FBA] =	sst s10  }
0x38: {  	s10 =	sld [smem:$0x3FBB]  }
0x39: {  	_ = 	snop;
	(pc) =	sbr.ind lr, $3  }
0x3a: {  	_ = 	snop  }
0x3b: {  	_ = 	snop  }
0x3c: {  	p2 =	seq.s32 s10, $0x1;
	s10 =	sld [smem:$0x3FBA]  }
0x3d: {  	_ =	shalt  }
0x3e: {  	_ =	shalt  }
0x3f: {  	_ =	shalt  }
0x40: {  	_ =	shalt  }
0x41: {  	_ =	shalt  }
0x42: {  	_ =	shalt  }
0x43: {  	_ =	shalt  }
0x44: {  	_ =	shalt  }
0x45: {  	_ =	shalt  }
0x46: {  	_ =	shalt  }
0x47: {  	_ =	shalt  }
0x48: {  	_ =	shalt  }
0x49: {  	_ =	shalt  }
0x4a: {  	_ =	shalt  }
0x4b: {  	_ =	shalt  }
0x4c: {  	_ =	shalt  }
0x4d: {  	_ =	shalt  }
0x4e: {  	_ =	shalt  }
0x4f: {  	_ =	shalt  }
0x50: {  	_ =	shalt  }
0x51: {  	_ =	shalt  }
0x52: {  	_ =	shalt  }
0x53: {  	_ =	shalt  }
0x54: {  	_ =	shalt  }
0x55: {  	_ =	shalt  }
0x56: {  	_ =	shalt  }
0x57: {  	_ =	shalt  }
0x58: {  	_ =	shalt  }
0x59: {  	_ =	shalt  }
0x5a: {  	_ =	shalt  }
0x5b: {  	_ =	shalt  }
0x5c: {  	_ =	shalt  }
0x5d: {  	_ =	shalt  }
0x5e: {  	_ =	shalt  }
0x5f: {  	_ =	shalt  }
0x60: {  	_ =	shalt  }
0x61: {  	_ =	shalt  }
0x62: {  	_ =	shalt  }
0x63: {  	_ =	shalt  }
0x64: {  	_ =	shalt  }
0x65: {  	_ =	shalt  }
0x66: {  	_ =	shalt  }
0x67: {  	_ =	shalt  }
0x68: {  	_ =	shalt  }
0x69: {  	_ =	shalt  }
0x6a: {  	_ =	shalt  }
0x6b: {  	_ =	shalt  }
0x6c: {  	_ =	shalt  }
0x6d: {  	_ =	shalt  }
0x6e: {  	_ =	shalt  }
0x6f: {  	_ =	shalt  }
0x70: {  	_ =	shalt  }
0x71: {  	_ =	shalt  }
0x72: {  	_ =	shalt  }
0x73: {  	_ =	shalt  }
0x74: {  	_ =	shalt  }
0x75: {  	_ =	shalt  }
0x76: {  	_ =	shalt  }
0x77: {  	_ =	shalt  }
0x78: {  	_ =	shalt  }
0x79: {  	_ =	shalt  }
0x7a: {  	_ =	shalt  }
0x7b: {  	_ =	shalt  }
0x7c: {  	_ =	shalt  }
0x7d: {  	_ =	shalt  }
0x7e: {  	_ =	shalt  }
0x7f: {  	_ =	shalt  }
0x80: {  	_ =	shalt  }
0x81: {  	_ =	shalt  }
0x82: {  	_ =	shalt  }
0x83: {  	_ =	shalt  }
0x84: {  	_ =	shalt  }
0x85: {  	_ =	shalt  }
0x86: {  	_ =	shalt  }
0x87: {  	_ =	shalt  }
.Lfunc_end0:
.L_simem_size_0:
called_computation.4_lowered:
.L_overlay_start_0:
0x88: {  	s2 =	sld [smem:$0x3FD9]  }
0x89: {  	s3 =	sld [smem:$0x3FFE];
	_ =	sdelay $0x1  }
0x8a: {  	s1 =	srdreg.scid  }
0x8b: {  	s0 =	sand.u32 $0x1, s1  }
0x8c: {  	s15 =	sshll.u32 s0, $0xA;
	s2 =	sadd.s32 s3, s2  }
0x8d: {  	s2 =	sadd.s32 s2, s15  }
0x8e: {  	[smem:$0x3FC6] =	sst s2  }
0x8f: {  	_ = 	snop  }
0x90: {  	s16 =	sld [smem:$0x3FD0];
	_ =	sdelay $0x2  }
0x91: {  	s4 =	simm.s32 $0xE;
	s5 =	simm.s32 $0x10;
	s2 =	sld [smem:$0x3FC9]  }
0x92: {  	[smem:s5], [sflag:s4] =	dma.local [hbm:s16], $0x1  }
0x93: {  	_ =	swait.eq [sflag:s4], $0x1  }
0x94: {  	[sflag:s4] =	ssyncset.done $0x0  }
0x95: {  	[sflag:s4] =	ssyncadd.s32 $0xFFFFFFFF  }
0x96: {  	s17 =	sld [smem:$0x12];
	(tm) =	ssettm $0x1  }
0x97: {  	s18 =	sld [smem:$0x3FFB];
	_ =	sdelay $0x3  }
0x98: {  	_ =	strace s18  }
0x99: {  	s3 =	sld [smem:$0x3FFC];
	_ =	sdelay $0x3  }
0x9a: {  	_ =	strace s3  }
0x9b: {  	s3 =	sld [smem:$0x3FFD];
	_ =	sdelay $0x3  }
0x9c: {  	_ =	strace s3  }
0x9d: {  	_ =	strace $0x8FFFFFFF  }
0x9e: {  	s19 =	sld [smem:$0x3FDB];
	_ =	sdelay $0x1  }
0x9f: {  	s20 =	simm.s32 $_scs_section_size  }
0xa0: {  	s6 =	simm.s32 $_size__tile_overlayer_lowered;
	s7 =	simm.s32 $_tile_overlayer_lowered  }
0xa1: {  	s8 =	simm.s32 $0x1BFF;
	s21 =	sshll.u32 s7, $0x1;
	s5 =	sadd.s32 s20, s19  }
0xa2: {  	s22 =	simm.s32 $0x0;
	s6 =	sshll.u32 s6, $0x1;
	s7 =	sadd.s32 s21, s5  }
0xa3: {  	[timem:s22], [sflag:s8] =	dma.local [hbm:s7], s6  }
0xa4: {  	_ =	swait.ge [sflag:s8], s6  }
0xa5: {  	s6 =	ssub.s32 $0x0, s6;
	[sflag:s8] =	ssyncset.done $0x0  }
0xa6: {  	[sflag:s8] =	ssyncadd.s32 s6;
	_ =	sdelay $0x1  }
0xa7: {  	s23 =	simm.s32 $0x1B8B  }
0xa8: {  	_ =	swait.ge [sflag:s23], $0x1  }
0xa9: {  	[sflag:s23] =	ssyncset.done $0x0  }
0xaa: {  	[sflag:s23] =	ssyncadd.s32 $0xFFFFFFFF  }
0xab: {  	s6 =	sld [smem:$0x0]  }
0xac: {  	s7 =	sand.u32 $0xFFFFFFFE, s1  }
0xad: {  	p0 =	sne.s32 s1, s7  }
0xae: {  	s7 =	sshll.u32 @p0 s7, $0xE  }
0xaf: {  	s7 =	sadd.s32 @p0 $0x11B8D, s7;
	s8 =	sshll.u32 @p0 s6, $0x11  }
0xb0: {  	s7 =	sor.u32 @p0 s8, s7  }
0xb1: {  	[sflag:s7] =	ssyncadd.remote.s32 @p0 $0x1;
	_ =	sdelay $0x1  }
0xb2: {  	s7 =	simm.s32 @p0 $0x1B8D  }
0xb3: {  	_ =	swait.eq @p0 [sflag:s7], $0x1  }
0xb4: {  	[sflag:s7] =	ssyncadd.s32 @p0 $0xFFFFFFFF  }
0xb5: {  	s8 =	sshll.u32 @!p0 s1, $0xE  }
0xb6: {  	s8 =	sor.u32 @!p0 $0x4000, s8;
	s7 =	simm.s32 @!p0 $0x1B8D  }
0xb7: {  	s6 =	sshll.u32 @!p0 s6, $0x11;
	s8 =	sadd.s32 @!p0 $0x11B8D, s8;
	_ =	swait.eq @!p0 [sflag:s7], $0x1  }
0xb8: {  	s6 =	sor.u32 @!p0 s6, s8;
	[sflag:s7] =	ssyncadd.s32 @!p0 $0xFFFFFFFF  }
0xb9: {  	s25 =	simm.s32 $0x1B8E;
	s24 =	sld [smem:$0x3FFE];
	[sflag:s6] =	ssyncadd.remote.s32 @!p0 $0x1  }
0xba: {  	s26 =	simm.s32 $execute0_lowered;
	[smem:$0x3FD2] =	sst s25  }
0xbb: {  	s7 =	sshll.u32 s26, $0x1;
	_ =	strace $0x80000052;
	[dreg:$0x1] =	wrdreg $0xFFFFFFFF  }
0xbc: {  	s28 =	simm.s32 $_size_execute0_lowered;
	s5 =	sadd.s32 s5, s7;
	[dreg:$0x0] =	wrdreg $0x0  }
0xbd: {  	s7 =	sshll.u32 s28, $0x1;
	[dreg:$0x2] =	wrdreg s5  }
0xbe: {  	[dreg:$0x3] =	wrdreg s7  }
0xbf: {  	[dreg:$0x4] =	wrdreg $0xC0  }
0xc0: {  	_ =	task [dreg:s22], $0x5FFFF  }
0xc1: {  	[dreg:$0x1] =	wrdreg $0xFFFFFFFF  }
0xc2: {  	[dreg:$0x0] =	wrdreg $0x60  }
0xc3: {  	[dreg:$0x2] =	wrdreg s2  }
0xc4: {  	[dreg:$0x3] =	wrdreg s17  }
0xc5: {  	[dreg:$0x4] =	wrdreg s24  }
0xc6: {  	[dreg:$0x5] =	wrdreg $0xD  }
0xc7: {  	_ =	task.clear_ibuf [dreg:s22], $0x6FFFF;
	_ =	strace $0x90000052  }
0xc8: {  	s29 =	simm.s32 $0xD;
	_ =	strace $0x80000054  }
0xc9: {  	_ =	swait.ge [sflag:s29], $0x1  }
0xca: {  	[sflag:s29] =	ssyncadd.s32 $0xFFFFFFFF  }
0xcb: {  	_ =	strace $0x90000054  }
0xcc: {  	_ =	sfence  }
0xcd: {  	s30 =	sld [smem:$0x0];
	_ =	sdelay $0x2  }
0xce: {  	s31 =	sshll.u32 s1, $0xD;
	s1 =	sshrl.u32 s1, $0x2  }
0xcf: {  	s4 =	sand.u32 $0x4000, s31;
	s1 =	sadd.s32 s1, s30  }
0xd0: {  	s0 =	sor.u32 s4, s0;
	s1 =	sshll.u32 s1, $0x11  }
0xd1: {  	s0 =	sor.u32 s1, s0  }
0xd2: {  	s0 =	sadd.s32 $0x8F2B, s0  }
0xd3: {  	[sflag:s0] =	ssyncadd.remote.s32 $0x1  }
0xd4: {  	_ =	sfence.sel $0xFFFF  }
0xd5: {  	[dreg:$0x0] =	wrdreg $0xFFFFFFFF;
	(pc) =	sbr.abs _section_cstart, $3  }
0xd6: {  	[dreg:$0x1] =	wrdreg $0xFFFFFFFF  }
0xd7: {  	_ =	task.clear_ibuf [dreg:s22], $0x2FFFF;
	_ =	strace $0x9FFFFFFF  }
0xd8: {  	(tm) =	ssettm $0x7FFFFFFF  }
0xd9: {  	_ =	shalt  }
tec
execute0_lowered:
.L_overlay_start_1:
0x0: {  	(tag) =	ssettag $0x1  }
0x1: {  	s2 =	rddreg [dreg:$0x0]  }
0x2: {  	s1 =	srdreg.scid;
	s3 =	rddreg [dreg:$0x1]  }
0x3: {  	s0 =	stileid.u32;
	s5 =	rddreg [dreg:$0x2]  }
0x4: {  	s9 =	simm.s32 $0x1;
	s10 =	simm.s32 $0x3;
	s1 =	sshll.u32 s1, $0x7  }
0x5: {  	s13 =	simm.s32 $0x0;
	s4 =	sshll.u32 s0, $0x8;
	s6 =	sand.u32 $0x80, s1  }
0x6: {  	s12 =	simm.s32 $0x0;
	s5 =	sadd.s32 $0x1800, s5;
	s4 =	sor.u32 s4, s6  }
0x7: {  	s1 =	rddreg [dreg:$0x3];
	_ =	strace $0x80000053;
	s8 =	ssub.s32 $0x2000, s4  }
.Ltmp0:
0x8: {  	s6 =	simm.s32 $0x1;
	s7 =	sand.u32 $0xF80, s8;
	(pc) =	sbr.rel .LBB2_1-.Ltmp0, $4  }
0x9: {  	[sflag:s6] =	ssyncpa.u1 $0x0;
	s11 =	smov.u32 s4;
	p0 =	sne.s32 s7, $0x0  }
0xa: {  	s8 =	sshrl.u32 s8, $0xC;
	s7 =	simm.s32 $0x2;
	s9 =	simm.s32 @!p0 $0x0  }
0xb: {  	[sflag:s7] =	ssyncpa.u1 $0x0;
	p0 =	por $0x0, $0x0;
	s8 =	sadd.s32 s9, s8  }
0xc: {  	vm0 =	vmmov $0xffff;
	[sflag:s10] =	ssyncpa.u1 $0x0;
	s10 =	simm.s32 $0x0;
	s9 =	sadd.s32 $0x1, s8  }
.LBB2_4:
0xd: {  	v3 =	vshrl.u32 v0, $0x1;
	v4 =	vshrl.u32 v0, $0xA;
	v1 =	vor.u32 v1, v2  }
0xe: {  	v62 =	vshll.u32 v0, $0x12;
	v60 =	vand.u32 $0x1FF, v3;
	v61 =	vand.u32 $0x1FF, v4  }
0xf: {  	v0 =	vand.u32 $0x40000, v62;
	v2 =	vsel vm1, $0xFFFFFFFF, v60;
	v3 =	vsel vm1, $0xFFFFFFFF, v61  }
0x10: {  	v0 =	vsel vm1, $0xFFFC0000, v0;
	v63 =	vand.u32 $0x7F, v3;
	v5 =	vshll.u32 v2, $0x9  }
0x11: {  	v3 =	vshll.u32 v3, $0x3;
	v5 =	vand.u32 $0xFFFFF000, v5;
	v0 =	vor.u32 v0, v63  }
0x12: {  	v2 =	vshll.u32 v2, $0x7;
	v3 =	vand.u32 $0xFFFFFC00, v3;
	v0 =	vadd.s32 v5, v0  }
0x13: {  	v2 =	vand.u32 $0x380, v2;
	v0 =	vadd.s32 v3, v0  }
0x14: {  	v0 =	vor.u32 v2, v0;
	_ =	sdelay $0x1  }
0x15: {  	(ifvalue) =	ssetifvalue $0x7FFFFFFF;
	s14 =	sadd.s32 $0x10, s14  }
0x16: {  	[tilespmem:s14], [sflag:$0x1] =	stream.indirect_vreg.gather [hbm4b:s2+s10], $0x1, v1, vm0, $0x4038;
	[tilespmem:$0x200] =	vst v63  }
0x17: {  	(ifvalue) =	ssetifvalue $0x7FFFFFFF;
	s14 =	sadd.s32 $0x10, s14  }
0x18: {  	[tilespmem:s14], [sflag:$0x1] =	stream.indirect_vreg.gather [hbm4b:s2+s10], $0x1, v0, vm0, $0x4038;
	[tilespmem:$0x200] =	vst v63  }
0x19: {  	_ =	swait.ge [sflag:s6], $0x80  }
0x1a: {  	s30 =	sshrl.u32 s13, $0x3;
	[sflag:s6] =	ssyncset.done $0x0  }
0x1b: {  	s31 =	sand.u32 $0x7, s13;
	s14 =	sadd.s32 s5, s30;
	[sflag:s6] =	ssyncadd.s32 $0xFFFFFF80  }
0x1c: {  	[hbm4b:s14+s31] =	stream.linear.scatter [tilespmem:s15], [sflag:$0x3], $0x80, $0x38;
	[tilespmem:$0x200] =	vst v63  }
.LBB2_5:
0x1d: {  	s15 =	sadd.s32 $0x1000, s11  }
0x1e: {  	p2 =	sgt.s32 s15, $0x1FFF  }
0x1f: {  	s15 =	smov.u32 @p2 s4;
	p2 =	sne.s32 s12, s9  }
.Ltmp1:
0x20: {  	p1 =	slt.u32 s12, $0x2;
	(pc) =	sbr.rel @!p2 .LBB2_6-.Ltmp1, $4  }
0x21: {  	s14 =	simm.s32 @!p1 $0x3  }
0x22: {  	s16 =	sadd.s32 $0x1, s12;
	_ =	swait.ge @!p1 [sflag:s14], $0x80  }
0x23: {  	s13 =	smov.u32 s11;
	p0 =	por !p0, !p0;
	[sflag:s14] =	ssyncset.done @!p1 $0x0  }
0x24: {  	s12 =	smov.u32 s16;
	s11 =	smov.u32 s15;
	[sflag:s14] =	ssyncadd.s32 @!p1 $0xFFFFFF80  }
.LBB2_1:
0x25: {  	p1 =	sge.u32 s12, s8  }
0x26: {  	s14 =	sxor.u32 @!p1 $0xFFFFFFFF, s12  }
0x27: {  	s31 =	sadd.s32 $0xFFFFFFFF, s12;
	s15 =	sshrl.u32 @!p1 s11, $0x3;
	s14 =	sshll.u32 @!p1 s14, $0x7  }
0x28: {  	s16 =	sand.u32 @!p1 $0x7, s11;
	s15 =	sadd.s32 @!p1 s3, s15;
	s14 =	sand.u32 @!p1 $0x80, s14  }
0x29: {  	[tilespmem:s14], [sflag:$0x2] =	stream.linear.gather @!p1 [hbm4b:s15+s16], $0x80, $0x38;
	[tilespmem:$0x200] =	vst v63  }
0x2a: {  	p1 =	sge.u32 s31, s8  }
.Ltmp2:
0x2b: {  	_ = 	snop;
	(pc) =	sbr.rel @p1 .LBB2_5-.Ltmp2, $1  }
0x2c: {  	_ =	sdelay $0x3  }
0x2d: {  	s14 =	simm.s32 $0x1  }
0x2e: {  	_ =	swait.ge [sflag:s7], $0x80;
	s14 =	simm.s32 @!p0 $0x0  }
0x2f: {  	[sflag:s7] =	ssyncset.done $0x0;
	s14 =	sshll.u32 s14, $0x7  }
0x30: {  	[sflag:s7] =	ssyncadd.s32 $0xFFFFFF80;
	(ifvalue) =	ssetifvalue $0x7FFFFFFF;
	v0 =	vld.msk [tilespmem:s14+$0x0 ss:$0x1], $0xffff;
	_ =	sdelay $0x4  }
0x31: {  	s15 =	sadd.s32 $0x10, s14;
	vm1 =	veq.s32 v0, $0x80000000;
	v1 =	vshrl.u32 v0, $0x1;
	v2 =	vshrl.u32 v0, $0xA  }
0x32: {  	v3 =	vld.msk [tilespmem:s15+$0x0 ss:$0x1], $0xffff;
	v0 =	vshll.u32 v0, $0x12;
	v1 =	vand.u32 $0x1FF, v1;
	v2 =	vand.u32 $0x1FF, v2  }
0x33: {  	v0 =	vand.u32 $0x40000, v0;
	v1 =	vsel vm1, $0xFFFFFFFF, v1;
	v2 =	vsel vm1, $0xFFFFFFFF, v2  }
0x34: {  	v0 =	vsel vm1, $0xFFFC0000, v0;
	v4 =	vand.u32 $0x7F, v2;
	v5 =	vshll.u32 v1, $0x9  }
0x35: {  	v2 =	vshll.u32 v2, $0x3;
	v5 =	vand.u32 $0xFFFFF000, v5;
	v0 =	vor.u32 v0, v4  }
0x36: {  	v1 =	vshll.u32 v1, $0x7;
	v2 =	vand.u32 $0xFFFFFC00, v2;
	v0 =	vadd.s32 v5, v0  }
0x37: {  	v62 =	vshrl.u32 v3, $0xA;
	v1 =	vand.u32 $0x380, v1;
	v0 =	vadd.s32 v2, v0  }
0x38: {  	s17 =	sadd.s32 $0x10, s15;
	vm1 =	veq.s32 v3, $0x80000000;
	v2 =	vshrl.u32 v3, $0x1;
	v1 =	vor.u32 v1, v0  }
0x39: {  	v4 =	vand.u32 $0x1FF, v62;
	v3 =	vshll.u32 v3, $0x12;
	v0 =	vld.msk [tilespmem:s17+$0x0 ss:$0x1], $0xffff;
	v2 =	vand.u32 $0x1FF, v2  }
0x3a: {  	v4 =	vsel vm1, $0xFFFFFFFF, v4;
	v3 =	vand.u32 $0x40000, v3;
	v2 =	vsel vm1, $0xFFFFFFFF, v2  }
0x3b: {  	s31 =	sshll.u32 s12, $0x7;
	v63 =	vand.u32 $0x7F, v4;
	v3 =	vsel vm1, $0xFFFC0000, v3;
	v6 =	vshll.u32 v2, $0x9  }
0x3c: {  	s14 =	sor.u32 $0x100, s14;
	s15 =	sand.u32 $0x80, s31;
	v4 =	vshll.u32 v4, $0x3;
	(ifvalue) =	ssetifvalue $0x7FFFFFFF;
	v3 =	vor.u32 v3, v63;
	v6 =	vand.u32 $0xFFFFF000, v6  }
0x3d: {  	v4 =	vand.u32 $0xFFFFFC00, v4;
	[tilespmem:s14], [sflag:$0x1] =	stream.indirect_vreg.gather [hbm4b:s2+s10], $0x1, v1, vm0, $0x4038;
	v1 =	vshll.u32 v2, $0x7;
	v2 =	vadd.s32 v6, v3;
	[tilespmem:$0x200] =	vst v63  }
0x3e: {  	s16 =	simm.s32 $0x20;
	s15 =	sor.u32 $0x100, s15;
	s17 =	sadd.s32 $0x10, s17;
	vm1 =	veq.s32 v0, $0x80000000;
	v1 =	vand.u32 $0x380, v1;
	v2 =	vadd.s32 v4, v2  }
.LBB2_3:
0x3f: {  	v3 =	vld.msk [tilespmem:s17+$0x0 ss:$0x1], $0xffff;
	v4 =	vshrl.u32 v0, $0x1;
	v5 =	vshrl.u32 v0, $0xA;
	v1 =	vor.u32 v1, v2;
	s16 =	sadd.s32 $0x10, s16  }
0x40: {  	v0 =	vshll.u32 v0, $0x12;
	v2 =	vand.u32 $0x1FF, v4;
	v4 =	vand.u32 $0x1FF, v5;
	p1 =	slt.u32 s16, $0x70  }
.Ltmp3:
0x41: {  	v0 =	vand.u32 $0x40000, v0;
	v2 =	vsel vm1, $0xFFFFFFFF, v2;
	v4 =	vsel vm1, $0xFFFFFFFF, v4;
	(pc) =	sbr.rel @p1 .LBB2_3-.Ltmp3, $4  }
0x42: {  	v0 =	vsel vm1, $0xFFFC0000, v0;
	v5 =	vand.u32 $0x7F, v4;
	v6 =	vshll.u32 v2, $0x9  }
0x43: {  	s14 =	sadd.s32 $0x10, s14;
	v4 =	vshll.u32 v4, $0x3;
	v6 =	vand.u32 $0xFFFFF000, v6;
	v7 =	vor.u32 v0, v5;
	(ifvalue) =	ssetifvalue $0x7FFFFFFF  }
0x44: {  	v2 =	vshll.u32 v2, $0x7;
	v4 =	vand.u32 $0xFFFFFC00, v4;
	v5 =	vadd.s32 v6, v7;
	[tilespmem:s14], [sflag:$0x1] =	stream.indirect_vreg.gather [hbm4b:s2+s10], $0x1, v1, vm0, $0x4038;
	[tilespmem:$0x200] =	vst v63  }
0x45: {  	s17 =	sadd.s32 $0x10, s17;
	vm1 =	veq.s32 v3, $0x80000000;
	v1 =	vand.u32 $0x380, v2;
	v0 =	vmovc v3;
	v2 =	vadd.s32 v4, v5  }
.Ltmp4:
0x46: {  	_ = 	snop;
	(pc) =	sbr.rel .LBB2_4-.Ltmp4, $1  }
0x47: {  	_ =	sdelay $0x3  }
.LBB2_6:
0x48: {  	_ =	sfence.sel $0x180000  }
0x49: {  	s2 =	simm.s32 $0x2;
	[bflag:$0x0] =	sbarrier.arrive $0xFFFF  }
0x4a: {  	s30 =	simm.s32 $0x3;
	[sflag:s2] =	ssyncpa.u1 $0x1  }
0x4b: {  	s31 =	simm.s32 $0x1;
	[sflag:s30] =	ssyncpa.u1 $0x1  }
0x4c: {  	[sflag:s31] =	ssyncpa.u1 $0x1  }
0x4d: {  	p0 =	sne.s32 s0, $0x0;
	_ =	strace $0x90000053  }
0x4e: {  	s0 =	sadd.s32 @!p0 $0x100000, s1;
	[bflag:$0x2] =	sbarrier.arrive $0xFFFF  }
0x4f: {  	[sflag:s0] =	ssyncadd.tile.s32 @!p0 $0x1;
	_ =	shalt  }
.Lfunc_end2:
_tile_overlayer_lowered:
.L_overlay_start_2:
0x50: {  	(tag) =	ssettag $0x2  }
0x51: {  	s0 =	rddreg [dreg:$0x0];
	s2 =	stileid.u32  }
0x52: {  	s1 =	rddreg [dreg:$0x1];
	p0 =	sne.s32 s2, $0x0  }
0x53: {  	s3 =	rddreg [dreg:$0x2];
	[bflag:$0x3] =	sbarrier.arrive $0xFFFF;
	s2 =	simm.s32 @!p0 $0x1C01  }
0x54: {  	[timem:s3], [sflag:s2] =	dma.local @!p0 [hbm:s0], s1  }
0x55: {  	s0 =	simm.s32 @!p0 $0x1  }
0x56: {  	_ =	swait.ge @!p0 [sflag:s0], s1  }
0x57: {  	s1 =	ssub.s32 @!p0 $0x0, s1;
	[sflag:s0] =	ssyncset.done @!p0 $0x0  }
0x58: {  	[sflag:s0] =	ssyncadd.s32 @!p0 s1  }
0x59: {  	[bflag:$0x3] =	sbarrier.arrive $0xFFFF  }
0x5a: {  	_ =	shalt  }

// kernel: gather_offload_async_start
scs
__scs_entry_jumppad:
0x0: {  	(pc) =	sbr.rel $0x88, $3  }
0x1: {  	(tag) =	ssettag $0x0;
	lr =	simm.s32 $0x1  }
0x2: {  	[smem:$0x3F9F] =	sst lr;
	_ =	strace $0xD0000000  }
0x3: {  	_ = 	snop  }
0x4: {  	_ = 	snop  }
0x5: {  	_ = 	snop  }
0x6: {  	_ = 	snop  }
0x7: {  	_ = 	snop  }
__scs_overlays_trampoline_lowered:
0x8: {  	[smem:$0x3FAE] =	sst s0  }
0x9: {  	[smem:$0x3FAF] =	sst s1  }
0xa: {  	[smem:$0x3FB0] =	sst s2  }
0xb: {  	[smem:$0x3FB1] =	sst s3  }
0xc: {  	[smem:$0x3FB2] =	sst s4  }
0xd: {  	[smem:$0x3FB3] =	sst s5  }
0xe: {  	[smem:$0x3FB4] =	sst s6  }
0xf: {  	[smem:$0x3FB5] =	sst s7  }
0x10: {  	[smem:$0x3FB6] =	sst s8  }
0x11: {  	[smem:$0x3FB7] =	sst s9;
	s0 =	simm.s32 @!p0 $0x0  }
0x12: {  	s1 =	sld [smem:$0x3F9D];
	s0 =	simm.s32 @p0 $0x1  }
0x13: {  	[smem:$0x3FB8] =	sst s0;
	s0 =	simm.s32 @!p1 $0x0  }
0x14: {  	s2 =	sld [smem:$0x3F9C];
	s0 =	simm.s32 @p1 $0x1  }
0x15: {  	[smem:$0x3FB9] =	sst s0;
	s0 =	simm.s32 @!p2 $0x0  }
0x16: {  	s3 =	sld [smem:$0x3FDB];
	s0 =	simm.s32 @p2 $0x1  }
0x17: {  	s4 =	simm.s32 $0x1BF5;
	[smem:$0x3FBB] =	sst s0  }
0x18: {  	s0 =	sld [smem:$0x3F9E];
	_ =	swait.ge [sflag:s4], $0x0  }
0x19: {  	s7 =	sld [smem:$0x3F9F]  }
0x1a: {  	s8 =	sadd.s32 $0xFFFFE003, lr  }
0x1b: {  	s9 =	sadd.s32 $0xFFFFFEF7, lr;
	s5 =	simm.s32 $0xFFFFFFFF;
	p2 =	slt.u32 s8, $0xFFFFF086  }
0x1c: {  	p1 =	slt.u32 s9, $0xF7A;
	s5 =	simm.s32 @!p2 $0x0  }
0x1d: {  	s5 =	simm.s32 @p1 $0x1;
	p0 =	seq.s32 s7, s2  }
0x1e: {  	s7 =	smul.u32 @!p0 $0xF7A, s2;
	p2 =	seq.s32 @!p0 s5, $0x0  }
0x1f: {  	s9 =	smul.u32 $0xF7A, s1;
	s8 =	simm.s32 @!p0 $0x1BF5;
	p2 =	por !p2, p0  }
0x20: {  	[sflag:s8] =	ssyncset.s32 @!p0 $0xFFFFF086;
	s6 =	sadd.s32 @!p0 s3, s7;
	s7 =	simm.s32 @!p0 $0x108  }
0x21: {  	s3 =	sadd.s32 s3, s9;
	s6 =	sadd.s32 @!p0 $0x88, s6;
	s7 =	simm.s32 @p2 $0x1082  }
0x22: {  	[simem:s7], [sflag:s8] =	dma.local @!p0 [hbm:s6], $0xF7A  }
0x23: {  	s9 =	sor.u32 $0xD0000000, s2;
	s6 =	simm.s32 $0x108;
	_ =	swait.ge @!p0 [sflag:s8], $0x0  }
0x24: {  	s3 =	sadd.s32 $0x88, s3;
	s6 =	simm.s32 @!p1 $0x1082;
	[sflag:s4] =	ssyncset.s32 $0xFFFFF086  }
0x25: {  	[simem:s6], [sflag:s4] =	dma.local [hbm:s3], $0xF7A  }
0x26: {  	[smem:$0x3F9F] =	sst s1;
	(tag) =	ssettag s2;
	_ =	strace s9  }
0x27: {  	s1 =	sld [smem:$0x3FAF]  }
0x28: {  	s2 =	sld [smem:$0x3FB0]  }
0x29: {  	s4 =	sld [smem:$0x3FB2]  }
0x2a: {  	p0 =	seq.s32 s5, $0x0;
	s5 =	sld [smem:$0x3FB3]  }
0x2b: {  	s6 =	sld [smem:$0x3FB4]  }
0x2c: {  	s7 =	sld [smem:$0x3FB5]  }
0x2d: {  	s3 =	simm.s32 $0x108;
	s8 =	sld [smem:$0x3FB6]  }
0x2e: {  	s3 =	simm.s32 @!p0 $0x1082;
	s9 =	sld [smem:$0x3FB7]  }
0x2f: {  	lr =	sadd.s32 s0, s3;
	s0 =	sld [smem:$0x3FAE]  }
0x30: {  	s3 =	sld [smem:$0x3FB1]  }
0x31: {  	[smem:$0x3FBA] =	sst s10  }
0x32: {  	s10 =	sld [smem:$0x3FB8];
	_ =	sdelay $0x3  }
0x33: {  	p0 =	seq.s32 s10, $0x1;
	s10 =	sld [smem:$0x3FBA];
	_ =	sdelay $0x3  }
0x34: {  	[smem:$0x3FBA] =	sst s10  }
0x35: {  	s10 =	sld [smem:$0x3FB9];
	_ =	sdelay $0x3  }
0x36: {  	p1 =	seq.s32 s10, $0x1;
	s10 =	sld [smem:$0x3FBA];
	_ =	sdelay $0x3  }
0x37: {  	[smem:$0x3FBA] =	sst s10  }
0x38: {  	s10 =	sld [smem:$0x3FBB]  }
0x39: {  	_ = 	snop;
	(pc) =	sbr.ind lr, $3  }
0x3a: {  	_ = 	snop  }
0x3b: {  	_ = 	snop  }
0x3c: {  	p2 =	seq.s32 s10, $0x1;
	s10 =	sld [smem:$0x3FBA]  }
0x3d: {  	_ =	shalt  }
0x3e: {  	_ =	shalt  }
0x3f: {  	_ =	shalt  }
0x40: {  	_ =	shalt  }
0x41: {  	_ =	shalt  }
0x42: {  	_ =	shalt  }
0x43: {  	_ =	shalt  }
0x44: {  	_ =	shalt  }
0x45: {  	_ =	shalt  }
0x46: {  	_ =	shalt  }
0x47: {  	_ =	shalt  }
0x48: {  	_ =	shalt  }
0x49: {  	_ =	shalt  }
0x4a: {  	_ =	shalt  }
0x4b: {  	_ =	shalt  }
0x4c: {  	_ =	shalt  }
0x4d: {  	_ =	shalt  }
0x4e: {  	_ =	shalt  }
0x4f: {  	_ =	shalt  }
0x50: {  	_ =	shalt  }
0x51: {  	_ =	shalt  }
0x52: {  	_ =	shalt  }
0x53: {  	_ =	shalt  }
0x54: {  	_ =	shalt  }
0x55: {  	_ =	shalt  }
0x56: {  	_ =	shalt  }
0x57: {  	_ =	shalt  }
0x58: {  	_ =	shalt  }
0x59: {  	_ =	shalt  }
0x5a: {  	_ =	shalt  }
0x5b: {  	_ =	shalt  }
0x5c: {  	_ =	shalt  }
0x5d: {  	_ =	shalt  }
0x5e: {  	_ =	shalt  }
0x5f: {  	_ =	shalt  }
0x60: {  	_ =	shalt  }
0x61: {  	_ =	shalt  }
0x62: {  	_ =	shalt  }
0x63: {  	_ =	shalt  }
0x64: {  	_ =	shalt  }
0x65: {  	_ =	shalt  }
0x66: {  	_ =	shalt  }
0x67: {  	_ =	shalt  }
0x68: {  	_ =	shalt  }
0x69: {  	_ =	shalt  }
0x6a: {  	_ =	shalt  }
0x6b: {  	_ =	shalt  }
0x6c: {  	_ =	shalt  }
0x6d: {  	_ =	shalt  }
0x6e: {  	_ =	shalt  }
0x6f: {  	_ =	shalt  }
0x70: {  	_ =	shalt  }
0x71: {  	_ =	shalt  }
0x72: {  	_ =	shalt  }
0x73: {  	_ =	shalt  }
0x74: {  	_ =	shalt  }
0x75: {  	_ =	shalt  }
0x76: {  	_ =	shalt  }
0x77: {  	_ =	shalt  }
0x78: {  	_ =	shalt  }
0x79: {  	_ =	shalt  }
0x7a: {  	_ =	shalt  }
0x7b: {  	_ =	shalt  }
0x7c: {  	_ =	shalt  }
0x7d: {  	_ =	shalt  }
0x7e: {  	_ =	shalt  }
0x7f: {  	_ =	shalt  }
0x80: {  	_ =	shalt  }
0x81: {  	_ =	shalt  }
0x82: {  	_ =	shalt  }
0x83: {  	_ =	shalt  }
0x84: {  	_ =	shalt  }
0x85: {  	_ =	shalt  }
0x86: {  	_ =	shalt  }
0x87: {  	_ =	shalt  }
.Lfunc_end0:
.L_simem_size_0:
called_computation.1_lowered:
.L_overlay_start_0:
0x88: {  	s2 =	sld [smem:$0x3FD9]  }
0x89: {  	s3 =	sld [smem:$0x3FFE];
	_ =	sdelay $0x1  }
0x8a: {  	s1 =	srdreg.scid  }
0x8b: {  	s0 =	sand.u32 $0x1, s1  }
0x8c: {  	s17 =	sshll.u32 s0, $0xA;
	s2 =	sadd.s32 s3, s2  }
0x8d: {  	s2 =	sadd.s32 s2, s17  }
0x8e: {  	[smem:$0x3FC6] =	sst s2  }
0x8f: {  	_ = 	snop  }
0x90: {  	s18 =	sld [smem:$0x3FC9];
	(tm) =	ssettm $0x1  }
0x91: {  	s19 =	sld [smem:$0x3FFB];
	_ =	sdelay $0x3  }
0x92: {  	_ =	strace s19  }
0x93: {  	s2 =	sld [smem:$0x3FFC];
	_ =	sdelay $0x3  }
0x94: {  	_ =	strace s2  }
0x95: {  	s2 =	sld [smem:$0x3FFD];
	_ =	sdelay $0x3  }
0x96: {  	_ =	strace s2  }
0x97: {  	_ =	strace $0x8FFFFFFF  }
0x98: {  	s20 =	sld [smem:$0x3FDB];
	_ =	sdelay $0x1  }
0x99: {  	s4 =	simm.s32 $_scs_section_size  }
0x9a: {  	s5 =	simm.s32 $_size__tile_overlayer_lowered;
	s6 =	simm.s32 $_tile_overlayer_lowered  }
0x9b: {  	s7 =	simm.s32 $0x1BFF;
	s21 =	sshll.u32 s6, $0x1;
	s4 =	sadd.s32 s4, s20  }
0x9c: {  	s22 =	simm.s32 $0x0;
	s5 =	sshll.u32 s5, $0x1;
	s6 =	sadd.s32 s21, s4  }
0x9d: {  	[timem:s22], [sflag:s7] =	dma.local [hbm:s6], s5  }
0x9e: {  	_ =	swait.ge [sflag:s7], s5  }
0x9f: {  	s5 =	ssub.s32 $0x0, s5;
	[sflag:s7] =	ssyncset.done $0x0  }
0xa0: {  	[sflag:s7] =	ssyncadd.s32 s5;
	_ =	sdelay $0x1  }
0xa1: {  	s23 =	simm.s32 $0x1B8B  }
0xa2: {  	_ =	swait.ge [sflag:s23], $0x1  }
0xa3: {  	[sflag:s23] =	ssyncset.done $0x0  }
0xa4: {  	[sflag:s23] =	ssyncadd.s32 $0xFFFFFFFF  }
0xa5: {  	s5 =	sld [smem:$0x0]  }
0xa6: {  	s6 =	sand.u32 $0xFFFFFFFE, s1  }
0xa7: {  	p0 =	sne.s32 s1, s6  }
0xa8: {  	s6 =	sshll.u32 @p0 s6, $0xE  }
0xa9: {  	s6 =	sadd.s32 @p0 $0x11B8D, s6;
	s7 =	sshll.u32 @p0 s5, $0x11  }
0xaa: {  	s6 =	sor.u32 @p0 s7, s6  }
0xab: {  	[sflag:s6] =	ssyncadd.remote.s32 @p0 $0x1;
	_ =	sdelay $0x1  }
0xac: {  	s6 =	simm.s32 @p0 $0x1B8D  }
0xad: {  	_ =	swait.eq @p0 [sflag:s6], $0x1  }
0xae: {  	[sflag:s6] =	ssyncadd.s32 @p0 $0xFFFFFFFF  }
0xaf: {  	s7 =	sshll.u32 @!p0 s1, $0xE  }
0xb0: {  	s7 =	sor.u32 @!p0 $0x4000, s7;
	s6 =	simm.s32 @!p0 $0x1B8D  }
0xb1: {  	s5 =	sshll.u32 @!p0 s5, $0x11;
	s7 =	sadd.s32 @!p0 $0x11B8D, s7;
	_ =	swait.eq @!p0 [sflag:s6], $0x1  }
0xb2: {  	s5 =	sor.u32 @!p0 s5, s7;
	[sflag:s6] =	ssyncadd.s32 @!p0 $0xFFFFFFFF  }
0xb3: {  	s25 =	simm.s32 $0x1B8E;
	s24 =	sld [smem:$0x3FFE];
	[sflag:s5] =	ssyncadd.remote.s32 @!p0 $0x1  }
0xb4: {  	s26 =	simm.s32 $execute0_lowered;
	[smem:$0x3FD2] =	sst s25  }
0xb5: {  	s6 =	sshll.u32 s26, $0x1;
	_ =	strace $0x8000004F;
	[dreg:$0x1] =	wrdreg $0xFFFFFFFF  }
0xb6: {  	s28 =	simm.s32 $_size_execute0_lowered;
	s4 =	sadd.s32 s4, s6;
	[dreg:$0x0] =	wrdreg $0x0  }
0xb7: {  	s6 =	sshll.u32 s28, $0x1;
	[dreg:$0x2] =	wrdreg s4  }
0xb8: {  	[dreg:$0x3] =	wrdreg s6  }
0xb9: {  	[dreg:$0x4] =	wrdreg $0xC0  }
0xba: {  	_ =	task [dreg:s22], $0x5FFFF  }
0xbb: {  	[dreg:$0x1] =	wrdreg $0xFFFFFFFF  }
0xbc: {  	[dreg:$0x0] =	wrdreg $0x60  }
0xbd: {  	[dreg:$0x2] =	wrdreg s18  }
0xbe: {  	[dreg:$0x3] =	wrdreg s24  }
0xbf: {  	[dreg:$0x4] =	wrdreg $0xA  }
0xc0: {  	_ =	task.clear_ibuf [dreg:s22], $0x5FFFF;
	_ =	strace $0x9000004F  }
0xc1: {  	s29 =	simm.s32 $0xA;
	_ =	strace $0x80000051  }
0xc2: {  	_ =	swait.ge [sflag:s29], $0x1  }
0xc3: {  	[sflag:s29] =	ssyncadd.s32 $0xFFFFFFFF  }
0xc4: {  	_ =	strace $0x90000051  }
0xc5: {  	_ =	sfence  }
0xc6: {  	s30 =	sld [smem:$0x0];
	_ =	sdelay $0x2  }
0xc7: {  	s31 =	sshll.u32 s1, $0xD;
	s1 =	sshrl.u32 s1, $0x2  }
0xc8: {  	s4 =	sand.u32 $0x4000, s31;
	s1 =	sadd.s32 s1, s30  }
0xc9: {  	s0 =	sor.u32 s4, s0;
	s1 =	sshll.u32 s1, $0x11  }
0xca: {  	s0 =	sor.u32 s1, s0  }
0xcb: {  	s0 =	sadd.s32 $0x8F2B, s0  }
0xcc: {  	[sflag:s0] =	ssyncadd.remote.s32 $0x1  }
0xcd: {  	_ =	sfence.sel $0xFFFF  }
0xce: {  	[dreg:$0x0] =	wrdreg $0xFFFFFFFF;
	(pc) =	sbr.abs _section_cstart, $3  }
0xcf: {  	[dreg:$0x1] =	wrdreg $0xFFFFFFFF  }
0xd0: {  	_ =	task.clear_ibuf [dreg:s22], $0x2FFFF;
	_ =	strace $0x9FFFFFFF  }
0xd1: {  	(tm) =	ssettm $0x7FFFFFFF  }
tec
execute0_lowered:
.L_overlay_start_1:
0x0: {  	(tag) =	ssettag $0x1  }
0x1: {  	s1 =	srdreg.scid;
	s2 =	rddreg [dreg:$0x0]  }
0x2: {  	s0 =	stileid.u32;
	s3 =	rddreg [dreg:$0x1]  }
0x3: {  	s6 =	simm.s32 $0x1;
	s9 =	simm.s32 $0x1;
	s1 =	sshll.u32 s1, $0x7  }
0x4: {  	s10 =	simm.s32 $0x3;
	s4 =	sshll.u32 s0, $0x8;
	s5 =	sand.u32 $0x80, s1  }
0x5: {  	s13 =	simm.s32 $0x0;
	s12 =	simm.s32 $0x0;
	s4 =	sor.u32 s4, s5  }
0x6: {  	s1 =	rddreg [dreg:$0x2];
	_ =	strace $0x80000050;
	s8 =	ssub.s32 $0x2000, s4  }
.Ltmp0:
0x7: {  	s5 =	sadd.s32 $0x1400, s3;
	s7 =	sand.u32 $0xF80, s8;
	(pc) =	sbr.rel .LBB2_1-.Ltmp0, $4  }
0x8: {  	[sflag:s6] =	ssyncpa.u1 $0x0;
	s11 =	smov.u32 s4;
	p0 =	sne.s32 s7, $0x0  }
0x9: {  	s8 =	sshrl.u32 s8, $0xC;
	s7 =	simm.s32 $0x2;
	s9 =	simm.s32 @!p0 $0x0  }
0xa: {  	[sflag:s7] =	ssyncpa.u1 $0x0;
	p0 =	por $0x0, $0x0;
	s8 =	sadd.s32 s9, s8  }
0xb: {  	vm0 =	vmmov $0xffff;
	[sflag:s10] =	ssyncpa.u1 $0x0;
	s10 =	simm.s32 $0x0;
	s9 =	sadd.s32 $0x1, s8  }
.LBB2_4:
0xc: {  	v3 =	vshrl.u32 v0, $0x1;
	v4 =	vshrl.u32 v0, $0xA;
	v1 =	vor.u32 v1, v2  }
0xd: {  	v62 =	vshll.u32 v0, $0x12;
	v60 =	vand.u32 $0x1FF, v3;
	v61 =	vand.u32 $0x1FF, v4  }
0xe: {  	v0 =	vand.u32 $0x40000, v62;
	v2 =	vsel vm1, $0xFFFFFFFF, v60;
	v3 =	vsel vm1, $0xFFFFFFFF, v61  }
0xf: {  	v0 =	vsel vm1, $0xFFFC0000, v0;
	v63 =	vand.u32 $0x7F, v3;
	v5 =	vshll.u32 v2, $0x9  }
0x10: {  	v3 =	vshll.u32 v3, $0x3;
	v5 =	vand.u32 $0xFFFFF000, v5;
	v0 =	vor.u32 v0, v63  }
0x11: {  	v2 =	vshll.u32 v2, $0x7;
	v3 =	vand.u32 $0xFFFFFC00, v3;
	v0 =	vadd.s32 v5, v0  }
0x12: {  	v2 =	vand.u32 $0x380, v2;
	v0 =	vadd.s32 v3, v0  }
0x13: {  	v0 =	vor.u32 v2, v0;
	_ =	sdelay $0x1  }
0x14: {  	(ifvalue) =	ssetifvalue $0x7FFFFFFF;
	s14 =	sadd.s32 $0x10, s14  }
0x15: {  	[tilespmem:s14], [sflag:$0x1] =	stream.indirect_vreg.gather [hbm4b:s2+s10], $0x1, v1, vm0, $0x4038;
	[tilespmem:$0x200] =	vst v63  }
0x16: {  	(ifvalue) =	ssetifvalue $0x7FFFFFFF;
	s14 =	sadd.s32 $0x10, s14  }
0x17: {  	[tilespmem:s14], [sflag:$0x1] =	stream.indirect_vreg.gather [hbm4b:s2+s10], $0x1, v0, vm0, $0x4038;
	[tilespmem:$0x200] =	vst v63  }
0x18: {  	_ =	swait.ge [sflag:s6], $0x80  }
0x19: {  	s30 =	sshrl.u32 s13, $0x3;
	[sflag:s6] =	ssyncset.done $0x0  }
0x1a: {  	s31 =	sand.u32 $0x7, s13;
	s14 =	sadd.s32 s5, s30;
	[sflag:s6] =	ssyncadd.s32 $0xFFFFFF80  }
0x1b: {  	[hbm4b:s14+s31] =	stream.linear.scatter [tilespmem:s15], [sflag:$0x3], $0x80, $0x38;
	[tilespmem:$0x200] =	vst v63  }
.LBB2_5:
0x1c: {  	s15 =	sadd.s32 $0x1000, s11  }
0x1d: {  	p2 =	sgt.s32 s15, $0x1FFF  }
0x1e: {  	s15 =	smov.u32 @p2 s4;
	p2 =	sne.s32 s12, s9  }
.Ltmp1:
0x1f: {  	p1 =	slt.u32 s12, $0x2;
	(pc) =	sbr.rel @!p2 .LBB2_6-.Ltmp1, $4  }
0x20: {  	s14 =	simm.s32 @!p1 $0x3  }
0x21: {  	s16 =	sadd.s32 $0x1, s12;
	_ =	swait.ge @!p1 [sflag:s14], $0x80  }
0x22: {  	s13 =	smov.u32 s11;
	p0 =	por !p0, !p0;
	[sflag:s14] =	ssyncset.done @!p1 $0x0  }
0x23: {  	s12 =	smov.u32 s16;
	s11 =	smov.u32 s15;
	[sflag:s14] =	ssyncadd.s32 @!p1 $0xFFFFFF80  }
.LBB2_1:
0x24: {  	p1 =	sge.u32 s12, s8  }
0x25: {  	s14 =	sxor.u32 @!p1 $0xFFFFFFFF, s12  }
0x26: {  	s31 =	sadd.s32 $0xFFFFFFFF, s12;
	s15 =	sshrl.u32 @!p1 s11, $0x3;
	s14 =	sshll.u32 @!p1 s14, $0x7  }
0x27: {  	s16 =	sand.u32 @!p1 $0x7, s11;
	s15 =	sadd.s32 @!p1 s3, s15;
	s14 =	sand.u32 @!p1 $0x80, s14  }
0x28: {  	[tilespmem:s14], [sflag:$0x2] =	stream.linear.gather @!p1 [hbm4b:s15+s16], $0x80, $0x38;
	[tilespmem:$0x200] =	vst v63  }
0x29: {  	p1 =	sge.u32 s31, s8  }
.Ltmp2:
0x2a: {  	_ = 	snop;
	(pc) =	sbr.rel @p1 .LBB2_5-.Ltmp2, $1  }
0x2b: {  	_ =	sdelay $0x3  }
0x2c: {  	s14 =	simm.s32 $0x1  }
0x2d: {  	_ =	swait.ge [sflag:s7], $0x80;
	s14 =	simm.s32 @!p0 $0x0  }
0x2e: {  	[sflag:s7] =	ssyncset.done $0x0;
	s14 =	sshll.u32 s14, $0x7  }
0x2f: {  	[sflag:s7] =	ssyncadd.s32 $0xFFFFFF80;
	(ifvalue) =	ssetifvalue $0x7FFFFFFF;
	v0 =	vld.msk [tilespmem:s14+$0x0 ss:$0x1], $0xffff;
	_ =	sdelay $0x4  }
0x30: {  	s15 =	sadd.s32 $0x10, s14;
	vm1 =	veq.s32 v0, $0x80000000;
	v1 =	vshrl.u32 v0, $0x1;
	v2 =	vshrl.u32 v0, $0xA  }
0x31: {  	v3 =	vld.msk [tilespmem:s15+$0x0 ss:$0x1], $0xffff;
	v0 =	vshll.u32 v0, $0x12;
	v1 =	vand.u32 $0x1FF, v1;
	v2 =	vand.u32 $0x1FF, v2  }
0x32: {  	v0 =	vand.u32 $0x40000, v0;
	v1 =	vsel vm1, $0xFFFFFFFF, v1;
	v2 =	vsel vm1, $0xFFFFFFFF, v2  }
0x33: {  	v0 =	vsel vm1, $0xFFFC0000, v0;
	v4 =	vand.u32 $0x7F, v2;
	v5 =	vshll.u32 v1, $0x9  }
0x34: {  	v2 =	vshll.u32 v2, $0x3;
	v5 =	vand.u32 $0xFFFFF000, v5;
	v0 =	vor.u32 v0, v4  }
0x35: {  	v1 =	vshll.u32 v1, $0x7;
	v2 =	vand.u32 $0xFFFFFC00, v2;
	v0 =	vadd.s32 v5, v0  }
0x36: {  	v62 =	vshrl.u32 v3, $0xA;
	v1 =	vand.u32 $0x380, v1;
	v0 =	vadd.s32 v2, v0  }
0x37: {  	s17 =	sadd.s32 $0x10, s15;
	vm1 =	veq.s32 v3, $0x80000000;
	v2 =	vshrl.u32 v3, $0x1;
	v1 =	vor.u32 v1, v0  }
0x38: {  	v4 =	vand.u32 $0x1FF, v62;
	v3 =	vshll.u32 v3, $0x12;
	v0 =	vld.msk [tilespmem:s17+$0x0 ss:$0x1], $0xffff;
	v2 =	vand.u32 $0x1FF, v2  }
0x39: {  	v4 =	vsel vm1, $0xFFFFFFFF, v4;
	v3 =	vand.u32 $0x40000, v3;
	v2 =	vsel vm1, $0xFFFFFFFF, v2  }
0x3a: {  	s31 =	sshll.u32 s12, $0x7;
	v63 =	vand.u32 $0x7F, v4;
	v3 =	vsel vm1, $0xFFFC0000, v3;
	v6 =	vshll.u32 v2, $0x9  }
0x3b: {  	s14 =	sor.u32 $0x100, s14;
	s15 =	sand.u32 $0x80, s31;
	v4 =	vshll.u32 v4, $0x3;
	(ifvalue) =	ssetifvalue $0x7FFFFFFF;
	v3 =	vor.u32 v3, v63;
	v6 =	vand.u32 $0xFFFFF000, v6  }
0x3c: {  	v4 =	vand.u32 $0xFFFFFC00, v4;
	[tilespmem:s14], [sflag:$0x1] =	stream.indirect_vreg.gather [hbm4b:s2+s10], $0x1, v1, vm0, $0x4038;
	v1 =	vshll.u32 v2, $0x7;
	v2 =	vadd.s32 v6, v3;
	[tilespmem:$0x200] =	vst v63  }
0x3d: {  	s16 =	simm.s32 $0x20;
	s15 =	sor.u32 $0x100, s15;
	s17 =	sadd.s32 $0x10, s17;
	vm1 =	veq.s32 v0, $0x80000000;
	v1 =	vand.u32 $0x380, v1;
	v2 =	vadd.s32 v4, v2  }
.LBB2_3:
0x3e: {  	v3 =	vld.msk [tilespmem:s17+$0x0 ss:$0x1], $0xffff;
	v4 =	vshrl.u32 v0, $0x1;
	v5 =	vshrl.u32 v0, $0xA;
	v1 =	vor.u32 v1, v2;
	s16 =	sadd.s32 $0x10, s16  }
0x3f: {  	v0 =	vshll.u32 v0, $0x12;
	v2 =	vand.u32 $0x1FF, v4;
	v4 =	vand.u32 $0x1FF, v5;
	p1 =	slt.u32 s16, $0x70  }
.Ltmp3:
0x40: {  	v0 =	vand.u32 $0x40000, v0;
	v2 =	vsel vm1, $0xFFFFFFFF, v2;
	v4 =	vsel vm1, $0xFFFFFFFF, v4;
	(pc) =	sbr.rel @p1 .LBB2_3-.Ltmp3, $4  }
0x41: {  	v0 =	vsel vm1, $0xFFFC0000, v0;
	v5 =	vand.u32 $0x7F, v4;
	v6 =	vshll.u32 v2, $0x9  }
0x42: {  	s14 =	sadd.s32 $0x10, s14;
	v4 =	vshll.u32 v4, $0x3;
	v6 =	vand.u32 $0xFFFFF000, v6;
	v7 =	vor.u32 v0, v5;
	(ifvalue) =	ssetifvalue $0x7FFFFFFF  }
0x43: {  	v2 =	vshll.u32 v2, $0x7;
	v4 =	vand.u32 $0xFFFFFC00, v4;
	v5 =	vadd.s32 v6, v7;
	[tilespmem:s14], [sflag:$0x1] =	stream.indirect_vreg.gather [hbm4b:s2+s10], $0x1, v1, vm0, $0x4038;
	[tilespmem:$0x200] =	vst v63  }
0x44: {  	s17 =	sadd.s32 $0x10, s17;
	vm1 =	veq.s32 v3, $0x80000000;
	v1 =	vand.u32 $0x380, v2;
	v0 =	vmovc v3;
	v2 =	vadd.s32 v4, v5  }
.Ltmp4:
0x45: {  	_ = 	snop;
	(pc) =	sbr.rel .LBB2_4-.Ltmp4, $1  }
0x46: {  	_ =	sdelay $0x3  }
.LBB2_6:
0x47: {  	_ =	sfence.sel $0x180000  }
0x48: {  	s2 =	simm.s32 $0x2;
	[bflag:$0x0] =	sbarrier.arrive $0xFFFF  }
0x49: {  	s30 =	simm.s32 $0x3;
	[sflag:s2] =	ssyncpa.u1 $0x1  }
0x4a: {  	s31 =	simm.s32 $0x1;
	[sflag:s30] =	ssyncpa.u1 $0x1  }
0x4b: {  	[sflag:s31] =	ssyncpa.u1 $0x1  }
0x4c: {  	p0 =	sne.s32 s0, $0x0;
	_ =	strace $0x90000050  }
0x4d: {  	s0 =	sadd.s32 @!p0 $0x100000, s1;
	[bflag:$0x2] =	sbarrier.arrive $0xFFFF  }
0x4e: {  	[sflag:s0] =	ssyncadd.tile.s32 @!p0 $0x1;
	_ =	shalt  }
.Lfunc_end2:
_tile_overlayer_lowered:
.L_overlay_start_2:
0x4f: {  	(tag) =	ssettag $0x2  }
0x50: {  	s0 =	rddreg [dreg:$0x0];
	s2 =	stileid.u32  }
0x51: {  	s1 =	rddreg [dreg:$0x1];
	p0 =	sne.s32 s2, $0x0  }
0x52: {  	s3 =	rddreg [dreg:$0x2];
	[bflag:$0x3] =	sbarrier.arrive $0xFFFF;
	s2 =	simm.s32 @!p0 $0x1C01  }
0x53: {  	[timem:s3], [sflag:s2] =	dma.local @!p0 [hbm:s0], s1  }
0x54: {  	s0 =	simm.s32 @!p0 $0x1  }
0x55: {  	_ =	swait.ge @!p0 [sflag:s0], s1  }
0x56: {  	s1 =	ssub.s32 @!p0 $0x0, s1;
	[sflag:s0] =	ssyncset.done @!p0 $0x0  }
0x57: {  	[sflag:s0] =	ssyncadd.s32 @!p0 s1  }
0x58: {  	[bflag:$0x3] =	sbarrier.arrive $0xFFFF  }
0x59: {  	_ =	shalt  }

// kernel: kernel.5.cloned.1.call-start
scs
__scs_entry_jumppad:
0x0: {  	(pc) =	sbr.rel $0x88, $3  }
0x1: {  	(tag) =	ssettag $0x0;
	lr =	simm.s32 $0x1  }
0x2: {  	[smem:$0x3F9F] =	sst lr;
	_ =	strace $0xD0000000  }
0x3: {  	_ = 	snop  }
0x4: {  	_ = 	snop  }
0x5: {  	_ = 	snop  }
0x6: {  	_ = 	snop  }
0x7: {  	_ = 	snop  }
__scs_overlays_trampoline_lowered:
0x8: {  	[smem:$0x3FAE] =	sst s0  }
0x9: {  	[smem:$0x3FAF] =	sst s1  }
0xa: {  	[smem:$0x3FB0] =	sst s2  }
0xb: {  	[smem:$0x3FB1] =	sst s3  }
0xc: {  	[smem:$0x3FB2] =	sst s4  }
0xd: {  	[smem:$0x3FB3] =	sst s5  }
0xe: {  	[smem:$0x3FB4] =	sst s6  }
0xf: {  	[smem:$0x3FB5] =	sst s7  }
0x10: {  	[smem:$0x3FB6] =	sst s8  }
0x11: {  	[smem:$0x3FB7] =	sst s9;
	s0 =	simm.s32 @!p0 $0x0  }
0x12: {  	s1 =	sld [smem:$0x3F9D];
	s0 =	simm.s32 @p0 $0x1  }
0x13: {  	[smem:$0x3FB8] =	sst s0;
	s0 =	simm.s32 @!p1 $0x0  }
0x14: {  	s2 =	sld [smem:$0x3F9C];
	s0 =	simm.s32 @p1 $0x1  }
0x15: {  	[smem:$0x3FB9] =	sst s0;
	s0 =	simm.s32 @!p2 $0x0  }
0x16: {  	s3 =	sld [smem:$0x3FDB];
	s0 =	simm.s32 @p2 $0x1  }
0x17: {  	s4 =	simm.s32 $0x1BF5;
	[smem:$0x3FBB] =	sst s0  }
0x18: {  	s0 =	sld [smem:$0x3F9E];
	_ =	swait.ge [sflag:s4], $0x0  }
0x19: {  	s7 =	sld [smem:$0x3F9F]  }
0x1a: {  	s8 =	sadd.s32 $0xFFFFE003, lr  }
0x1b: {  	s9 =	sadd.s32 $0xFFFFFEF7, lr;
	s5 =	simm.s32 $0xFFFFFFFF;
	p2 =	slt.u32 s8, $0xFFFFF086  }
0x1c: {  	p1 =	slt.u32 s9, $0xF7A;
	s5 =	simm.s32 @!p2 $0x0  }
0x1d: {  	s5 =	simm.s32 @p1 $0x1;
	p0 =	seq.s32 s7, s2  }
0x1e: {  	s7 =	smul.u32 @!p0 $0xF7A, s2;
	p2 =	seq.s32 @!p0 s5, $0x0  }
0x1f: {  	s9 =	smul.u32 $0xF7A, s1;
	s8 =	simm.s32 @!p0 $0x1BF5;
	p2 =	por !p2, p0  }
0x20: {  	[sflag:s8] =	ssyncset.s32 @!p0 $0xFFFFF086;
	s6 =	sadd.s32 @!p0 s3, s7;
	s7 =	simm.s32 @!p0 $0x108  }
0x21: {  	s3 =	sadd.s32 s3, s9;
	s6 =	sadd.s32 @!p0 $0x88, s6;
	s7 =	simm.s32 @p2 $0x1082  }
0x22: {  	[simem:s7], [sflag:s8] =	dma.local @!p0 [hbm:s6], $0xF7A  }
0x23: {  	s9 =	sor.u32 $0xD0000000, s2;
	s6 =	simm.s32 $0x108;
	_ =	swait.ge @!p0 [sflag:s8], $0x0  }
0x24: {  	s3 =	sadd.s32 $0x88, s3;
	s6 =	simm.s32 @!p1 $0x1082;
	[sflag:s4] =	ssyncset.s32 $0xFFFFF086  }
0x25: {  	[simem:s6], [sflag:s4] =	dma.local [hbm:s3], $0xF7A  }
0x26: {  	[smem:$0x3F9F] =	sst s1;
	(tag) =	ssettag s2;
	_ =	strace s9  }
0x27: {  	s1 =	sld [smem:$0x3FAF]  }
0x28: {  	s2 =	sld [smem:$0x3FB0]  }
0x29: {  	s4 =	sld [smem:$0x3FB2]  }
0x2a: {  	p0 =	seq.s32 s5, $0x0;
	s5 =	sld [smem:$0x3FB3]  }
0x2b: {  	s6 =	sld [smem:$0x3FB4]  }
0x2c: {  	s7 =	sld [smem:$0x3FB5]  }
0x2d: {  	s3 =	simm.s32 $0x108;
	s8 =	sld [smem:$0x3FB6]  }
0x2e: {  	s3 =	simm.s32 @!p0 $0x1082;
	s9 =	sld [smem:$0x3FB7]  }
0x2f: {  	lr =	sadd.s32 s0, s3;
	s0 =	sld [smem:$0x3FAE]  }
0x30: {  	s3 =	sld [smem:$0x3FB1]  }
0x31: {  	[smem:$0x3FBA] =	sst s10  }
0x32: {  	s10 =	sld [smem:$0x3FB8];
	_ =	sdelay $0x3  }
0x33: {  	p0 =	seq.s32 s10, $0x1;
	s10 =	sld [smem:$0x3FBA];
	_ =	sdelay $0x3  }
0x34: {  	[smem:$0x3FBA] =	sst s10  }
0x35: {  	s10 =	sld [smem:$0x3FB9];
	_ =	sdelay $0x3  }
0x36: {  	p1 =	seq.s32 s10, $0x1;
	s10 =	sld [smem:$0x3FBA];
	_ =	sdelay $0x3  }
0x37: {  	[smem:$0x3FBA] =	sst s10  }
0x38: {  	s10 =	sld [smem:$0x3FBB]  }
0x39: {  	_ = 	snop;
	(pc) =	sbr.ind lr, $3  }
0x3a: {  	_ = 	snop  }
0x3b: {  	_ = 	snop  }
0x3c: {  	p2 =	seq.s32 s10, $0x1;
	s10 =	sld [smem:$0x3FBA]  }
0x3d: {  	_ =	shalt  }
0x3e: {  	_ =	shalt  }
0x3f: {  	_ =	shalt  }
0x40: {  	_ =	shalt  }
0x41: {  	_ =	shalt  }
0x42: {  	_ =	shalt  }
0x43: {  	_ =	shalt  }
0x44: {  	_ =	shalt  }
0x45: {  	_ =	shalt  }
0x46: {  	_ =	shalt  }
0x47: {  	_ =	shalt  }
0x48: {  	_ =	shalt  }
0x49: {  	_ =	shalt  }
0x4a: {  	_ =	shalt  }
0x4b: {  	_ =	shalt  }
0x4c: {  	_ =	shalt  }
0x4d: {  	_ =	shalt  }
0x4e: {  	_ =	shalt  }
0x4f: {  	_ =	shalt  }
0x50: {  	_ =	shalt  }
0x51: {  	_ =	shalt  }
0x52: {  	_ =	shalt  }
0x53: {  	_ =	shalt  }
0x54: {  	_ =	shalt  }
0x55: {  	_ =	shalt  }
0x56: {  	_ =	shalt  }
0x57: {  	_ =	shalt  }
0x58: {  	_ =	shalt  }
0x59: {  	_ =	shalt  }
0x5a: {  	_ =	shalt  }
0x5b: {  	_ =	shalt  }
0x5c: {  	_ =	shalt  }
0x5d: {  	_ =	shalt  }
0x5e: {  	_ =	shalt  }
0x5f: {  	_ =	shalt  }
0x60: {  	_ =	shalt  }
0x61: {  	_ =	shalt  }
0x62: {  	_ =	shalt  }
0x63: {  	_ =	shalt  }
0x64: {  	_ =	shalt  }
0x65: {  	_ =	shalt  }
0x66: {  	_ =	shalt  }
0x67: {  	_ =	shalt  }
0x68: {  	_ =	shalt  }
0x69: {  	_ =	shalt  }
0x6a: {  	_ =	shalt  }
0x6b: {  	_ =	shalt  }
0x6c: {  	_ =	shalt  }
0x6d: {  	_ =	shalt  }
0x6e: {  	_ =	shalt  }
0x6f: {  	_ =	shalt  }
0x70: {  	_ =	shalt  }
0x71: {  	_ =	shalt  }
0x72: {  	_ =	shalt  }
0x73: {  	_ =	shalt  }
0x74: {  	_ =	shalt  }
0x75: {  	_ =	shalt  }
0x76: {  	_ =	shalt  }
0x77: {  	_ =	shalt  }
0x78: {  	_ =	shalt  }
0x79: {  	_ =	shalt  }
0x7a: {  	_ =	shalt  }
0x7b: {  	_ =	shalt  }
0x7c: {  	_ =	shalt  }
0x7d: {  	_ =	shalt  }
0x7e: {  	_ =	shalt  }
0x7f: {  	_ =	shalt  }
0x80: {  	_ =	shalt  }
0x81: {  	_ =	shalt  }
0x82: {  	_ =	shalt  }
0x83: {  	_ =	shalt  }
0x84: {  	_ =	shalt  }
0x85: {  	_ =	shalt  }
0x86: {  	_ =	shalt  }
0x87: {  	_ =	shalt  }
.Lfunc_end0:
.L_simem_size_0:
called_computation.5_lowered:
.L_overlay_start_0:
0x88: {  	s2 =	sld [smem:$0x3FD9]  }
0x89: {  	s3 =	sld [smem:$0x3FFE];
	_ =	sdelay $0x1  }
0x8a: {  	s1 =	srdreg.scid  }
0x8b: {  	s0 =	sand.u32 $0x1, s1  }
0x8c: {  	s14 =	sshll.u32 s0, $0xA;
	s2 =	sadd.s32 s3, s2  }
0x8d: {  	s2 =	sadd.s32 s2, s14  }
0x8e: {  	[smem:$0x3FC6] =	sst s2  }
0x8f: {  	_ = 	snop  }
0x90: {  	s2 =	sld [smem:$0x3FD0];
	_ =	sdelay $0x2  }
0x91: {  	s15 =	simm.s32 $0xE;
	s4 =	simm.s32 $0x10  }
0x92: {  	[smem:s4], [sflag:s15] =	dma.local [hbm:s2], $0x1  }
0x93: {  	_ =	swait.eq [sflag:s15], $0x1  }
0x94: {  	[sflag:s15] =	ssyncset.done $0x0  }
0x95: {  	[sflag:s15] =	ssyncadd.s32 $0xFFFFFFFF  }
0x96: {  	s16 =	sld [smem:$0x11];
	(tm) =	ssettm $0x1  }
0x97: {  	s17 =	sld [smem:$0x3FFB];
	_ =	sdelay $0x3  }
0x98: {  	_ =	strace s17  }
0x99: {  	s3 =	sld [smem:$0x3FFC];
	_ =	sdelay $0x3  }
0x9a: {  	_ =	strace s3  }
0x9b: {  	s3 =	sld [smem:$0x3FFD];
	_ =	sdelay $0x3  }
0x9c: {  	_ =	strace s3  }
0x9d: {  	_ =	strace $0x8FFFFFFF  }
0x9e: {  	s18 =	sld [smem:$0x3FDB];
	_ =	sdelay $0x1  }
0x9f: {  	s19 =	simm.s32 $_scs_section_size  }
0xa0: {  	s5 =	simm.s32 $_size__tile_overlayer_lowered;
	s6 =	simm.s32 $_tile_overlayer_lowered  }
0xa1: {  	s22 =	simm.s32 $0x1BFF;
	s21 =	sshll.u32 s6, $0x1;
	s3 =	sadd.s32 s19, s18  }
0xa2: {  	s7 =	simm.s32 $0x0;
	s20 =	sshll.u32 s5, $0x1;
	s5 =	sadd.s32 s21, s3  }
0xa3: {  	[timem:s7], [sflag:s22] =	dma.local [hbm:s5], s20  }
0xa4: {  	_ =	swait.ge [sflag:s22], s20  }
0xa5: {  	s4 =	ssub.s32 $0x0, s20;
	[sflag:s22] =	ssyncset.done $0x0  }
0xa6: {  	[sflag:s22] =	ssyncadd.s32 s4;
	_ =	sdelay $0x1  }
0xa7: {  	s23 =	simm.s32 $0x1B8B  }
0xa8: {  	_ =	swait.ge [sflag:s23], $0x1  }
0xa9: {  	[sflag:s23] =	ssyncset.done $0x0  }
0xaa: {  	s25 =	simm.s32 $0x1B8E;
	s24 =	sld [smem:$0x3FFE];
	[sflag:s23] =	ssyncadd.s32 $0xFFFFFFFF  }
0xab: {  	s26 =	simm.s32 $execute0_lowered;
	[smem:$0x3FD2] =	sst s25  }
0xac: {  	s5 =	sshll.u32 s26, $0x1;
	_ =	strace $0x80000046;
	[dreg:$0x1] =	wrdreg $0xFFFFFFFF  }
0xad: {  	s28 =	simm.s32 $_size_execute0_lowered;
	s3 =	sadd.s32 s3, s5;
	[dreg:$0x0] =	wrdreg $0x0  }
0xae: {  	s5 =	sshll.u32 s28, $0x1;
	[dreg:$0x2] =	wrdreg s3  }
0xaf: {  	[dreg:$0x3] =	wrdreg s5  }
0xb0: {  	[dreg:$0x4] =	wrdreg $0xC0  }
0xb1: {  	_ =	task [dreg:s7], $0x5FFFF  }
0xb2: {  	[dreg:$0x1] =	wrdreg $0xFFFFFFFF  }
0xb3: {  	[dreg:$0x0] =	wrdreg $0x60  }
0xb4: {  	[dreg:$0x2] =	wrdreg s16  }
0xb5: {  	[dreg:$0x3] =	wrdreg s24  }
0xb6: {  	[dreg:$0x4] =	wrdreg $0xA  }
0xb7: {  	_ =	task.clear_ibuf [dreg:s7], $0x5FFFF;
	_ =	strace $0x90000046  }
0xb8: {  	s29 =	simm.s32 $0xA;
	_ =	strace $0x80000048  }
0xb9: {  	_ =	swait.ge [sflag:s29], $0x1  }
0xba: {  	[sflag:s29] =	ssyncadd.s32 $0xFFFFFFFF  }
0xbb: {  	_ =	strace $0x90000048  }
0xbc: {  	_ =	sfence  }
0xbd: {  	s30 =	sld [smem:$0x0];
	_ =	sdelay $0x2  }
0xbe: {  	s31 =	sshll.u32 s1, $0xD;
	s1 =	sshrl.u32 s1, $0x2  }
0xbf: {  	s3 =	sand.u32 $0x4000, s31;
	s1 =	sadd.s32 s1, s30  }
0xc0: {  	s0 =	sor.u32 s3, s0;
	s1 =	sshll.u32 s1, $0x11  }
0xc1: {  	s0 =	sor.u32 s1, s0  }
0xc2: {  	s0 =	sadd.s32 $0x8F2B, s0  }
0xc3: {  	[sflag:s0] =	ssyncadd.remote.s32 $0x1  }
0xc4: {  	_ =	sfence.sel $0xFFFF  }
0xc5: {  	[dreg:$0x0] =	wrdreg $0xFFFFFFFF;
	(pc) =	sbr.abs _section_cstart, $3  }
0xc6: {  	[dreg:$0x1] =	wrdreg $0xFFFFFFFF  }
0xc7: {  	_ =	task.clear_ibuf [dreg:s7], $0x2FFFF;
	_ =	strace $0x9FFFFFFF  }
0xc8: {  	(tm) =	ssettm $0x7FFFFFFF  }
0xc9: {  	_ =	shalt  }
tec
execute0_lowered:
.L_overlay_start_1:
0x0: {  	(tag) =	ssettag $0x1  }
0x1: {  	s3 =	rddreg [dreg:$0x0]  }
0x2: {  	s4 =	rddreg [dreg:$0x1];
	s2 =	srdreg.scid  }
0x3: {  	s0 =	rddreg [dreg:$0x2];
	s1 =	stileid.u32  }
0x4: {  	s11 =	simm.s32 $0x4680;
	s12 =	simm.s32 $0x400;
	s13 =	simm.s32 $0x0  }
0x5: {  	s5 =	sand.u32 $0x1, s2;
	s2 =	simm.s32 $0x0;
	s7 =	sshrl.u32 s1, $0x3  }
0x6: {  	s9 =	sshll.u32 s1, $0x7;
	s29 =	sshll.u32 s1, $0xC;
	s6 =	smul.u32 $0x6000, s5  }
0x7: {  	s31 =	sshll.u32 s1, $0xE;
	[smem:$0x7FF] =	sst s2;
	s7 =	smul.u32 $0x3000, s7  }
0x8: {  	s8 =	ssub.s32 $0x2, s5;
	s28 =	sand.u32 $0x380, s9;
	s5 =	sshll.u32 s5, $0x4  }
0x9: {  	s9 =	simm.s32 $0x1;
	_ =	strace $0x80000047;
	s6 =	sadd.s32 s6, s7  }
0xa: {  	v3 =	vlaneseq.u32;
	s10 =	sshrl.u32 s8, $0x1;
	s3 =	sadd.s32 s3, s5;
	s6 =	sor.u32 s28, s6  }
0xb: {  	v0 =	vmul.u32 $0x400, v3;
	s8 =	ssub.s32 s8, s10;
	s3 =	sadd.s32 s29, s3;
	s30 =	sshrl.u32 s6, $0x3  }
0xc: {  	v2 =	vimm.f32 $-1.000000000e+00;
	s7 =	simm.s32 $0x80;
	s10 =	simm.s32 $0x4000;
	s4 =	sadd.s32 s4, s30  }
0xd: {  	v4 =	vimm.s32 $0x0;
	v3 =	vmul.u32 $0x60, v3;
	v1 =	vor.u32 s31, v0;
	s6 =	smax.u32 s8, $0x1;
	s8 =	simm.s32 $0x100;
	s5 =	sadd.s32 $0x1800, s4  }
.LBB2_1:
0xe: {  	[tilespmem:s2], [sflag:$0x1] =	stream.strided.gather [hbm4b:s3+s7], $0x4000, s8, s7, $0x38;
	[tilespmem:$0x4D00] =	vst v63  }
0xf: {  	_ =	swait.ge [sflag:s9], $0x4000  }
0x10: {  	[sflag:s9] =	ssyncset.done $0x0  }
0x11: {  	s14 =	simm.s32 $0x0;
	[sflag:s9] =	ssyncadd.s32 $0xFFFFC000  }
.LBB2_2:
0x12: {  	p0 =	sne.s32 s14, $0x1800  }
.Ltmp0:
0x13: {  	_ = 	snop;
	(pc) =	sbr.rel @p0 .LBB2_2-.Ltmp0, $4  }
0x14: {  	_ = 	snop  }
0x15: {  	s15 =	sshra.s32 s14, $0x2  }
0x16: {  	v5 =	vimm.s32 $0x0;
	[tilespmem:s15+$0x4000] =	vst v2  }
0x17: {  	s14 =	sadd.s32 $0x40, s14;
	[tilespmem:s15+$0x4680] =	vst v5  }
0x18: {  	s15 =	simm.s32 $0x0  }
0x19: {  	v6 =	vor.u32 s15, v0;
	_ =	sdelay $0x4  }
0x1a: {  	v6 =	vld.idx.msk [tilespmem:v6+s2+$0x0], $0xffff;
	_ =	sdelay $0x4  }
0x1b: {  	vm0 =	vlt.f32 v6, $0.0e+00;
	vm1 =	vgt.f32 v6, $0.0e+00  }
0x1c: {  	vm15 =	vlt.s32 v5, $0x60;
	vm0 =	vmor vm1, vm0  }
0x1d: {  	v7 =	vadd.s32 v3, v5;
	vm1 =	vmand vm15, vm0  }
0x1e: {  	v7 =	vnsel vm1, $0x600, v7  }
0x1f: {  	s14 =	simm.s32 $0x1;
	v8 =	vsel vm0, $0x1, v4  }
0x20: {  	v5 =	vadd.s32 v8, v5;
	v8 =	vor.u32 s14, v0  }
0x21: {  	s16 =	simm.s32 $0x2  }
.LBB2_4:
0x22: {  	p0 =	sne.s32 s16, $0x3FF  }
0x23: {  	v9 =	vor.u32 s15, v1;
	s15 =	smov.u32 s14;
	s14 =	smov.u32 s16;
	[tilespmem:v7+s10+$0x0] =	vst.idx.msk $0xffff, v6  }
0x24: {  	[tilespmem:v7+s11+$0x0] =	vst.idx.msk $0xffff, v9  }
0x25: {  	v6 =	vld.idx.msk [tilespmem:v8+s2+$0x0], $0xffff;
	_ =	sdelay $0x5  }
0x26: {  	vm0 =	vlt.f32 v6, $0.0e+00;
	vm1 =	vgt.f32 v6, $0.0e+00  }
0x27: {  	vm0 =	vmor vm1, vm0;
	vm1 =	vlt.s32 v5, $0x60  }
.Ltmp1:
0x28: {  	v7 =	vadd.s32 v3, v5;
	vm1 =	vmand vm1, vm0;
	v8 =	vsel vm0, $0x1, v4;
	(pc) =	sbr.rel @p0 .LBB2_4-.Ltmp1, $3  }
0x29: {  	v7 =	vnsel vm1, $0x600, v7;
	v5 =	vadd.s32 v8, v5;
	_ =	sdelay $0x1  }
0x2a: {  	v8 =	vor.u32 s16, v0  }
0x2b: {  	s16 =	sadd.s32 $0x1, s16  }
0x2c: {  	_ =	sdelay $0x3  }
0x2d: {  	v9 =	vor.u32 s15, v1;
	[tilespmem:v7+s10+$0x0] =	vst.idx.msk $0xffff, v6  }
0x2e: {  	[tilespmem:v7+s11+$0x0] =	vst.idx.msk $0xffff, v9  }
0x2f: {  	v6 =	vld.idx.msk [tilespmem:v8+s2+$0x0], $0xffff;
	_ =	sdelay $0x4  }
0x30: {  	vm0 =	vlt.f32 v6, $0.0e+00;
	vm1 =	vgt.f32 v6, $0.0e+00  }
0x31: {  	vm15 =	vlt.s32 v5, $0x60;
	vm0 =	vmor vm1, vm0  }
0x32: {  	v5 =	vadd.s32 v3, v5;
	vm0 =	vmand vm15, vm0  }
0x33: {  	v5 =	vnsel vm0, $0x600, v5;
	_ =	sdelay $0x4  }
0x34: {  	v7 =	vor.u32 s14, v1;
	[tilespmem:v5+s10+$0x0] =	vst.idx.msk $0xffff, v6  }
0x35: {  	[tilespmem:v5+s11+$0x0] =	vst.idx.msk $0xffff, v7  }
0x36: {  	[hbm4b:s4+s7] =	stream.strided.scatter [tilespmem:s10], [sflag:$0x1], $0x600, s12, s7, $0x38;
	[tilespmem:$0x4D00] =	vst v63  }
0x37: {  	s13 =	sadd.s32 $0x1, s13;
	_ =	swait.ge [sflag:s9], $0x600  }
0x38: {  	p0 =	sne.s32 s13, s6;
	[sflag:s9] =	ssyncset.done $0x0  }
.Ltmp2:
0x39: {  	[sflag:s9] =	ssyncadd.s32 $0xFFFFFA00;
	(pc) =	sbr.rel @p0 .LBB2_1-.Ltmp2, $4  }
0x3a: {  	[hbm4b:s5+s7] =	stream.strided.scatter [tilespmem:s11], [sflag:$0x1], $0x600, s12, s7, $0x38;
	[tilespmem:$0x4D00] =	vst v63  }
0x3b: {  	_ =	swait.ge [sflag:s9], $0x600  }
0x3c: {  	[sflag:s9] =	ssyncset.done $0x0  }
0x3d: {  	[sflag:s9] =	ssyncadd.s32 $0xFFFFFA00  }
0x3e: {  	_ =	sfence.sel $0x180000  }
0x3f: {  	[bflag:$0x0] =	sbarrier.arrive $0xFFFF  }
0x40: {  	p0 =	sne.s32 s1, $0x0;
	_ =	strace $0x90000047  }
0x41: {  	s0 =	sadd.s32 @!p0 $0x100000, s0;
	[bflag:$0x2] =	sbarrier.arrive $0xFFFF  }
0x42: {  	[sflag:s0] =	ssyncadd.tile.s32 @!p0 $0x1;
	_ =	shalt  }
.Lfunc_end2:
_tile_overlayer_lowered:
.L_overlay_start_2:
0x43: {  	(tag) =	ssettag $0x2  }
0x44: {  	s0 =	rddreg [dreg:$0x0];
	s2 =	stileid.u32  }
0x45: {  	s1 =	rddreg [dreg:$0x1];
	p0 =	sne.s32 s2, $0x0  }
0x46: {  	s3 =	rddreg [dreg:$0x2];
	[bflag:$0x3] =	sbarrier.arrive $0xFFFF;
	s2 =	simm.s32 @!p0 $0x1C01  }
0x47: {  	[timem:s3], [sflag:s2] =	dma.local @!p0 [hbm:s0], s1  }
0x48: {  	s0 =	simm.s32 @!p0 $0x1  }
0x49: {  	_ =	swait.ge @!p0 [sflag:s0], s1  }
0x4a: {  	s1 =	ssub.s32 @!p0 $0x0, s1;
	[sflag:s0] =	ssyncset.done @!p0 $0x0  }
0x4b: {  	[sflag:s0] =	ssyncadd.s32 @!p0 s1  }
0x4c: {  	[bflag:$0x3] =	sbarrier.arrive $0xFFFF  }
0x4d: {  	_ =	shalt  }

// kernel: kernel.8.cloned.1.call-start
scs
__scs_entry_jumppad:
0x0: {  	(pc) =	sbr.rel $0x88, $3  }
0x1: {  	(tag) =	ssettag $0x0;
	lr =	simm.s32 $0x1  }
0x2: {  	[smem:$0x3F9F] =	sst lr;
	_ =	strace $0xD0000000  }
0x3: {  	_ = 	snop  }
0x4: {  	_ = 	snop  }
0x5: {  	_ = 	snop  }
0x6: {  	_ = 	snop  }
0x7: {  	_ = 	snop  }
__scs_overlays_trampoline_lowered:
0x8: {  	[smem:$0x3FAE] =	sst s0  }
0x9: {  	[smem:$0x3FAF] =	sst s1  }
0xa: {  	[smem:$0x3FB0] =	sst s2  }
0xb: {  	[smem:$0x3FB1] =	sst s3  }
0xc: {  	[smem:$0x3FB2] =	sst s4  }
0xd: {  	[smem:$0x3FB3] =	sst s5  }
0xe: {  	[smem:$0x3FB4] =	sst s6  }
0xf: {  	[smem:$0x3FB5] =	sst s7  }
0x10: {  	[smem:$0x3FB6] =	sst s8  }
0x11: {  	[smem:$0x3FB7] =	sst s9;
	s0 =	simm.s32 @!p0 $0x0  }
0x12: {  	s1 =	sld [smem:$0x3F9D];
	s0 =	simm.s32 @p0 $0x1  }
0x13: {  	[smem:$0x3FB8] =	sst s0;
	s0 =	simm.s32 @!p1 $0x0  }
0x14: {  	s2 =	sld [smem:$0x3F9C];
	s0 =	simm.s32 @p1 $0x1  }
0x15: {  	[smem:$0x3FB9] =	sst s0;
	s0 =	simm.s32 @!p2 $0x0  }
0x16: {  	s3 =	sld [smem:$0x3FDB];
	s0 =	simm.s32 @p2 $0x1  }
0x17: {  	s4 =	simm.s32 $0x1BF5;
	[smem:$0x3FBB] =	sst s0  }
0x18: {  	s0 =	sld [smem:$0x3F9E];
	_ =	swait.ge [sflag:s4], $0x0  }
0x19: {  	s7 =	sld [smem:$0x3F9F]  }
0x1a: {  	s8 =	sadd.s32 $0xFFFFE003, lr  }
0x1b: {  	s9 =	sadd.s32 $0xFFFFFEF7, lr;
	s5 =	simm.s32 $0xFFFFFFFF;
	p2 =	slt.u32 s8, $0xFFFFF086  }
0x1c: {  	p1 =	slt.u32 s9, $0xF7A;
	s5 =	simm.s32 @!p2 $0x0  }
0x1d: {  	s5 =	simm.s32 @p1 $0x1;
	p0 =	seq.s32 s7, s2  }
0x1e: {  	s7 =	smul.u32 @!p0 $0xF7A, s2;
	p2 =	seq.s32 @!p0 s5, $0x0  }
0x1f: {  	s9 =	smul.u32 $0xF7A, s1;
	s8 =	simm.s32 @!p0 $0x1BF5;
	p2 =	por !p2, p0  }
0x20: {  	[sflag:s8] =	ssyncset.s32 @!p0 $0xFFFFF086;
	s6 =	sadd.s32 @!p0 s3, s7;
	s7 =	simm.s32 @!p0 $0x108  }
0x21: {  	s3 =	sadd.s32 s3, s9;
	s6 =	sadd.s32 @!p0 $0x88, s6;
	s7 =	simm.s32 @p2 $0x1082  }
0x22: {  	[simem:s7], [sflag:s8] =	dma.local @!p0 [hbm:s6], $0xF7A  }
0x23: {  	s9 =	sor.u32 $0xD0000000, s2;
	s6 =	simm.s32 $0x108;
	_ =	swait.ge @!p0 [sflag:s8], $0x0  }
0x24: {  	s3 =	sadd.s32 $0x88, s3;
	s6 =	simm.s32 @!p1 $0x1082;
	[sflag:s4] =	ssyncset.s32 $0xFFFFF086  }
0x25: {  	[simem:s6], [sflag:s4] =	dma.local [hbm:s3], $0xF7A  }
0x26: {  	[smem:$0x3F9F] =	sst s1;
	(tag) =	ssettag s2;
	_ =	strace s9  }
0x27: {  	s1 =	sld [smem:$0x3FAF]  }
0x28: {  	s2 =	sld [smem:$0x3FB0]  }
0x29: {  	s4 =	sld [smem:$0x3FB2]  }
0x2a: {  	p0 =	seq.s32 s5, $0x0;
	s5 =	sld [smem:$0x3FB3]  }
0x2b: {  	s6 =	sld [smem:$0x3FB4]  }
0x2c: {  	s7 =	sld [smem:$0x3FB5]  }
0x2d: {  	s3 =	simm.s32 $0x108;
	s8 =	sld [smem:$0x3FB6]  }
0x2e: {  	s3 =	simm.s32 @!p0 $0x1082;
	s9 =	sld [smem:$0x3FB7]  }
0x2f: {  	lr =	sadd.s32 s0, s3;
	s0 =	sld [smem:$0x3FAE]  }
0x30: {  	s3 =	sld [smem:$0x3FB1]  }
0x31: {  	[smem:$0x3FBA] =	sst s10  }
0x32: {  	s10 =	sld [smem:$0x3FB8];
	_ =	sdelay $0x3  }
0x33: {  	p0 =	seq.s32 s10, $0x1;
	s10 =	sld [smem:$0x3FBA];
	_ =	sdelay $0x3  }
0x34: {  	[smem:$0x3FBA] =	sst s10  }
0x35: {  	s10 =	sld [smem:$0x3FB9];
	_ =	sdelay $0x3  }
0x36: {  	p1 =	seq.s32 s10, $0x1;
	s10 =	sld [smem:$0x3FBA];
	_ =	sdelay $0x3  }
0x37: {  	[smem:$0x3FBA] =	sst s10  }
0x38: {  	s10 =	sld [smem:$0x3FBB]  }
0x39: {  	_ = 	snop;
	(pc) =	sbr.ind lr, $3  }
0x3a: {  	_ = 	snop  }
0x3b: {  	_ = 	snop  }
0x3c: {  	p2 =	seq.s32 s10, $0x1;
	s10 =	sld [smem:$0x3FBA]  }
0x3d: {  	_ =	shalt  }
0x3e: {  	_ =	shalt  }
0x3f: {  	_ =	shalt  }
0x40: {  	_ =	shalt  }
0x41: {  	_ =	shalt  }
0x42: {  	_ =	shalt  }
0x43: {  	_ =	shalt  }
0x44: {  	_ =	shalt  }
0x45: {  	_ =	shalt  }
0x46: {  	_ =	shalt  }
0x47: {  	_ =	shalt  }
0x48: {  	_ =	shalt  }
0x49: {  	_ =	shalt  }
0x4a: {  	_ =	shalt  }
0x4b: {  	_ =	shalt  }
0x4c: {  	_ =	shalt  }
0x4d: {  	_ =	shalt  }
0x4e: {  	_ =	shalt  }
0x4f: {  	_ =	shalt  }
0x50: {  	_ =	shalt  }
0x51: {  	_ =	shalt  }
0x52: {  	_ =	shalt  }
0x53: {  	_ =	shalt  }
0x54: {  	_ =	shalt  }
0x55: {  	_ =	shalt  }
0x56: {  	_ =	shalt  }
0x57: {  	_ =	shalt  }
0x58: {  	_ =	shalt  }
0x59: {  	_ =	shalt  }
0x5a: {  	_ =	shalt  }
0x5b: {  	_ =	shalt  }
0x5c: {  	_ =	shalt  }
0x5d: {  	_ =	shalt  }
0x5e: {  	_ =	shalt  }
0x5f: {  	_ =	shalt  }
0x60: {  	_ =	shalt  }
0x61: {  	_ =	shalt  }
0x62: {  	_ =	shalt  }
0x63: {  	_ =	shalt  }
0x64: {  	_ =	shalt  }
0x65: {  	_ =	shalt  }
0x66: {  	_ =	shalt  }
0x67: {  	_ =	shalt  }
0x68: {  	_ =	shalt  }
0x69: {  	_ =	shalt  }
0x6a: {  	_ =	shalt  }
0x6b: {  	_ =	shalt  }
0x6c: {  	_ =	shalt  }
0x6d: {  	_ =	shalt  }
0x6e: {  	_ =	shalt  }
0x6f: {  	_ =	shalt  }
0x70: {  	_ =	shalt  }
0x71: {  	_ =	shalt  }
0x72: {  	_ =	shalt  }
0x73: {  	_ =	shalt  }
0x74: {  	_ =	shalt  }
0x75: {  	_ =	shalt  }
0x76: {  	_ =	shalt  }
0x77: {  	_ =	shalt  }
0x78: {  	_ =	shalt  }
0x79: {  	_ =	shalt  }
0x7a: {  	_ =	shalt  }
0x7b: {  	_ =	shalt  }
0x7c: {  	_ =	shalt  }
0x7d: {  	_ =	shalt  }
0x7e: {  	_ =	shalt  }
0x7f: {  	_ =	shalt  }
0x80: {  	_ =	shalt  }
0x81: {  	_ =	shalt  }
0x82: {  	_ =	shalt  }
0x83: {  	_ =	shalt  }
0x84: {  	_ =	shalt  }
0x85: {  	_ =	shalt  }
0x86: {  	_ =	shalt  }
0x87: {  	_ =	shalt  }
.Lfunc_end0:
.L_simem_size_0:
called_computation.6_lowered:
.L_overlay_start_0:
0x88: {  	s2 =	sld [smem:$0x3FD9]  }
0x89: {  	s3 =	sld [smem:$0x3FFE];
	_ =	sdelay $0x1  }
0x8a: {  	s1 =	srdreg.scid  }
0x8b: {  	s0 =	sand.u32 $0x1, s1  }
0x8c: {  	s15 =	sshll.u32 s0, $0xA;
	s2 =	sadd.s32 s3, s2  }
0x8d: {  	s2 =	sadd.s32 s2, s15  }
0x8e: {  	[smem:$0x3FC6] =	sst s2  }
0x8f: {  	_ = 	snop  }
0x90: {  	s2 =	sld [smem:$0x3FD0];
	_ =	sdelay $0x2  }
0x91: {  	s16 =	simm.s32 $0xE;
	s4 =	simm.s32 $0x10  }
0x92: {  	[smem:s4], [sflag:s16] =	dma.local [hbm:s2], $0x1  }
0x93: {  	_ =	swait.eq [sflag:s16], $0x1  }
0x94: {  	[sflag:s16] =	ssyncset.done $0x0  }
0x95: {  	[sflag:s16] =	ssyncadd.s32 $0xFFFFFFFF  }
0x96: {  	s17 =	sld [smem:$0x11];
	(tm) =	ssettm $0x1  }
0x97: {  	s18 =	sld [smem:$0x3FFB];
	_ =	sdelay $0x3  }
0x98: {  	_ =	strace s18  }
0x99: {  	s2 =	sld [smem:$0x3FFC];
	_ =	sdelay $0x3  }
0x9a: {  	_ =	strace s2  }
0x9b: {  	s2 =	sld [smem:$0x3FFD];
	_ =	sdelay $0x3  }
0x9c: {  	_ =	strace s2  }
0x9d: {  	_ =	strace $0x8FFFFFFF  }
0x9e: {  	s19 =	sld [smem:$0x3FDB];
	_ =	sdelay $0x1  }
0x9f: {  	s20 =	simm.s32 $_scs_section_size  }
0xa0: {  	s5 =	simm.s32 $_size__tile_overlayer_lowered;
	s6 =	simm.s32 $_tile_overlayer_lowered  }
0xa1: {  	s7 =	simm.s32 $0x1BFF;
	s21 =	sshll.u32 s6, $0x1;
	s4 =	sadd.s32 s20, s19  }
0xa2: {  	s22 =	simm.s32 $0x0;
	s5 =	sshll.u32 s5, $0x1;
	s6 =	sadd.s32 s21, s4  }
0xa3: {  	[timem:s22], [sflag:s7] =	dma.local [hbm:s6], s5  }
0xa4: {  	_ =	swait.ge [sflag:s7], s5  }
0xa5: {  	s5 =	ssub.s32 $0x0, s5;
	[sflag:s7] =	ssyncset.done $0x0  }
0xa6: {  	[sflag:s7] =	ssyncadd.s32 s5;
	_ =	sdelay $0x1  }
0xa7: {  	s23 =	simm.s32 $0x1B8B  }
0xa8: {  	_ =	swait.ge [sflag:s23], $0x1  }
0xa9: {  	[sflag:s23] =	ssyncset.done $0x0  }
0xaa: {  	[sflag:s23] =	ssyncadd.s32 $0xFFFFFFFF  }
0xab: {  	s5 =	sld [smem:$0x0]  }
0xac: {  	s6 =	sand.u32 $0xFFFFFFFE, s1  }
0xad: {  	p0 =	sne.s32 s1, s6  }
0xae: {  	s6 =	sshll.u32 @p0 s6, $0xE  }
0xaf: {  	s6 =	sadd.s32 @p0 $0x11B8D, s6;
	s7 =	sshll.u32 @p0 s5, $0x11  }
0xb0: {  	s6 =	sor.u32 @p0 s7, s6  }
0xb1: {  	[sflag:s6] =	ssyncadd.remote.s32 @p0 $0x1;
	_ =	sdelay $0x1  }
0xb2: {  	s6 =	simm.s32 @p0 $0x1B8D  }
0xb3: {  	_ =	swait.eq @p0 [sflag:s6], $0x1  }
0xb4: {  	[sflag:s6] =	ssyncadd.s32 @p0 $0xFFFFFFFF  }
0xb5: {  	s7 =	sshll.u32 @!p0 s1, $0xE  }
0xb6: {  	s7 =	sor.u32 @!p0 $0x4000, s7;
	s6 =	simm.s32 @!p0 $0x1B8D  }
0xb7: {  	s5 =	sshll.u32 @!p0 s5, $0x11;
	s7 =	sadd.s32 @!p0 $0x11B8D, s7;
	_ =	swait.eq @!p0 [sflag:s6], $0x1  }
0xb8: {  	s5 =	sor.u32 @!p0 s5, s7;
	[sflag:s6] =	ssyncadd.s32 @!p0 $0xFFFFFFFF  }
0xb9: {  	s25 =	simm.s32 $0x1B8E;
	s24 =	sld [smem:$0x3FFE];
	[sflag:s5] =	ssyncadd.remote.s32 @!p0 $0x1  }
0xba: {  	s26 =	simm.s32 $execute0_lowered;
	[smem:$0x3FD2] =	sst s25  }
0xbb: {  	s6 =	sshll.u32 s26, $0x1;
	_ =	strace $0x80000058;
	[dreg:$0x1] =	wrdreg $0xFFFFFFFF  }
0xbc: {  	s28 =	simm.s32 $_size_execute0_lowered;
	s4 =	sadd.s32 s4, s6;
	[dreg:$0x0] =	wrdreg $0x0  }
0xbd: {  	s6 =	sshll.u32 s28, $0x1;
	[dreg:$0x2] =	wrdreg s4  }
0xbe: {  	[dreg:$0x3] =	wrdreg s6  }
0xbf: {  	[dreg:$0x4] =	wrdreg $0xC0  }
0xc0: {  	_ =	task [dreg:s22], $0x5FFFF  }
0xc1: {  	[dreg:$0x1] =	wrdreg $0xFFFFFFFF  }
0xc2: {  	[dreg:$0x0] =	wrdreg $0x60  }
0xc3: {  	[dreg:$0x2] =	wrdreg s24  }
0xc4: {  	[dreg:$0x3] =	wrdreg s17  }
0xc5: {  	[dreg:$0x4] =	wrdreg $0x9  }
0xc6: {  	_ =	task.clear_ibuf [dreg:s22], $0x5FFFF;
	_ =	strace $0x90000058  }
0xc7: {  	s29 =	simm.s32 $0x9;
	_ =	strace $0x8000005A  }
0xc8: {  	_ =	swait.ge [sflag:s29], $0x1  }
0xc9: {  	[sflag:s29] =	ssyncadd.s32 $0xFFFFFFFF  }
0xca: {  	_ =	strace $0x9000005A  }
0xcb: {  	_ =	sfence  }
0xcc: {  	s30 =	sld [smem:$0x0];
	_ =	sdelay $0x2  }
0xcd: {  	s31 =	sshll.u32 s1, $0xD;
	s1 =	sshrl.u32 s1, $0x2  }
0xce: {  	s4 =	sand.u32 $0x4000, s31;
	s1 =	sadd.s32 s1, s30  }
0xcf: {  	s0 =	sor.u32 s4, s0;
	s1 =	sshll.u32 s1, $0x11  }
0xd0: {  	s0 =	sor.u32 s1, s0  }
0xd1: {  	s0 =	sadd.s32 $0x8F2B, s0  }
0xd2: {  	[sflag:s0] =	ssyncadd.remote.s32 $0x1  }
0xd3: {  	_ =	sfence.sel $0xFFFF  }
0xd4: {  	[dreg:$0x0] =	wrdreg $0xFFFFFFFF;
	(pc) =	sbr.abs _section_cstart, $3  }
0xd5: {  	[dreg:$0x1] =	wrdreg $0xFFFFFFFF  }
0xd6: {  	_ =	task.clear_ibuf [dreg:s22], $0x2FFFF;
	_ =	strace $0x9FFFFFFF  }
0xd7: {  	(tm) =	ssettm $0x7FFFFFFF  }
tec
execute0_lowered:
.L_overlay_start_1:
0x0: {  	(tag) =	ssettag $0x1  }
0x1: {  	s0 =	stileid.u32  }
0x2: {  	s1 =	srdreg.scid;
	s5 =	smul.u32 $0x6, s0  }
0x3: {  	s3 =	rddreg [dreg:$0x0];
	s4 =	sand.u32 $0x1, s1;
	s19 =	smul.u32 $0x6000, s0  }
0x4: {  	s10 =	rddreg [dreg:$0x1];
	s8 =	smul.u32 $0x300, s0;
	s2 =	ssub.s32 $0x2, s4  }
0x5: {  	s6 =	smul.u32 $0x60000, s4;
	s31 =	sshll.u32 s4, $0x4;
	s7 =	sshrl.u32 s2, $0x1  }
0x6: {  	s1 =	sand.u32 $0x78000, s19;
	s20 =	sand.u32 $0x300, s8;
	s9 =	sadd.s32 $0x2, s5  }
0x7: {  	s8 =	sadd.s32 $0x3, s5;
	s16 =	sadd.s32 $0x4, s5;
	s11 =	ssub.s32 s2, s7  }
0x8: {  	s1 =	sadd.s32 s6, s1;
	s7 =	sor.u32 $0x1, s5;
	s23 =	sshll.u32 s9, $0xC  }
0x9: {  	s25 =	sshll.u32 s9, $0x7;
	s14 =	sshll.u32 s8, $0xC;
	s15 =	sshll.u32 s8, $0x7  }
0xa: {  	s26 =	sshll.u32 s16, $0xC;
	s28 =	sshll.u32 s16, $0x7;
	s21 =	sshll.u32 s7, $0x7  }
0xb: {  	s12 =	sor.u32 s20, s1;
	s24 =	sand.u32 $0xF8000, s23;
	s2 =	sand.u32 $0x300, s25  }
0xc: {  	s14 =	sand.u32 $0xF8000, s14;
	s15 =	sand.u32 $0x380, s15;
	s20 =	smul.u32 $0x60, s4  }
0xd: {  	s11 =	smax.u32 s11, $0x1;
	s22 =	sand.u32 $0x380, s21;
	s14 =	sadd.s32 s6, s14  }
0xe: {  	s12 =	sshrl.u32 s12, $0x3;
	s13 =	sor.u32 s1, s22;
	s1 =	sadd.s32 s6, s24  }
0xf: {  	s14 =	sor.u32 s15, s14;
	s15 =	sadd.s32 $0x5, s5;
	s5 =	sadd.s32 s5, s20  }
0x10: {  	s7 =	sadd.s32 s20, s7;
	s23 =	sadd.s32 s20, s9;
	s8 =	sadd.s32 s20, s8  }
0x11: {  	s17 =	sor.u32 s2, s1;
	s1 =	sand.u32 $0xF8000, s26;
	s2 =	sand.u32 $0x300, s28  }
0x12: {  	s18 =	sshll.u32 s15, $0xC;
	s30 =	sshll.u32 s15, $0x7;
	s21 =	sshll.u32 s5, $0x12  }
0x13: {  	s5 =	sadd.s32 s10, s12;
	s22 =	sshll.u32 s7, $0x12;
	s13 =	sshrl.u32 s13, $0x3  }
0x14: {  	s25 =	sshrl.u32 s14, $0x3;
	s26 =	sadd.s32 s20, s16;
	s12 =	simm.s32 $0x80  }
0x15: {  	s14 =	simm.s32 $0x2;
	s16 =	simm.s32 $0x2000;
	s1 =	sadd.s32 s6, s1  }
0x16: {  	s29 =	sand.u32 $0xF8000, s18;
	s18 =	sand.u32 $0x380, s30;
	s24 =	sshrl.u32 s17, $0x3  }
0x17: {  	s17 =	sshll.u32 s23, $0x12;
	s23 =	sshll.u32 s8, $0x12;
	s8 =	sadd.s32 s10, s25  }
0x18: {  	s19 =	sor.u32 s2, s1;
	s1 =	rddreg [dreg:$0x2];
	s6 =	sadd.s32 s6, s29  }
0x19: {  	s2 =	simm.s32 $0x0;
	s7 =	sadd.s32 s10, s24;
	s24 =	sshll.u32 s26, $0x12  }
0x1a: {  	s29 =	sadd.s32 s20, s15;
	v2 =	vmov s17;
	s15 =	simm.s32 $0x1000;
	s17 =	simm.s32 $0x1  }
0x1b: {  	s18 =	sor.u32 s18, s6;
	[smem:$0x7FF] =	sst s2;
	s6 =	sadd.s32 s31, s3  }
0x1c: {  	s3 =	sadd.s32 $0x3000, s3;
	s28 =	sshrl.u32 s19, $0x3;
	s31 =	sshll.u32 s29, $0x12  }
0x1d: {  	s19 =	simm.s32 $0x0;
	_ =	strace $0x80000059;
	s4 =	sadd.s32 $0xC00, s6  }
0x1e: {  	v0 =	vmov s21;
	v1 =	vmov s22;
	s6 =	sadd.s32 s10, s13;
	s30 =	sshrl.u32 s18, $0x3;
	s9 =	sadd.s32 s10, s28  }
0x1f: {  	v3 =	vmov s23;
	v4 =	vmov s24;
	s13 =	simm.s32 $0x100;
	v5 =	vmov s31;
	s18 =	simm.s32 $0x400;
	s10 =	sadd.s32 s10, s30  }
.LBB2_1:
0x20: {  	[tilespmem:s2], [sflag:$0x2] =	stream.strided.gather [hbm4b:s4+s12], $0x1000, s13, s12, $0x38;
	[tilespmem:$0x3000] =	vst v63  }
0x21: {  	_ =	swait.ge [sflag:s14], $0x1000  }
0x22: {  	[sflag:s14] =	ssyncset.done $0x0  }
0x23: {  	s20 =	simm.s32 $0x0;
	[sflag:s14] =	ssyncadd.s32 $0xFFFFF000  }
0x24: {  	s21 =	simm.s32 $0x40;
	v6 =	vld [tilespmem:s20+$0x0]  }
.LBB2_2:
0x25: {  	p0 =	sne.s32 s21, $0x3FC0  }
.Ltmp0:
0x26: {  	_ = 	snop;
	(pc) =	sbr.rel @p0 .LBB2_2-.Ltmp0, $3  }
0x27: {  	_ =	sdelay $0x1  }
0x28: {  	s22 =	sshra.s32 s21, $0x2;
	s21 =	sadd.s32 $0x40, s21;
	v7 =	vadd.s32 v0, v6  }
0x29: {  	v6 =	vld [tilespmem:s22+$0x0];
	[tilespmem:s20+$0x1000] =	vst v7;
	s20 =	smov.u32 s22  }
0x2a: {  	_ =	sdelay $0x3  }
0x2b: {  	v6 =	vadd.s32 v0, v6  }
0x2c: {  	[tilespmem:s20+$0x1000] =	vst v6  }
0x2d: {  	[tilespmem:s16], [sflag:$0x1] =	stream.indirect.gather [hbm4b:s3+s15], $0x1, s15, s15, $0xb8;
	[tilespmem:$0x3000] =	vst v63  }
0x2e: {  	_ =	swait.ge [sflag:s17], $0x1000  }
0x2f: {  	[sflag:s17] =	ssyncset.done $0x0  }
0x30: {  	[sflag:s17] =	ssyncadd.s32 $0xFFFFF000  }
0x31: {  	[hbm4b:s5+s12] =	stream.strided.scatter [tilespmem:s16], [sflag:$0x2], $0x1000, s18, s12, $0x38;
	[tilespmem:$0x3000] =	vst v63  }
0x32: {  	_ =	swait.ge [sflag:s14], $0x1000  }
0x33: {  	[sflag:s14] =	ssyncset.done $0x0  }
0x34: {  	s20 =	simm.s32 $0x0;
	[sflag:s14] =	ssyncadd.s32 $0xFFFFF000  }
0x35: {  	s21 =	simm.s32 $0x40;
	v6 =	vld [tilespmem:s20+$0x0]  }
.LBB2_4:
0x36: {  	p0 =	sne.s32 s21, $0x3FC0  }
.Ltmp1:
0x37: {  	_ = 	snop;
	(pc) =	sbr.rel @p0 .LBB2_4-.Ltmp1, $3  }
0x38: {  	_ =	sdelay $0x1  }
0x39: {  	s22 =	sshra.s32 s21, $0x2;
	s21 =	sadd.s32 $0x40, s21;
	v7 =	vadd.s32 v1, v6  }
0x3a: {  	v6 =	vld [tilespmem:s22+$0x0];
	[tilespmem:s20+$0x1000] =	vst v7;
	s20 =	smov.u32 s22  }
0x3b: {  	_ =	sdelay $0x3  }
0x3c: {  	v6 =	vadd.s32 v1, v6  }
0x3d: {  	[tilespmem:s20+$0x1000] =	vst v6  }
0x3e: {  	[tilespmem:s16], [sflag:$0x1] =	stream.indirect.gather [hbm4b:s3+s15], $0x1, s15, s15, $0xb8;
	[tilespmem:$0x3000] =	vst v63  }
0x3f: {  	_ =	swait.ge [sflag:s17], $0x1000  }
0x40: {  	[sflag:s17] =	ssyncset.done $0x0  }
0x41: {  	[sflag:s17] =	ssyncadd.s32 $0xFFFFF000  }
0x42: {  	[hbm4b:s6+s12] =	stream.strided.scatter [tilespmem:s16], [sflag:$0x2], $0x1000, s18, s12, $0x38;
	[tilespmem:$0x3000] =	vst v63  }
0x43: {  	_ =	swait.ge [sflag:s14], $0x1000  }
0x44: {  	[sflag:s14] =	ssyncset.done $0x0  }
0x45: {  	s20 =	simm.s32 $0x0;
	[sflag:s14] =	ssyncadd.s32 $0xFFFFF000  }
0x46: {  	s21 =	simm.s32 $0x40;
	v6 =	vld [tilespmem:s20+$0x0]  }
.LBB2_6:
0x47: {  	p0 =	sne.s32 s21, $0x3FC0  }
.Ltmp2:
0x48: {  	_ = 	snop;
	(pc) =	sbr.rel @p0 .LBB2_6-.Ltmp2, $3  }
0x49: {  	_ =	sdelay $0x1  }
0x4a: {  	s22 =	sshra.s32 s21, $0x2;
	s21 =	sadd.s32 $0x40, s21;
	v7 =	vadd.s32 v2, v6  }
0x4b: {  	v6 =	vld [tilespmem:s22+$0x0];
	[tilespmem:s20+$0x1000] =	vst v7;
	s20 =	smov.u32 s22  }
0x4c: {  	_ =	sdelay $0x3  }
0x4d: {  	v6 =	vadd.s32 v2, v6  }
0x4e: {  	[tilespmem:s20+$0x1000] =	vst v6  }
0x4f: {  	[tilespmem:s16], [sflag:$0x1] =	stream.indirect.gather [hbm4b:s3+s15], $0x1, s15, s15, $0xb8;
	[tilespmem:$0x3000] =	vst v63  }
0x50: {  	_ =	swait.ge [sflag:s17], $0x1000  }
0x51: {  	[sflag:s17] =	ssyncset.done $0x0  }
0x52: {  	[sflag:s17] =	ssyncadd.s32 $0xFFFFF000  }
0x53: {  	[hbm4b:s7+s12] =	stream.strided.scatter [tilespmem:s16], [sflag:$0x2], $0x1000, s18, s12, $0x38;
	[tilespmem:$0x3000] =	vst v63  }
0x54: {  	_ =	swait.ge [sflag:s14], $0x1000  }
0x55: {  	[sflag:s14] =	ssyncset.done $0x0  }
0x56: {  	s20 =	simm.s32 $0x0;
	[sflag:s14] =	ssyncadd.s32 $0xFFFFF000  }
0x57: {  	s21 =	simm.s32 $0x40;
	v6 =	vld [tilespmem:s20+$0x0]  }
.LBB2_8:
0x58: {  	p0 =	sne.s32 s21, $0x3FC0  }
.Ltmp3:
0x59: {  	_ = 	snop;
	(pc) =	sbr.rel @p0 .LBB2_8-.Ltmp3, $3  }
0x5a: {  	_ =	sdelay $0x1  }
0x5b: {  	s22 =	sshra.s32 s21, $0x2;
	s21 =	sadd.s32 $0x40, s21;
	v7 =	vadd.s32 v3, v6  }
0x5c: {  	v6 =	vld [tilespmem:s22+$0x0];
	[tilespmem:s20+$0x1000] =	vst v7;
	s20 =	smov.u32 s22  }
0x5d: {  	_ =	sdelay $0x3  }
0x5e: {  	v6 =	vadd.s32 v3, v6  }
0x5f: {  	[tilespmem:s20+$0x1000] =	vst v6  }
0x60: {  	[tilespmem:s16], [sflag:$0x1] =	stream.indirect.gather [hbm4b:s3+s15], $0x1, s15, s15, $0xb8;
	[tilespmem:$0x3000] =	vst v63  }
0x61: {  	_ =	swait.ge [sflag:s17], $0x1000  }
0x62: {  	[sflag:s17] =	ssyncset.done $0x0  }
0x63: {  	[sflag:s17] =	ssyncadd.s32 $0xFFFFF000  }
0x64: {  	[hbm4b:s8+s12] =	stream.strided.scatter [tilespmem:s16], [sflag:$0x2], $0x1000, s18, s12, $0x38;
	[tilespmem:$0x3000] =	vst v63  }
0x65: {  	_ =	swait.ge [sflag:s14], $0x1000  }
0x66: {  	[sflag:s14] =	ssyncset.done $0x0  }
0x67: {  	s20 =	simm.s32 $0x0;
	[sflag:s14] =	ssyncadd.s32 $0xFFFFF000  }
0x68: {  	s21 =	simm.s32 $0x40;
	v6 =	vld [tilespmem:s20+$0x0]  }
.LBB2_10:
0x69: {  	p0 =	sne.s32 s21, $0x3FC0  }
.Ltmp4:
0x6a: {  	_ = 	snop;
	(pc) =	sbr.rel @p0 .LBB2_10-.Ltmp4, $3  }
0x6b: {  	_ =	sdelay $0x1  }
0x6c: {  	s22 =	sshra.s32 s21, $0x2;
	s21 =	sadd.s32 $0x40, s21;
	v7 =	vadd.s32 v4, v6  }
0x6d: {  	v6 =	vld [tilespmem:s22+$0x0];
	[tilespmem:s20+$0x1000] =	vst v7;
	s20 =	smov.u32 s22  }
0x6e: {  	_ =	sdelay $0x3  }
0x6f: {  	v6 =	vadd.s32 v4, v6  }
0x70: {  	[tilespmem:s20+$0x1000] =	vst v6  }
0x71: {  	[tilespmem:s16], [sflag:$0x1] =	stream.indirect.gather [hbm4b:s3+s15], $0x1, s15, s15, $0xb8;
	[tilespmem:$0x3000] =	vst v63  }
0x72: {  	_ =	swait.ge [sflag:s17], $0x1000  }
0x73: {  	[sflag:s17] =	ssyncset.done $0x0  }
0x74: {  	[sflag:s17] =	ssyncadd.s32 $0xFFFFF000  }
0x75: {  	[hbm4b:s9+s12] =	stream.strided.scatter [tilespmem:s16], [sflag:$0x2], $0x1000, s18, s12, $0x38;
	[tilespmem:$0x3000] =	vst v63  }
0x76: {  	_ =	swait.ge [sflag:s14], $0x1000  }
0x77: {  	[sflag:s14] =	ssyncset.done $0x0  }
0x78: {  	s20 =	simm.s32 $0x0;
	[sflag:s14] =	ssyncadd.s32 $0xFFFFF000  }
0x79: {  	s21 =	simm.s32 $0x40;
	v6 =	vld [tilespmem:s20+$0x0]  }
.LBB2_12:
0x7a: {  	p0 =	sne.s32 s21, $0x3FC0  }
.Ltmp5:
0x7b: {  	_ = 	snop;
	(pc) =	sbr.rel @p0 .LBB2_12-.Ltmp5, $3  }
0x7c: {  	_ =	sdelay $0x1  }
0x7d: {  	s22 =	sshra.s32 s21, $0x2;
	s21 =	sadd.s32 $0x40, s21;
	v7 =	vadd.s32 v5, v6  }
0x7e: {  	v6 =	vld [tilespmem:s22+$0x0];
	[tilespmem:s20+$0x1000] =	vst v7;
	s20 =	smov.u32 s22  }
0x7f: {  	_ =	sdelay $0x3  }
0x80: {  	v6 =	vadd.s32 v5, v6  }
0x81: {  	[tilespmem:s20+$0x1000] =	vst v6  }
0x82: {  	[tilespmem:s16], [sflag:$0x1] =	stream.indirect.gather [hbm4b:s3+s15], $0x1, s15, s15, $0xb8;
	[tilespmem:$0x3000] =	vst v63  }
0x83: {  	s19 =	sadd.s32 $0x1, s19;
	_ =	swait.ge [sflag:s17], $0x1000  }
0x84: {  	p0 =	sne.s32 s19, s11;
	[sflag:s17] =	ssyncset.done $0x0  }
.Ltmp6:
0x85: {  	[sflag:s17] =	ssyncadd.s32 $0xFFFFF000;
	(pc) =	sbr.rel @p0 .LBB2_1-.Ltmp6, $4  }
0x86: {  	[hbm4b:s10+s12] =	stream.strided.scatter [tilespmem:s16], [sflag:$0x2], $0x1000, s18, s12, $0x38;
	[tilespmem:$0x3000] =	vst v63  }
0x87: {  	_ =	swait.ge [sflag:s14], $0x1000  }
0x88: {  	[sflag:s14] =	ssyncset.done $0x0  }
0x89: {  	[sflag:s14] =	ssyncadd.s32 $0xFFFFF000  }
0x8a: {  	_ =	sfence.sel $0x180000  }
0x8b: {  	[bflag:$0x0] =	sbarrier.arrive $0xFFFF  }
0x8c: {  	p0 =	sne.s32 s0, $0x0;
	_ =	strace $0x90000059  }
0x8d: {  	s0 =	sadd.s32 @!p0 $0x100000, s1;
	[bflag:$0x2] =	sbarrier.arrive $0xFFFF  }
0x8e: {  	[sflag:s0] =	ssyncadd.tile.s32 @!p0 $0x1;
	_ =	shalt  }
.Lfunc_end2:
_tile_overlayer_lowered:
.L_overlay_start_2:
0x8f: {  	(tag) =	ssettag $0x2  }
0x90: {  	s0 =	rddreg [dreg:$0x0];
	s2 =	stileid.u32  }
0x91: {  	s1 =	rddreg [dreg:$0x1];
	p0 =	sne.s32 s2, $0x0  }
0x92: {  	s3 =	rddreg [dreg:$0x2];
	[bflag:$0x3] =	sbarrier.arrive $0xFFFF;
	s2 =	simm.s32 @!p0 $0x1C02  }
0x93: {  	[timem:s3], [sflag:s2] =	dma.local @!p0 [hbm:s0], s1  }
0x94: {  	s0 =	simm.s32 @!p0 $0x2  }
0x95: {  	_ =	swait.ge @!p0 [sflag:s0], s1  }
0x96: {  	s1 =	ssub.s32 @!p0 $0x0, s1;
	[sflag:s0] =	ssyncset.done @!p0 $0x0  }
0x97: {  	[sflag:s0] =	ssyncadd.s32 @!p0 s1  }
0x98: {  	[bflag:$0x3] =	sbarrier.arrive $0xFFFF  }
0x99: {  	_ =	shalt  }

// kernel: sparse-core-data-format-call.cloned.1.call-start
scs
called_computation_lowered:
.L_overlay_start_0:
0x0: {  	s2 =	sld [smem:$0x3FD9]  }
0x1: {  	s3 =	sld [smem:$0x3FFE];
	_ =	sdelay $0x1  }
0x2: {  	s1 =	srdreg.scid  }
0x3: {  	s0 =	sand.u32 $0x1, s1  }
0x4: {  	s18 =	sshll.u32 s0, $0xA;
	s2 =	sadd.s32 s3, s2  }
0x5: {  	s2 =	sadd.s32 s2, s18  }
0x6: {  	[smem:$0x3FC6] =	sst s2  }
0x7: {  	_ = 	snop  }
0x8: {  	s19 =	sld [smem:$0x3FC8];
	(tm) =	ssettm $0x1  }
0x9: {  	s20 =	sld [smem:$0x3FFB];
	_ =	sdelay $0x3  }
0xa: {  	_ =	strace s20  }
0xb: {  	s2 =	sld [smem:$0x3FFC];
	_ =	sdelay $0x3  }
0xc: {  	_ =	strace s2  }
0xd: {  	s2 =	sld [smem:$0x3FFD];
	_ =	sdelay $0x3  }
0xe: {  	_ =	strace s2  }
0xf: {  	_ =	strace $0x8FFFFFFF  }
0x10: {  	s21 =	sld [smem:$0x3FDB];
	_ =	sdelay $0x1  }
0x11: {  	s4 =	simm.s32 $_scs_section_size  }
0x12: {  	s5 =	simm.s32 $_size__tile_overlayer_lowered;
	s6 =	simm.s32 $_tile_overlayer_lowered  }
0x13: {  	s7 =	simm.s32 $0x1BFF;
	s22 =	sshll.u32 s6, $0x1;
	s4 =	sadd.s32 s4, s21  }
0x14: {  	s23 =	simm.s32 $0x0;
	s5 =	sshll.u32 s5, $0x1;
	s6 =	sadd.s32 s22, s4  }
0x15: {  	[timem:s23], [sflag:s7] =	dma.local [hbm:s6], s5  }
0x16: {  	_ =	swait.ge [sflag:s7], s5  }
0x17: {  	s5 =	ssub.s32 $0x0, s5;
	[sflag:s7] =	ssyncset.done $0x0  }
0x18: {  	[sflag:s7] =	ssyncadd.s32 s5;
	_ =	sdelay $0x1  }
0x19: {  	s24 =	simm.s32 $0x1B8B  }
0x1a: {  	_ =	swait.ge [sflag:s24], $0x1  }
0x1b: {  	[sflag:s24] =	ssyncset.done $0x0  }
0x1c: {  	[sflag:s24] =	ssyncadd.s32 $0xFFFFFFFF  }
0x1d: {  	s5 =	sld [smem:$0x0]  }
0x1e: {  	s6 =	sand.u32 $0xFFFFFFFE, s1  }
0x1f: {  	p0 =	sne.s32 s1, s6  }
0x20: {  	s6 =	sshll.u32 @p0 s6, $0xE  }
0x21: {  	s6 =	sadd.s32 @p0 $0x11B8D, s6;
	s7 =	sshll.u32 @p0 s5, $0x11  }
0x22: {  	s6 =	sor.u32 @p0 s7, s6  }
0x23: {  	[sflag:s6] =	ssyncadd.remote.s32 @p0 $0x1;
	_ =	sdelay $0x1  }
0x24: {  	s6 =	simm.s32 @p0 $0x1B8D  }
0x25: {  	_ =	swait.eq @p0 [sflag:s6], $0x1  }
0x26: {  	[sflag:s6] =	ssyncadd.s32 @p0 $0xFFFFFFFF  }
0x27: {  	s7 =	sshll.u32 @!p0 s1, $0xE  }
0x28: {  	s7 =	sor.u32 @!p0 $0x4000, s7;
	s6 =	simm.s32 @!p0 $0x1B8D  }
0x29: {  	s5 =	sshll.u32 @!p0 s5, $0x11;
	s7 =	sadd.s32 @!p0 $0x11B8D, s7;
	_ =	swait.eq @!p0 [sflag:s6], $0x1  }
0x2a: {  	s5 =	sor.u32 @!p0 s5, s7;
	[sflag:s6] =	ssyncadd.s32 @!p0 $0xFFFFFFFF  }
0x2b: {  	s26 =	simm.s32 $0x1B8E;
	s25 =	sld [smem:$0x3FFE];
	[sflag:s5] =	ssyncadd.remote.s32 @!p0 $0x1  }
0x2c: {  	s27 =	simm.s32 $execute0_lowered;
	[smem:$0x3FD2] =	sst s26  }
0x2d: {  	s6 =	sshll.u32 s27, $0x1;
	_ =	strace $0x80000049;
	[dreg:$0x1] =	wrdreg $0xFFFFFFFF  }
0x2e: {  	s28 =	simm.s32 $_size_execute0_lowered;
	s4 =	sadd.s32 s4, s6;
	[dreg:$0x0] =	wrdreg $0x0  }
0x2f: {  	s6 =	sshll.u32 s28, $0x1;
	[dreg:$0x2] =	wrdreg s4  }
0x30: {  	[dreg:$0x3] =	wrdreg s6  }
0x31: {  	[dreg:$0x4] =	wrdreg $0xC0  }
0x32: {  	_ =	task [dreg:s23], $0x5FFFF  }
0x33: {  	[dreg:$0x1] =	wrdreg $0xFFFFFFFF  }
0x34: {  	[dreg:$0x0] =	wrdreg $0x60  }
0x35: {  	[dreg:$0x2] =	wrdreg s19  }
0x36: {  	[dreg:$0x3] =	wrdreg s25  }
0x37: {  	[dreg:$0x4] =	wrdreg $0x9  }
0x38: {  	_ =	task.clear_ibuf [dreg:s23], $0x5FFFF;
	_ =	strace $0x90000049  }
0x39: {  	s29 =	simm.s32 $0x9;
	_ =	strace $0x8000004B  }
0x3a: {  	_ =	swait.ge [sflag:s29], $0x1  }
0x3b: {  	[sflag:s29] =	ssyncadd.s32 $0xFFFFFFFF  }
0x3c: {  	_ =	strace $0x9000004B  }
0x3d: {  	_ =	sfence  }
0x3e: {  	s30 =	sld [smem:$0x0];
	_ =	sdelay $0x2  }
0x3f: {  	s31 =	sshll.u32 s1, $0xD;
	s1 =	sshrl.u32 s1, $0x2  }
0x40: {  	s4 =	sand.u32 $0x4000, s31;
	s1 =	sadd.s32 s1, s30  }
0x41: {  	s0 =	sor.u32 s4, s0;
	s1 =	sshll.u32 s1, $0x11  }
0x42: {  	s0 =	sor.u32 s1, s0  }
0x43: {  	s0 =	sadd.s32 $0x8F2B, s0  }
0x44: {  	[sflag:s0] =	ssyncadd.remote.s32 $0x1  }
0x45: {  	_ =	sfence.sel $0xFFFF  }
0x46: {  	[dreg:$0x0] =	wrdreg $0xFFFFFFFF;
	(pc) =	sbr.abs _section_cstart, $3  }
0x47: {  	[dreg:$0x1] =	wrdreg $0xFFFFFFFF  }
0x48: {  	_ =	task.clear_ibuf [dreg:s23], $0x2FFFF;
	_ =	strace $0x9FFFFFFF  }
0x49: {  	(tm) =	ssettm $0x7FFFFFFF  }
tec
execute0_lowered:
.L_overlay_start_1:
0x0: {  	(tag) =	ssettag $0x1  }
0x1: {  	s0 =	srdreg.scid  }
0x2: {  	s1 =	sshll.u32 s0, $0x4  }
0x3: {  	s2 =	rddreg [dreg:$0x0];
	s0 =	stileid.u32;
	s1 =	sand.u32 $0x10, s1  }
0x4: {  	s4 =	rddreg [dreg:$0x1];
	s7 =	simm.s32 $0x1;
	s1 =	sor.u32 s0, s1  }
0x5: {  	s8 =	simm.s32 $0x2;
	s9 =	simm.s32 $0x0;
	s3 =	sshll.u32 s1, $0x2  }
0x6: {  	s12 =	simm.s32 $0x0;
	s11 =	simm.s32 $0x0;
	s6 =	ssub.s32 $0x3000, s3  }
.Ltmp0:
0x7: {  	s4 =	sadd.s32 $0x3000, s4;
	s5 =	sand.u32 $0x7C, s6;
	(pc) =	sbr.rel .LBB1_1-.Ltmp0, $4  }
0x8: {  	s1 =	rddreg [dreg:$0x2];
	_ =	strace $0x8000004A;
	p0 =	sne.s32 s5, $0x0  }
0x9: {  	s6 =	sshrl.u32 s6, $0x7;
	s5 =	simm.s32 $0x1;
	s7 =	simm.s32 @!p0 $0x0  }
0xa: {  	s10 =	smov.u32 s3;
	[sflag:s5] =	ssyncpa.u1 $0x0;
	s6 =	sadd.s32 s7, s6  }
0xb: {  	[sflag:s8] =	ssyncpa.u1 $0x0;
	s8 =	simm.s32 $0x0;
	s7 =	sadd.s32 $0x1, s6  }
.LBB1_9:
0xc: {  	s14 =	sadd.s32 $0x80, s10  }
0xd: {  	p1 =	sgt.s32 s14, $0x2FFF  }
0xe: {  	s14 =	smov.u32 @p1 s3;
	p1 =	sne.s32 s11, s7  }
.Ltmp1:
0xf: {  	p0 =	slt.u32 s11, $0x2;
	(pc) =	sbr.rel @!p1 .LBB1_10-.Ltmp1, $4  }
0x10: {  	s13 =	simm.s32 @!p0 $0x2  }
0x11: {  	s15 =	sadd.s32 $0x1, s11;
	_ =	swait.ge @!p0 [sflag:s13], $0x4000  }
0x12: {  	s12 =	smov.u32 s10;
	s9 =	sadd.s32 $0x4000, s9;
	[sflag:s13] =	ssyncset.done @!p0 $0x0  }
0x13: {  	s11 =	smov.u32 s15;
	s10 =	smov.u32 s14;
	[sflag:s13] =	ssyncadd.s32 @!p0 $0xFFFFC000  }
.LBB1_1:
0x14: {  	p0 =	sge.u32 s11, s6  }
0x15: {  	s13 =	sxor.u32 @!p0 $0xFFFFFFFF, s11  }
0x16: {  	s31 =	sadd.s32 $0xFFFFFFFF, s11;
	s14 =	sshll.u32 @!p0 s10, $0x9;
	s13 =	sshll.u32 @!p0 s13, $0xE  }
0x17: {  	s15 =	simm.s32 @!p0 $0x0;
	s14 =	sadd.s32 @!p0 s2, s14;
	s13 =	sand.u32 @!p0 $0x4000, s13  }
0x18: {  	[tilespmem:s13], [sflag:$0x1] =	stream.linear.gather @!p0 [hbm4b:s14+s15], $0x4000, $0x38;
	[tilespmem:$0x10000] =	vst v63  }
0x19: {  	p0 =	sge.u32 s31, s6  }
.Ltmp2:
0x1a: {  	_ = 	snop;
	(pc) =	sbr.rel @p0 .LBB1_9-.Ltmp2, $1  }
0x1b: {  	_ =	sdelay $0x3  }
0x1c: {  	s14 =	sand.u32 $0x4000, s9  }
0x1d: {  	_ =	swait.ge [sflag:s5], $0x4000;
	s15 =	sshll.u32 s11, $0xE;
	s16 =	simm.s32 $0x0  }
0x1e: {  	s13 =	sor.u32 $0x40, s14;
	[sflag:s5] =	ssyncset.done $0x0;
	s15 =	sand.u32 $0x4000, s15  }
0x1f: {  	s14 =	sor.u32 $0x8040, s14;
	[sflag:s5] =	ssyncadd.s32 $0xFFFFC000;
	s15 =	sor.u32 $0x8000, s15  }
.LBB1_3:
0x20: {  	s17 =	smov.u32 s14;
	s18 =	smov.u32 s13;
	s19 =	simm.s32 $0x0  }
.LBB1_4:
0x21: {  	v0 =	vmov s17;
	v2 =	vld [tilespmem:s18+$0x30]  }
0x22: {  	v4 =	vld [tilespmem:s18+$0xFFFFFFD0]  }
0x23: {  	v6 =	vld [tilespmem:s18+$0xFFFFFFE0]  }
0x24: {  	v7 =	vld [tilespmem:s18+$0xFFFFFFF0]  }
0x25: {  	s20 =	simm.s32 $0x0;
	v1 =	vld [tilespmem:s18+$0x0]  }
0x26: {  	v3 =	vld [tilespmem:s18+$0x10];
	[tilespmem:v0+s20+$0x30 ss:$0x1] =	vst.idx.msk $0xffff, v2  }
0x27: {  	v5 =	vld [tilespmem:s18+$0x20];
	[tilespmem:v0+s20+$0xFFFFFFD0 ss:$0x1] =	vst.idx.msk $0xffff, v4  }
0x28: {  	s21 =	sadd.s32 $0x80, s18;
	v2 =	vld [tilespmem:s18+$0xFFFFFFC0];
	[tilespmem:v0+s20+$0xFFFFFFE0 ss:$0x1] =	vst.idx.msk $0xffff, v6  }
0x29: {  	s22 =	simm.s32 $0x800;
	s23 =	simm.s32 $0x1000;
	v4 =	vld [tilespmem:s21+$0x30];
	[tilespmem:v0+s20+$0xFFFFFFF0 ss:$0x1] =	vst.idx.msk $0xffff, v7  }
.LBB1_5:
0x2a: {  	p0 =	sne.s32 s23, $0x3800;
	v6 =	vld [tilespmem:s21+$0xFFFFFFD0];
	[tilespmem:v0+s20+$0x0 ss:$0x1] =	vst.idx.msk $0xffff, v1  }
0x2b: {  	v7 =	vld [tilespmem:s21+$0xFFFFFFE0];
	[tilespmem:v0+s20+$0x10 ss:$0x1] =	vst.idx.msk $0xffff, v3  }
0x2c: {  	v8 =	vld [tilespmem:s21+$0xFFFFFFF0];
	[tilespmem:v0+s20+$0x20 ss:$0x1] =	vst.idx.msk $0xffff, v5  }
.Ltmp3:
0x2d: {  	v1 =	vld [tilespmem:s21+$0x0];
	[tilespmem:v0+s20+$0xFFFFFFC0 ss:$0x1] =	vst.idx.msk $0xffff, v2;
	s20 =	sshra.s32 s22, $0x2;
	s22 =	smov.u32 s23;
	(pc) =	sbr.rel @p0 .LBB1_5-.Ltmp3, $4  }
0x2e: {  	v3 =	vld [tilespmem:s21+$0x10];
	[tilespmem:v0+s20+$0x30 ss:$0x1] =	vst.idx.msk $0xffff, v4  }
0x2f: {  	[tilespmem:v0+s20+$0xFFFFFFD0 ss:$0x1] =	vst.idx.msk $0xffff, v6;
	v5 =	vld [tilespmem:s21+$0x20]  }
0x30: {  	v2 =	vld [tilespmem:s21+$0xFFFFFFC0];
	[tilespmem:v0+s20+$0xFFFFFFE0 ss:$0x1] =	vst.idx.msk $0xffff, v7;
	s21 =	sadd.s32 $0x80, s21  }
0x31: {  	s23 =	sadd.s32 $0x800, s23;
	v4 =	vld [tilespmem:s21+$0x30];
	[tilespmem:v0+s20+$0xFFFFFFF0 ss:$0x1] =	vst.idx.msk $0xffff, v8  }
0x32: {  	_ =	sdelay $0x3  }
0x33: {  	v6 =	vld [tilespmem:s21+$0xFFFFFFD0];
	[tilespmem:v0+s20+$0x0 ss:$0x1] =	vst.idx.msk $0xffff, v1  }
0x34: {  	v58 =	vld [tilespmem:s21+$0xFFFFFFE0];
	[tilespmem:v0+s20+$0x10 ss:$0x1] =	vst.idx.msk $0xffff, v3  }
0x35: {  	v59 =	vld [tilespmem:s21+$0xFFFFFFF0];
	[tilespmem:v0+s20+$0x20 ss:$0x1] =	vst.idx.msk $0xffff, v5  }
0x36: {  	s22 =	sshra.s32 s22, $0x2;
	v60 =	vld [tilespmem:s21+$0x0];
	[tilespmem:v0+s20+$0xFFFFFFC0 ss:$0x1] =	vst.idx.msk $0xffff, v2  }
0x37: {  	v61 =	vld [tilespmem:s21+$0x10];
	[tilespmem:v0+s22+$0x30 ss:$0x1] =	vst.idx.msk $0xffff, v4  }
0x38: {  	v62 =	vld [tilespmem:s21+$0x20];
	s19 =	sadd.s32 $0x1, s19;
	[tilespmem:v0+s22+$0xFFFFFFD0 ss:$0x1] =	vst.idx.msk $0xffff, v6  }
0x39: {  	v63 =	vld [tilespmem:s21+$0xFFFFFFC0];
	p0 =	sne.s32 s19, $0x4;
	[tilespmem:v0+s22+$0xFFFFFFE0 ss:$0x1] =	vst.idx.msk $0xffff, v58  }
.Ltmp4:
0x3a: {  	[tilespmem:v0+s22+$0xFFFFFFF0 ss:$0x1] =	vst.idx.msk $0xffff, v59;
	(pc) =	sbr.rel @p0 .LBB1_4-.Ltmp4, $4  }
0x3b: {  	[tilespmem:v0+s22+$0x0 ss:$0x1] =	vst.idx.msk $0xffff, v60  }
0x3c: {  	[tilespmem:v0+s22+$0x10 ss:$0x1] =	vst.idx.msk $0xffff, v61  }
0x3d: {  	[tilespmem:v0+s22+$0x20 ss:$0x1] =	vst.idx.msk $0xffff, v62  }
0x3e: {  	s18 =	sadd.s32 $0x400, s18;
	s17 =	sadd.s32 $0x80, s17;
	[tilespmem:v0+s22+$0xFFFFFFC0 ss:$0x1] =	vst.idx.msk $0xffff, v63  }
0x3f: {  	s16 =	sadd.s32 $0x1, s16  }
0x40: {  	p0 =	sne.s32 s16, $0x4  }
.Ltmp5:
0x41: {  	_ = 	snop;
	(pc) =	sbr.rel @p0 .LBB1_3-.Ltmp5, $2  }
0x42: {  	_ =	sdelay $0x2  }
0x43: {  	s13 =	sadd.s32 $0x1000, s13;
	s14 =	sadd.s32 $0x1000, s14  }
.Ltmp6:
0x44: {  	(pc) =	sbr.rel .LBB1_9-.Ltmp6, $4  }
0x45: {  	_ = 	snop  }
0x46: {  	s12 =	sshll.u32 s12, $0x9  }
0x47: {  	s12 =	sadd.s32 s4, s12  }
0x48: {  	[hbm4b:s12+s8] =	stream.linear.scatter [tilespmem:s15], [sflag:$0x2], $0x4000, $0x38;
	[tilespmem:$0x10000] =	vst v63  }
.LBB1_10:
0x49: {  	_ =	sfence.sel $0x180000  }
0x4a: {  	s2 =	simm.s32 $0x1;
	[bflag:$0x0] =	sbarrier.arrive $0xFFFF  }
0x4b: {  	s31 =	simm.s32 $0x2;
	[sflag:s2] =	ssyncpa.u1 $0x1  }
0x4c: {  	[sflag:s31] =	ssyncpa.u1 $0x1  }
0x4d: {  	p0 =	sne.s32 s0, $0x0;
	_ =	strace $0x9000004A  }
0x4e: {  	s0 =	sadd.s32 @!p0 $0x100000, s1;
	[bflag:$0x2] =	sbarrier.arrive $0xFFFF  }
0x4f: {  	[sflag:s0] =	ssyncadd.tile.s32 @!p0 $0x1;
	_ =	shalt  }
.Lfunc_end1:
_tile_overlayer_lowered:
.L_overlay_start_2:
0x50: {  	(tag) =	ssettag $0x2  }
0x51: {  	s0 =	rddreg [dreg:$0x0];
	s2 =	stileid.u32  }
0x52: {  	s1 =	rddreg [dreg:$0x1];
	p0 =	sne.s32 s2, $0x0  }
0x53: {  	s3 =	rddreg [dreg:$0x2];
	[bflag:$0x3] =	sbarrier.arrive $0xFFFF;
	s2 =	simm.s32 @!p0 $0x1C01  }
0x54: {  	[timem:s3], [sflag:s2] =	dma.local @!p0 [hbm:s0], s1  }
0x55: {  	s0 =	simm.s32 @!p0 $0x1  }
0x56: {  	_ =	swait.ge @!p0 [sflag:s0], s1  }
0x57: {  	s1 =	ssub.s32 @!p0 $0x0, s1;
	[sflag:s0] =	ssyncset.done @!p0 $0x0  }
0x58: {  	[sflag:s0] =	ssyncadd.s32 @!p0 s1  }
0x59: {  	[bflag:$0x3] =	sbarrier.arrive $0xFFFF  }
0x5a: {  	_ =	shalt  }

</sc_bundles>
